<compile_context>
chip_gen: v7x
topology: tpu7x:2x2x1
jax: 0.10.2.dev20260603
libtpu: 0.0.44.dev20260713+nightly
codegen_flags: <defaults>
</compile_context>

<pallas_src>
import functools

import jax
import jax.numpy as jnp
from jax import lax
from jax.experimental import pallas as pl
from jax.experimental.pallas import tpu as pltpu
from jax.experimental.pallas import tpu_sc as plsc

NC = 2
NS = 16
NW = NC * NS
CK = 128


def _make_agg(n, e, k, with_deg):
  nchunks = e // CK
  assert e == nchunks * CK
  cpt = nchunks // NW
  leftover = nchunks - cpt * NW
  assert cpt % 2 == 0 and cpt >= 4 and leftover < NW
  stride = (n - 640) // (NS - 1)
  assert stride % 8 == 0 and stride * (NS - 1) + 640 == n
  rows_per_tile = 640
  full = rows_per_tile // CK
  assert full * CK == rows_per_tile

  mesh = plsc.VectorSubcoreMesh(
      core_axis_name="c", subcore_axis_name="s",
      num_cores=NC, num_subcores=NS)

  out_type = [jax.ShapeDtypeStruct((NC, n, k), jnp.float32)]
  scratch = [
      pltpu.VMEM((CK,), jnp.int32),
      pltpu.VMEM((CK,), jnp.int32),
      pltpu.VMEM((CK,), jnp.int32),
      pltpu.VMEM((CK,), jnp.int32),
      pltpu.VMEM((CK, k), jnp.float32),
      pltpu.VMEM((CK, k), jnp.float32),
      pltpu.VMEM_SHARED((n, k), jnp.float32),
      pltpu.SemaphoreType.DMA,
      pltpu.SemaphoreType.DMA,
      pltpu.SemaphoreType.DMA,
      pltpu.SemaphoreType.DMA,
      pltpu.SemaphoreType.DMA,
      pltpu.SemaphoreType.DMA,
  ]
  if with_deg:
    out_type.append(jax.ShapeDtypeStruct((NC, n, 16), jnp.float32))
    scratch += [
        pltpu.VMEM((CK, 16), jnp.float32),
        pltpu.VMEM_SHARED((n, 16), jnp.float32),
    ]

  def body(g_hbm, src_hbm, dst_hbm, *rest):
    ones_v = dacc = None
    if with_deg:
      (out_hbm, deg_hbm, srcv0, srcv1, dstv0, dstv1, rows0, rows1, acc,
       semi0, semi1, semg0, semg1, sems0, sems1, ones_v, dacc) = rest
    else:
      (out_hbm, srcv0, srcv1, dstv0, dstv1, rows0, rows1, acc,
       semi0, semi1, semg0, semg1, sems0, sems1) = rest
    srcs, dsts = (srcv0, srcv1), (dstv0, dstv1)
    rows = (rows0, rows1)
    semi, semg, sems = (semi0, semi1), (semg0, semg1), (sems0, sems1)
    rows_v = rows0
    cid = lax.axis_index("c")
    sid = lax.axis_index("s")
    wid = cid * NS + sid
    r0 = sid * stride

    zeros16 = jnp.zeros((16,), jnp.float32)

    def zrow(i, c):
      for j in range(k // 16):
        rows_v[i, pl.ds(j * 16, 16)] = zeros16
      return c
    lax.fori_loop(0, CK, zrow, 0)
    for t in range(full):
      pltpu.sync_copy(rows_v.at[pl.ds(0, CK)], acc.at[pl.ds(r0 + t * CK, CK)])

    if with_deg:
      def zdrow(i, c):
        ones_v[i, pl.ds(0, 16)] = zeros16
        return c
      lax.fori_loop(0, CK, zdrow, 0)
      for t in range(full):
        pltpu.sync_copy(ones_v.at[pl.ds(0, CK)],
                        dacc.at[pl.ds(r0 + t * CK, CK)])

      def orow(i, c):
        ones_v[i, pl.ds(0, 16)] = jnp.full((16,), 1.0, jnp.float32)
        return c
      lax.fori_loop(0, CK, orow, 0)

    plsc.subcore_barrier()

    c0 = wid * cpt

    def stage(c, u):
      pltpu.async_copy(src_hbm.at[pl.ds(c * CK, CK)], srcs[u], semi[u])
      pltpu.async_copy(dst_hbm.at[pl.ds(c * CK, CK)], dsts[u], semi[u])
      pltpu.make_async_copy(
          src_hbm.at[pl.ds(c * CK, CK)], srcs[u], semi[u]).wait()
      pltpu.make_async_copy(
          dst_hbm.at[pl.ds(c * CK, CK)], dsts[u], semi[u]).wait()

    def gather_start(u):
      pltpu.async_copy(g_hbm.at[srcs[u]], rows[u], semg[u])

    def gather_wait(u):
      pltpu.make_async_copy(g_hbm.at[srcs[u]], rows[u], semg[u]).wait()

    def scat_start(u):
      pltpu.async_copy(rows[u], acc.at[dsts[u]], sems[u], add=True)
      if with_deg:
        pltpu.async_copy(ones_v, dacc.at[dsts[u]], sems[u], add=True)

    def scat_wait(u):
      pltpu.make_async_copy(rows[u], acc.at[dsts[u]], sems[u]).wait()
      if with_deg:
        pltpu.make_async_copy(ones_v, dacc.at[dsts[u]], sems[u]).wait()

    stage(c0, 0)
    gather_start(0)
    stage(c0 + 1, 1)
    gather_start(1)
    gather_wait(0)
    scat_start(0)

    def sbody(j, c):
      a = c0 + 2 * j
      scat_wait(0)
      stage(a, 0)
      gather_start(0)
      gather_wait(1)
      scat_start(1)
      scat_wait(1)
      stage(a + 1, 1)
      gather_start(1)
      gather_wait(0)
      scat_start(0)
      return c
    lax.fori_loop(1, cpt // 2, sbody, 0)

    scat_wait(0)
    gather_wait(1)
    scat_start(1)
    scat_wait(1)

    @pl.when(wid < leftover)
    def _():
      lc = NW * cpt + wid
      pltpu.sync_copy(src_hbm.at[pl.ds(lc * CK, CK)], srcs[0])
      pltpu.sync_copy(dst_hbm.at[pl.ds(lc * CK, CK)], dsts[0])
      pltpu.async_copy(g_hbm.at[srcs[0]], rows[0], semg[0]).wait()
      pltpu.sync_copy(rows[0], acc.at[dsts[0]], add=True)
      if with_deg:
        pltpu.sync_copy(ones_v, dacc.at[dsts[0]], add=True)

    plsc.subcore_barrier()

    pltpu.sync_copy(acc.at[pl.ds(r0, rows_per_tile)],
                    out_hbm.at[cid, pl.ds(r0, rows_per_tile)])
    if with_deg:
      pltpu.sync_copy(dacc.at[pl.ds(r0, rows_per_tile)],
                      deg_hbm.at[cid, pl.ds(r0, rows_per_tile)])

  return pl.kernel(body, out_type=out_type, mesh=mesh, scratch_types=scratch,
                   compiler_params=pltpu.CompilerParams(
                       use_tc_tiling_on_sc=False))


_BR = 2000


def _mm_body(x_ref, w_ref, o_ref):
  o_ref[...] = jnp.dot(x_ref[...], w_ref[...],
                       preferred_element_type=jnp.float32)


def _fuse_body(s_ref, d_ref, b_ref, w_ref, o_ref):
  s = s_ref[0] + s_ref[1]
  deg = d_ref[0] + d_ref[1]
  inv = 1.0 / jnp.maximum(deg[:, 0:1], 1.0)
  h = jnp.maximum(s * inv + b_ref[...], 0.0)
  o_ref[...] = jnp.dot(h, w_ref[...], preferred_element_type=jnp.float32)


def _act_body(s_ref, d_ref, b_ref, o_ref):
  s = s_ref[0] + s_ref[1]
  deg = d_ref[0] + d_ref[1]
  inv = 1.0 / jnp.maximum(deg[:, 0:1], 1.0)
  o_ref[...] = jnp.maximum(s * inv + b_ref[...], 0.0)


def _final_body(s_ref, d_ref, b_ref, w_ref, o_ref):
  s = s_ref[0] + s_ref[1]
  deg = d_ref[0] + d_ref[1]
  inv = 1.0 / jnp.maximum(deg[:, 0:1], 1.0)
  o_ref[...] = jnp.dot(s * inv, w_ref[...],
                       preferred_element_type=jnp.float32) + b_ref[...]


def _mm(x, w):
  n, d = x.shape
  ko = w.shape[1]
  return pl.pallas_call(
      _mm_body,
      grid=(n // _BR,),
      in_specs=[
          pl.BlockSpec((_BR, d), lambda i: (i, 0)),
          pl.BlockSpec((d, ko), lambda i: (0, 0)),
      ],
      out_specs=pl.BlockSpec((_BR, ko), lambda i: (i, 0)),
      out_shape=jax.ShapeDtypeStruct((n, ko), jnp.float32),
  )(x, w)


def _fuse(sums, degp, b, w):
  _, n, k = sums.shape
  ko = w.shape[1]
  return pl.pallas_call(
      _fuse_body,
      grid=(n // _BR,),
      in_specs=[
          pl.BlockSpec((NC, _BR, k), lambda i: (0, i, 0)),
          pl.BlockSpec((NC, _BR, 16), lambda i: (0, i, 0)),
          pl.BlockSpec((1, k), lambda i: (0, 0)),
          pl.BlockSpec((k, ko), lambda i: (0, 0)),
      ],
      out_specs=pl.BlockSpec((_BR, ko), lambda i: (i, 0)),
      out_shape=jax.ShapeDtypeStruct((n, ko), jnp.float32),
  )(sums, degp, b, w)


def _act(sums, degp, b):
  _, n, k = sums.shape
  return pl.pallas_call(
      _act_body,
      grid=(n // _BR,),
      in_specs=[
          pl.BlockSpec((NC, _BR, k), lambda i: (0, i, 0)),
          pl.BlockSpec((NC, _BR, 16), lambda i: (0, i, 0)),
          pl.BlockSpec((1, k), lambda i: (0, 0)),
      ],
      out_specs=pl.BlockSpec((_BR, k), lambda i: (i, 0)),
      out_shape=jax.ShapeDtypeStruct((n, k), jnp.float32),
  )(sums, degp, b)


def _final(sums, degp, b, w):
  _, n, k = sums.shape
  ko = w.shape[1]
  return pl.pallas_call(
      _final_body,
      grid=(n // _BR,),
      in_specs=[
          pl.BlockSpec((NC, _BR, k), lambda i: (0, i, 0)),
          pl.BlockSpec((NC, _BR, 16), lambda i: (0, i, 0)),
          pl.BlockSpec((1, ko), lambda i: (0, 0)),
          pl.BlockSpec((k, ko), lambda i: (0, 0)),
      ],
      out_specs=pl.BlockSpec((_BR, ko), lambda i: (i, 0)),
      out_shape=jax.ShapeDtypeStruct((n, ko), jnp.float32),
  )(sums, degp, b, w)


def kernel(x, edge_index, W0, b0, W1, b1, W2, b2):
  n, d = x.shape
  e = edge_index.shape[1]
  h = W0.shape[1]
  c = W2.shape[1]
  chunks = e // (NW * CK)

  src3 = edge_index[0]
  dst3 = edge_index[1]

  del c
  agg_d_deg = _make_agg(n, e, d, with_deg=True)
  agg_h = _make_agg(n, e, h, with_deg=False)

  g0 = _mm(x, W0)
  s0, degp = agg_d_deg(g0, src3, dst3)
  g1 = _fuse(s0, degp, b0.reshape(1, -1), W1)
  (s1,) = agg_h(g1, src3, dst3)
  h2 = _act(s1, degp, b1.reshape(1, -1))
  (s2,) = agg_h(h2, src3, dst3)
  return _final(s2, degp, b2.reshape(1, -1), W2)

# --- scband reference (transcript-rebuilt; emitter-appended) ---
"""Pipeline reference for scband-gcnsampling-91302414778942 (READ-ONLY COPY).

The authoritative reference and input builder live on the scoring server;
editing this copy changes nothing except your own understanding.
"""

import jax, jax.numpy as jnp
import numpy as np

N = 10000
E = 320000
D = 128
H = 128
C = 64


def setup_inputs(seed: int = 0) -> dict:
    key = jax.random.key(seed)
    ks = jax.random.split(key, 9)
    x = jax.random.normal(ks[0], (N, D), dtype=jnp.float32)
    edge_index = jax.random.randint(ks[1], (2, E), 0, N, dtype=jnp.int32)
    # learned parameters for the 3 NodeUpdate layers (n_layers=2 hidden + 1 output)
    W0 = jax.random.normal(ks[2], (D, H), dtype=jnp.float32) * (1.0 / np.sqrt(D))
    b0 = jnp.zeros((H,), dtype=jnp.float32)
    W1 = jax.random.normal(ks[3], (H, H), dtype=jnp.float32) * (1.0 / np.sqrt(H))
    b1 = jnp.zeros((H,), dtype=jnp.float32)
    W2 = jax.random.normal(ks[4], (H, C), dtype=jnp.float32) * (1.0 / np.sqrt(H))
    b2 = jnp.zeros((C,), dtype=jnp.float32)
    return {"x": x, "edge_index": edge_index, "W0": W0, "b0": b0, "W1": W1, "b1": b1, "W2": W2, "b2": b2}


def _mean_aggregate(h, src, dst):
    # fn.copy_src(src='h', out='m') + fn.mean(msg='m', out='h')
    msg = jnp.take(h, src, axis=0)  # gather source features along edges
    summed = jax.ops.segment_sum(msg, dst, num_segments=N)
    deg = jax.ops.segment_sum(jnp.ones((E,), dtype=h.dtype), dst, num_segments=N)
    return summed / jnp.clip(deg, 1.0)[:, None]


def reference(x, edge_index, W0, b0, W1, b1, W2, b2):
    src = edge_index[0]
    dst = edge_index[1]
    # layer 0: mean MP -> linear -> relu (NodeUpdate(in_feats, n_hidden, relu))
    h = _mean_aggregate(x, src, dst)
    h = h @ W0 + b0
    h = jax.nn.relu(h)
    # layer 1: mean MP -> linear -> relu (NodeUpdate(n_hidden, n_hidden, relu))
    h = _mean_aggregate(h, src, dst)
    h = h @ W1 + b1
    h = jax.nn.relu(h)
    # layer 2 (output): mean MP -> linear, no activation (NodeUpdate(n_hidden, n_classes))
    h = _mean_aggregate(h, src, dst)
    h = h @ W2 + b2
    return h

if __name__ == "__main__":
    import jax
    _d = setup_inputs()
    print(jax.jit(kernel)(*tuple(_d.values())))

</pallas_src>

<mosaic_0001>
#map = affine_map<(d0, d1) -> (0, 0)>
#map1 = affine_map<(d0, d1) -> (0)>
#map2 = affine_map<(d0, d1) -> (0, 0, 0)>
module attributes {stable_mosaic.version = 14 : i64} {
  func.func @body(%arg0: i32, %arg1: i32, %arg2: memref<10000x128xf32, #tpu.memory_space<hbm>>, %arg3: memref<320000xi32, #tpu.memory_space<hbm>>, %arg4: memref<320000xi32, #tpu.memory_space<hbm>>, %arg5: memref<2x10000x128xf32, #tpu.memory_space<hbm>>, %arg6: memref<128xi32, #tpu.memory_space<vmem>>, %arg7: memref<128xi32, #tpu.memory_space<vmem>>, %arg8: memref<128xi32, #tpu.memory_space<vmem>>, %arg9: memref<128xi32, #tpu.memory_space<vmem>>, %arg10: memref<128x128xf32, #tpu.memory_space<vmem>>, %arg11: memref<128x128xf32, #tpu.memory_space<vmem>>, %arg12: memref<10000x128xf32, #tpu.memory_space<vmem_shared>>, %arg13: memref<!tpu.dma_semaphore, #tpu.memory_space<semaphore_mem>>, %arg14: memref<!tpu.dma_semaphore, #tpu.memory_space<semaphore_mem>>, %arg15: memref<!tpu.dma_semaphore, #tpu.memory_space<semaphore_mem>>, %arg16: memref<!tpu.dma_semaphore, #tpu.memory_space<semaphore_mem>>, %arg17: memref<!tpu.dma_semaphore, #tpu.memory_space<semaphore_mem>>, %arg18: memref<!tpu.dma_semaphore, #tpu.memory_space<semaphore_mem>>) attributes {dimension_semantics = [#tpu.dimension_semantics<core_parallel>, #tpu.dimension_semantics<subcore_parallel>], iteration_bounds = array<i64: 2, 16>, scalar_prefetch = 0 : i64, scratch_operands = 13 : i64, tpu.core_type = #tpu.core_type<sc_vector_subcore>, window_params = [{transform_indices = #map}, {transform_indices = #map1}, {transform_indices = #map1}, {transform_indices = #map2}]} {
    %mul3A = arith.constant 16 : i32
    %mul3A_0 = arith.muli %arg0, %mul3A : i32
    %add3A = arith.addi %mul3A_0, %arg1 : i32
    %mul3A_1 = arith.constant 624 : i32
    %mul3A_2 = arith.muli %arg1, %mul3A_1 : i32
    %broadcast_in_dim3A = arith.constant 0.000000e+00 : f32
    %broadcast_in_dim3A_3 = vector.broadcast %broadcast_in_dim3A : f32 to vector<16xf32>
    %scan3A = arith.constant 0 : i32
    %scan3A_4 = arith.constant 0 : i32
    %scan3A_5 = arith.constant 128 : i32
    %scan3A_6 = arith.addi %scan3A_4, %scan3A_5 : i32
    %scan3A_7 = arith.constant 1 : i32
    scf.for %scan3A_86 = %scan3A_4 to %scan3A_6 step %scan3A_7  : i32 {
      %swap3A = arith.index_cast %scan3A_86 : i32 to index
      %swap3A_87 = arith.constant 0 : index
      %swap3A_88 = tpu.vector_load %arg10[%swap3A, %swap3A_87] {strides = array<i32>} : memref<128x128xf32, #tpu.memory_space<vmem>>, vector<1x16xf32>,
      %swap3A_89 = vector.shape_cast %swap3A_88 : vector<1x16xf32> to vector<16xf32>
      %swap3A_90 = vector.shape_cast %broadcast_in_dim3A_3 : vector<16xf32> to vector<1x16xf32>
      tpu.vector_store %arg10[%swap3A, %swap3A_87], %swap3A_90 {strides = array<i32>} : memref<128x128xf32, #tpu.memory_space<vmem>>, vector<1x16xf32>,
      %swap3A_91 = arith.index_cast %scan3A_86 : i32 to index
      %swap3A_92 = arith.constant 16 : index
      %swap3A_93 = tpu.vector_load %arg10[%swap3A_91, %swap3A_92] {strides = array<i32>} : memref<128x128xf32, #tpu.memory_space<vmem>>, vector<1x16xf32>,
      %swap3A_94 = vector.shape_cast %swap3A_93 : vector<1x16xf32> to vector<16xf32>
      %swap3A_95 = vector.shape_cast %broadcast_in_dim3A_3 : vector<16xf32> to vector<1x16xf32>
      tpu.vector_store %arg10[%swap3A_91, %swap3A_92], %swap3A_95 {strides = array<i32>} : memref<128x128xf32, #tpu.memory_space<vmem>>, vector<1x16xf32>,
      %swap3A_96 = arith.index_cast %scan3A_86 : i32 to index
      %swap3A_97 = arith.constant 32 : index
      %swap3A_98 = tpu.vector_load %arg10[%swap3A_96, %swap3A_97] {strides = array<i32>} : memref<128x128xf32, #tpu.memory_space<vmem>>, vector<1x16xf32>,
      %swap3A_99 = vector.shape_cast %swap3A_98 : vector<1x16xf32> to vector<16xf32>
      %swap3A_100 = vector.shape_cast %broadcast_in_dim3A_3 : vector<16xf32> to vector<1x16xf32>
      tpu.vector_store %arg10[%swap3A_96, %swap3A_97], %swap3A_100 {strides = array<i32>} : memref<128x128xf32, #tpu.memory_space<vmem>>, vector<1x16xf32>,
      %swap3A_101 = arith.index_cast %scan3A_86 : i32 to index
      %swap3A_102 = arith.constant 48 : index
      %swap3A_103 = tpu.vector_load %arg10[%swap3A_101, %swap3A_102] {strides = array<i32>} : memref<128x128xf32, #tpu.memory_space<vmem>>, vector<1x16xf32>,
      %swap3A_104 = vector.shape_cast %swap3A_103 : vector<1x16xf32> to vector<16xf32>
      %swap3A_105 = vector.shape_cast %broadcast_in_dim3A_3 : vector<16xf32> to vector<1x16xf32>
      tpu.vector_store %arg10[%swap3A_101, %swap3A_102], %swap3A_105 {strides = array<i32>} : memref<128x128xf32, #tpu.memory_space<vmem>>, vector<1x16xf32>,
      %swap3A_106 = arith.index_cast %scan3A_86 : i32 to index
      %swap3A_107 = arith.constant 64 : index
      %swap3A_108 = tpu.vector_load %arg10[%swap3A_106, %swap3A_107] {strides = array<i32>} : memref<128x128xf32, #tpu.memory_space<vmem>>, vector<1x16xf32>,
      %swap3A_109 = vector.shape_cast %swap3A_108 : vector<1x16xf32> to vector<16xf32>
      %swap3A_110 = vector.shape_cast %broadcast_in_dim3A_3 : vector<16xf32> to vector<1x16xf32>
      tpu.vector_store %arg10[%swap3A_106, %swap3A_107], %swap3A_110 {strides = array<i32>} : memref<128x128xf32, #tpu.memory_space<vmem>>, vector<1x16xf32>,
      %swap3A_111 = arith.index_cast %scan3A_86 : i32 to index
      %swap3A_112 = arith.constant 80 : index
      %swap3A_113 = tpu.vector_load %arg10[%swap3A_111, %swap3A_112] {strides = array<i32>} : memref<128x128xf32, #tpu.memory_space<vmem>>, vector<1x16xf32>,
      %swap3A_114 = vector.shape_cast %swap3A_113 : vector<1x16xf32> to vector<16xf32>
      %swap3A_115 = vector.shape_cast %broadcast_in_dim3A_3 : vector<16xf32> to vector<1x16xf32>
      tpu.vector_store %arg10[%swap3A_111, %swap3A_112], %swap3A_115 {strides = array<i32>} : memref<128x128xf32, #tpu.memory_space<vmem>>, vector<1x16xf32>,
      %swap3A_116 = arith.index_cast %scan3A_86 : i32 to index
      %swap3A_117 = arith.constant 96 : index
      %swap3A_118 = tpu.vector_load %arg10[%swap3A_116, %swap3A_117] {strides = array<i32>} : memref<128x128xf32, #tpu.memory_space<vmem>>, vector<1x16xf32>,
      %swap3A_119 = vector.shape_cast %swap3A_118 : vector<1x16xf32> to vector<16xf32>
      %swap3A_120 = vector.shape_cast %broadcast_in_dim3A_3 : vector<16xf32> to vector<1x16xf32>
      tpu.vector_store %arg10[%swap3A_116, %swap3A_117], %swap3A_120 {strides = array<i32>} : memref<128x128xf32, #tpu.memory_space<vmem>>, vector<1x16xf32>,
      %swap3A_121 = arith.index_cast %scan3A_86 : i32 to index
      %swap3A_122 = arith.constant 112 : index
      %swap3A_123 = tpu.vector_load %arg10[%swap3A_121, %swap3A_122] {strides = array<i32>} : memref<128x128xf32, #tpu.memory_space<vmem>>, vector<1x16xf32>,
      %swap3A_124 = vector.shape_cast %swap3A_123 : vector<1x16xf32> to vector<16xf32>
      %swap3A_125 = vector.shape_cast %broadcast_in_dim3A_3 : vector<16xf32> to vector<1x16xf32>
      tpu.vector_store %arg10[%swap3A_121, %swap3A_122], %swap3A_125 {strides = array<i32>} : memref<128x128xf32, #tpu.memory_space<vmem>>, vector<1x16xf32>,
    }
    %scan3A_8 = arith.constant 128 : i32
    %add3A_9 = arith.constant 0 : i32
    %add3A_10 = arith.addi %mul3A_2, %add3A_9 : i32
    "tpu.region"() ({
      %run_scoped3A = tpu.sem_alloc : memref<!tpu.dma_semaphore, #tpu.memory_space<semaphore_mem>>
      %dma_start3A_86 = arith.constant 0 : i32
      %dma_start3A_87 = arith.constant 0 : i32
      %dma_start3A_88 = tpu.memref_slice %arg10[%dma_start3A_86, %dma_start3A_87] : memref<128x128xf32, #tpu.memory_space<vmem>> -> memref<128x128xf32, #tpu.memory_space<vmem>>
      %dma_start3A_89 = arith.constant 0 : i32
      %dma_start3A_90 = tpu.memref_slice %arg12[%add3A_10, %dma_start3A_89] : memref<10000x128xf32, #tpu.memory_space<vmem_shared>> -> memref<128x128xf32, #tpu.memory_space<vmem_shared>>
      %dma_start3A_91 = arith.constant 0 : i32
      %dma_start3A_92 = tpu.memref_slice %arg12[%add3A_10, %dma_start3A_91] : memref<10000x128xf32, #tpu.memory_space<vmem_shared>> -> memref<128x128xf32, #tpu.memory_space<vmem_shared>>
      %dma_start3A_93 = arith.constant 0 : i32
      %dma_start3A_94 = arith.constant 0 : i32
      %dma_start3A_95 = tpu.memref_slice %arg10[%dma_start3A_93, %dma_start3A_94] : memref<128x128xf32, #tpu.memory_space<vmem>> -> memref<128x128xf32, #tpu.memory_space<vmem>>
      tpu.enqueue_dma source(%dma_start3A_95 : memref<128x128xf32, #tpu.memory_space<vmem>>) target(%dma_start3A_92 : memref<128x128xf32, #tpu.memory_space<vmem_shared>>) target_semaphore(%run_scoped3A : memref<!tpu.dma_semaphore, #tpu.memory_space<semaphore_mem>>)
      %dma_wait3A_96 = arith.constant 0 : i32
      %dma_wait3A_97 = arith.constant 0 : i32
      %dma_wait3A_98 = tpu.memref_slice %arg10[%dma_wait3A_96, %dma_wait3A_97] : memref<128x128xf32, #tpu.memory_space<vmem>> -> memref<128x128xf32, #tpu.memory_space<vmem>>
      %dma_wait3A_99 = arith.constant 0 : i32
      %dma_wait3A_100 = tpu.memref_slice %arg12[%add3A_10, %dma_wait3A_99] : memref<10000x128xf32, #tpu.memory_space<vmem_shared>> -> memref<128x128xf32, #tpu.memory_space<vmem_shared>>
      %dma_wait3A_101 = arith.constant 0 : i32
      %dma_wait3A_102 = tpu.memref_slice %arg12[%add3A_10, %dma_wait3A_101] : memref<10000x128xf32, #tpu.memory_space<vmem_shared>> -> memref<128x128xf32, #tpu.memory_space<vmem_shared>>
      %dma_wait3A_103 = arith.constant 0 : i32
      %dma_wait3A_104 = arith.constant 0 : i32
      %dma_wait3A_105 = tpu.memref_slice %arg10[%dma_wait3A_103, %dma_wait3A_104] : memref<128x128xf32, #tpu.memory_space<vmem>> -> memref<128x128xf32, #tpu.memory_space<vmem>>
      tpu.wait_dma2 semaphore(%run_scoped3A : memref<!tpu.dma_semaphore, #tpu.memory_space<semaphore_mem>>) src(%dma_wait3A_105 : memref<128x128xf32, #tpu.memory_space<vmem>>) dst(%dma_wait3A_102 : memref<128x128xf32, #tpu.memory_space<vmem_shared>>)
      tpu.yield
    }) : () -> ()
    %add3A_11 = arith.constant 128 : i32
    %add3A_12 = arith.addi %mul3A_2, %add3A_11 : i32
    "tpu.region"() ({
      %run_scoped3A = tpu.sem_alloc : memref<!tpu.dma_semaphore, #tpu.memory_space<semaphore_mem>>
      %dma_start3A_86 = arith.constant 0 : i32
      %dma_start3A_87 = arith.constant 0 : i32
      %dma_start3A_88 = tpu.memref_slice %arg10[%dma_start3A_86, %dma_start3A_87] : memref<128x128xf32, #tpu.memory_space<vmem>> -> memref<128x128xf32, #tpu.memory_space<vmem>>
      %dma_start3A_89 = arith.constant 0 : i32
      %dma_start3A_90 = tpu.memref_slice %arg12[%add3A_12, %dma_start3A_89] : memref<10000x128xf32, #tpu.memory_space<vmem_shared>> -> memref<128x128xf32, #tpu.memory_space<vmem_shared>>
      %dma_start3A_91 = arith.constant 0 : i32
      %dma_start3A_92 = tpu.memref_slice %arg12[%add3A_12, %dma_start3A_91] : memref<10000x128xf32, #tpu.memory_space<vmem_shared>> -> memref<128x128xf32, #tpu.memory_space<vmem_shared>>
      %dma_start3A_93 = arith.constant 0 : i32
      %dma_start3A_94 = arith.constant 0 : i32
      %dma_start3A_95 = tpu.memref_slice %arg10[%dma_start3A_93, %dma_start3A_94] : memref<128x128xf32, #tpu.memory_space<vmem>> -> memref<128x128xf32, #tpu.memory_space<vmem>>
      tpu.enqueue_dma source(%dma_start3A_95 : memref<128x128xf32, #tpu.memory_space<vmem>>) target(%dma_start3A_92 : memref<128x128xf32, #tpu.memory_space<vmem_shared>>) target_semaphore(%run_scoped3A : memref<!tpu.dma_semaphore, #tpu.memory_space<semaphore_mem>>)
      %dma_wait3A_96 = arith.constant 0 : i32
      %dma_wait3A_97 = arith.constant 0 : i32
      %dma_wait3A_98 = tpu.memref_slice %arg10[%dma_wait3A_96, %dma_wait3A_97] : memref<128x128xf32, #tpu.memory_space<vmem>> -> memref<128x128xf32, #tpu.memory_space<vmem>>
      %dma_wait3A_99 = arith.constant 0 : i32
      %dma_wait3A_100 = tpu.memref_slice %arg12[%add3A_12, %dma_wait3A_99] : memref<10000x128xf32, #tpu.memory_space<vmem_shared>> -> memref<128x128xf32, #tpu.memory_space<vmem_shared>>
      %dma_wait3A_101 = arith.constant 0 : i32
      %dma_wait3A_102 = tpu.memref_slice %arg12[%add3A_12, %dma_wait3A_101] : memref<10000x128xf32, #tpu.memory_space<vmem_shared>> -> memref<128x128xf32, #tpu.memory_space<vmem_shared>>
      %dma_wait3A_103 = arith.constant 0 : i32
      %dma_wait3A_104 = arith.constant 0 : i32
      %dma_wait3A_105 = tpu.memref_slice %arg10[%dma_wait3A_103, %dma_wait3A_104] : memref<128x128xf32, #tpu.memory_space<vmem>> -> memref<128x128xf32, #tpu.memory_space<vmem>>
      tpu.wait_dma2 semaphore(%run_scoped3A : memref<!tpu.dma_semaphore, #tpu.memory_space<semaphore_mem>>) src(%dma_wait3A_105 : memref<128x128xf32, #tpu.memory_space<vmem>>) dst(%dma_wait3A_102 : memref<128x128xf32, #tpu.memory_space<vmem_shared>>)
      tpu.yield
    }) : () -> ()
    %add3A_13 = arith.constant 256 : i32
    %add3A_14 = arith.addi %mul3A_2, %add3A_13 : i32
    "tpu.region"() ({
      %run_scoped3A = tpu.sem_alloc : memref<!tpu.dma_semaphore, #tpu.memory_space<semaphore_mem>>
      %dma_start3A_86 = arith.constant 0 : i32
      %dma_start3A_87 = arith.constant 0 : i32
      %dma_start3A_88 = tpu.memref_slice %arg10[%dma_start3A_86, %dma_start3A_87] : memref<128x128xf32, #tpu.memory_space<vmem>> -> memref<128x128xf32, #tpu.memory_space<vmem>>
      %dma_start3A_89 = arith.constant 0 : i32
      %dma_start3A_90 = tpu.memref_slice %arg12[%add3A_14, %dma_start3A_89] : memref<10000x128xf32, #tpu.memory_space<vmem_shared>> -> memref<128x128xf32, #tpu.memory_space<vmem_shared>>
      %dma_start3A_91 = arith.constant 0 : i32
      %dma_start3A_92 = tpu.memref_slice %arg12[%add3A_14, %dma_start3A_91] : memref<10000x128xf32, #tpu.memory_space<vmem_shared>> -> memref<128x128xf32, #tpu.memory_space<vmem_shared>>
      %dma_start3A_93 = arith.constant 0 : i32
      %dma_start3A_94 = arith.constant 0 : i32
      %dma_start3A_95 = tpu.memref_slice %arg10[%dma_start3A_93, %dma_start3A_94] : memref<128x128xf32, #tpu.memory_space<vmem>> -> memref<128x128xf32, #tpu.memory_space<vmem>>
      tpu.enqueue_dma source(%dma_start3A_95 : memref<128x128xf32, #tpu.memory_space<vmem>>) target(%dma_start3A_92 : memref<128x128xf32, #tpu.memory_space<vmem_shared>>) target_semaphore(%run_scoped3A : memref<!tpu.dma_semaphore, #tpu.memory_space<semaphore_mem>>)
      %dma_wait3A_96 = arith.constant 0 : i32
      %dma_wait3A_97 = arith.constant 0 : i32
      %dma_wait3A_98 = tpu.memref_slice %arg10[%dma_wait3A_96, %dma_wait3A_97] : memref<128x128xf32, #tpu.memory_space<vmem>> -> memref<128x128xf32, #tpu.memory_space<vmem>>
      %dma_wait3A_99 = arith.constant 0 : i32
      %dma_wait3A_100 = tpu.memref_slice %arg12[%add3A_14, %dma_wait3A_99] : memref<10000x128xf32, #tpu.memory_space<vmem_shared>> -> memref<128x128xf32, #tpu.memory_space<vmem_shared>>
      %dma_wait3A_101 = arith.constant 0 : i32
      %dma_wait3A_102 = tpu.memref_slice %arg12[%add3A_14, %dma_wait3A_101] : memref<10000x128xf32, #tpu.memory_space<vmem_shared>> -> memref<128x128xf32, #tpu.memory_space<vmem_shared>>
      %dma_wait3A_103 = arith.constant 0 : i32
      %dma_wait3A_104 = arith.constant 0 : i32
      %dma_wait3A_105 = tpu.memref_slice %arg10[%dma_wait3A_103, %dma_wait3A_104] : memref<128x128xf32, #tpu.memory_space<vmem>> -> memref<128x128xf32, #tpu.memory_space<vmem>>
      tpu.wait_dma2 semaphore(%run_scoped3A : memref<!tpu.dma_semaphore, #tpu.memory_space<semaphore_mem>>) src(%dma_wait3A_105 : memref<128x128xf32, #tpu.memory_space<vmem>>) dst(%dma_wait3A_102 : memref<128x128xf32, #tpu.memory_space<vmem_shared>>)
      tpu.yield
    }) : () -> ()
    %add3A_15 = arith.constant 384 : i32
    %add3A_16 = arith.addi %mul3A_2, %add3A_15 : i32
    "tpu.region"() ({
      %run_scoped3A = tpu.sem_alloc : memref<!tpu.dma_semaphore, #tpu.memory_space<semaphore_mem>>
      %dma_start3A_86 = arith.constant 0 : i32
      %dma_start3A_87 = arith.constant 0 : i32
      %dma_start3A_88 = tpu.memref_slice %arg10[%dma_start3A_86, %dma_start3A_87] : memref<128x128xf32, #tpu.memory_space<vmem>> -> memref<128x128xf32, #tpu.memory_space<vmem>>
      %dma_start3A_89 = arith.constant 0 : i32
      %dma_start3A_90 = tpu.memref_slice %arg12[%add3A_16, %dma_start3A_89] : memref<10000x128xf32, #tpu.memory_space<vmem_shared>> -> memref<128x128xf32, #tpu.memory_space<vmem_shared>>
      %dma_start3A_91 = arith.constant 0 : i32
      %dma_start3A_92 = tpu.memref_slice %arg12[%add3A_16, %dma_start3A_91] : memref<10000x128xf32, #tpu.memory_space<vmem_shared>> -> memref<128x128xf32, #tpu.memory_space<vmem_shared>>
      %dma_start3A_93 = arith.constant 0 : i32
      %dma_start3A_94 = arith.constant 0 : i32
      %dma_start3A_95 = tpu.memref_slice %arg10[%dma_start3A_93, %dma_start3A_94] : memref<128x128xf32, #tpu.memory_space<vmem>> -> memref<128x128xf32, #tpu.memory_space<vmem>>
      tpu.enqueue_dma source(%dma_start3A_95 : memref<128x128xf32, #tpu.memory_space<vmem>>) target(%dma_start3A_92 : memref<128x128xf32, #tpu.memory_space<vmem_shared>>) target_semaphore(%run_scoped3A : memref<!tpu.dma_semaphore, #tpu.memory_space<semaphore_mem>>)
      %dma_wait3A_96 = arith.constant 0 : i32
      %dma_wait3A_97 = arith.constant 0 : i32
      %dma_wait3A_98 = tpu.memref_slice %arg10[%dma_wait3A_96, %dma_wait3A_97] : memref<128x128xf32, #tpu.memory_space<vmem>> -> memref<128x128xf32, #tpu.memory_space<vmem>>
      %dma_wait3A_99 = arith.constant 0 : i32
      %dma_wait3A_100 = tpu.memref_slice %arg12[%add3A_16, %dma_wait3A_99] : memref<10000x128xf32, #tpu.memory_space<vmem_shared>> -> memref<128x128xf32, #tpu.memory_space<vmem_shared>>
      %dma_wait3A_101 = arith.constant 0 : i32
      %dma_wait3A_102 = tpu.memref_slice %arg12[%add3A_16, %dma_wait3A_101] : memref<10000x128xf32, #tpu.memory_space<vmem_shared>> -> memref<128x128xf32, #tpu.memory_space<vmem_shared>>
      %dma_wait3A_103 = arith.constant 0 : i32
      %dma_wait3A_104 = arith.constant 0 : i32
      %dma_wait3A_105 = tpu.memref_slice %arg10[%dma_wait3A_103, %dma_wait3A_104] : memref<128x128xf32, #tpu.memory_space<vmem>> -> memref<128x128xf32, #tpu.memory_space<vmem>>
      tpu.wait_dma2 semaphore(%run_scoped3A : memref<!tpu.dma_semaphore, #tpu.memory_space<semaphore_mem>>) src(%dma_wait3A_105 : memref<128x128xf32, #tpu.memory_space<vmem>>) dst(%dma_wait3A_102 : memref<128x128xf32, #tpu.memory_space<vmem_shared>>)
      tpu.yield
    }) : () -> ()
    %add3A_17 = arith.constant 512 : i32
    %add3A_18 = arith.addi %mul3A_2, %add3A_17 : i32
    "tpu.region"() ({
      %run_scoped3A = tpu.sem_alloc : memref<!tpu.dma_semaphore, #tpu.memory_space<semaphore_mem>>
      %dma_start3A_86 = arith.constant 0 : i32
      %dma_start3A_87 = arith.constant 0 : i32
      %dma_start3A_88 = tpu.memref_slice %arg10[%dma_start3A_86, %dma_start3A_87] : memref<128x128xf32, #tpu.memory_space<vmem>> -> memref<128x128xf32, #tpu.memory_space<vmem>>
      %dma_start3A_89 = arith.constant 0 : i32
      %dma_start3A_90 = tpu.memref_slice %arg12[%add3A_18, %dma_start3A_89] : memref<10000x128xf32, #tpu.memory_space<vmem_shared>> -> memref<128x128xf32, #tpu.memory_space<vmem_shared>>
      %dma_start3A_91 = arith.constant 0 : i32
      %dma_start3A_92 = tpu.memref_slice %arg12[%add3A_18, %dma_start3A_91] : memref<10000x128xf32, #tpu.memory_space<vmem_shared>> -> memref<128x128xf32, #tpu.memory_space<vmem_shared>>
      %dma_start3A_93 = arith.constant 0 : i32
      %dma_start3A_94 = arith.constant 0 : i32
      %dma_start3A_95 = tpu.memref_slice %arg10[%dma_start3A_93, %dma_start3A_94] : memref<128x128xf32, #tpu.memory_space<vmem>> -> memref<128x128xf32, #tpu.memory_space<vmem>>
      tpu.enqueue_dma source(%dma_start3A_95 : memref<128x128xf32, #tpu.memory_space<vmem>>) target(%dma_start3A_92 : memref<128x128xf32, #tpu.memory_space<vmem_shared>>) target_semaphore(%run_scoped3A : memref<!tpu.dma_semaphore, #tpu.memory_space<semaphore_mem>>)
      %dma_wait3A_96 = arith.constant 0 : i32
      %dma_wait3A_97 = arith.constant 0 : i32
      %dma_wait3A_98 = tpu.memref_slice %arg10[%dma_wait3A_96, %dma_wait3A_97] : memref<128x128xf32, #tpu.memory_space<vmem>> -> memref<128x128xf32, #tpu.memory_space<vmem>>
      %dma_wait3A_99 = arith.constant 0 : i32
      %dma_wait3A_100 = tpu.memref_slice %arg12[%add3A_18, %dma_wait3A_99] : memref<10000x128xf32, #tpu.memory_space<vmem_shared>> -> memref<128x128xf32, #tpu.memory_space<vmem_shared>>
      %dma_wait3A_101 = arith.constant 0 : i32
      %dma_wait3A_102 = tpu.memref_slice %arg12[%add3A_18, %dma_wait3A_101] : memref<10000x128xf32, #tpu.memory_space<vmem_shared>> -> memref<128x128xf32, #tpu.memory_space<vmem_shared>>
      %dma_wait3A_103 = arith.constant 0 : i32
      %dma_wait3A_104 = arith.constant 0 : i32
      %dma_wait3A_105 = tpu.memref_slice %arg10[%dma_wait3A_103, %dma_wait3A_104] : memref<128x128xf32, #tpu.memory_space<vmem>> -> memref<128x128xf32, #tpu.memory_space<vmem>>
      tpu.wait_dma2 semaphore(%run_scoped3A : memref<!tpu.dma_semaphore, #tpu.memory_space<semaphore_mem>>) src(%dma_wait3A_105 : memref<128x128xf32, #tpu.memory_space<vmem>>) dst(%dma_wait3A_102 : memref<128x128xf32, #tpu.memory_space<vmem_shared>>)
      tpu.yield
    }) : () -> ()
    %barrier3A = arith.constant 0 : index
    tpu.barrier barrier_id(%barrier3A)
    %mul3A_19 = arith.constant 78 : i32
    %mul3A_20 = arith.muli %add3A, %mul3A_19 : i32
    %mul3A_21 = arith.constant 128 : i32
    %mul3A_22 = arith.muli %mul3A_20, %mul3A_21 : i32
    %dma_start3A = tpu.memref_slice %arg3[%mul3A_22] : memref<320000xi32, #tpu.memory_space<hbm>> -> memref<128xi32, #tpu.memory_space<hbm>>
    %dma_start3A_23 = tpu.memref_slice %arg3[%mul3A_22] : memref<320000xi32, #tpu.memory_space<hbm>> -> memref<128xi32, #tpu.memory_space<hbm>>
    tpu.enqueue_dma source(%dma_start3A_23 : memref<128xi32, #tpu.memory_space<hbm>>) target(%arg6 : memref<128xi32, #tpu.memory_space<vmem>>) target_semaphore(%arg13 : memref<!tpu.dma_semaphore, #tpu.memory_space<semaphore_mem>>)
    %mul3A_24 = arith.constant 128 : i32
    %mul3A_25 = arith.muli %mul3A_20, %mul3A_24 : i32
    %dma_start3A_26 = tpu.memref_slice %arg4[%mul3A_25] : memref<320000xi32, #tpu.memory_space<hbm>> -> memref<128xi32, #tpu.memory_space<hbm>>
    %dma_start3A_27 = tpu.memref_slice %arg4[%mul3A_25] : memref<320000xi32, #tpu.memory_space<hbm>> -> memref<128xi32, #tpu.memory_space<hbm>>
    tpu.enqueue_dma source(%dma_start3A_27 : memref<128xi32, #tpu.memory_space<hbm>>) target(%arg8 : memref<128xi32, #tpu.memory_space<vmem>>) target_semaphore(%arg13 : memref<!tpu.dma_semaphore, #tpu.memory_space<semaphore_mem>>)
    %mul3A_28 = arith.constant 128 : i32
    %mul3A_29 = arith.muli %mul3A_20, %mul3A_28 : i32
    %dma_wait3A = tpu.memref_slice %arg3[%mul3A_29] : memref<320000xi32, #tpu.memory_space<hbm>> -> memref<128xi32, #tpu.memory_space<hbm>>
    %dma_wait3A_30 = tpu.memref_slice %arg3[%mul3A_29] : memref<320000xi32, #tpu.memory_space<hbm>> -> memref<128xi32, #tpu.memory_space<hbm>>
    tpu.wait_dma2 semaphore(%arg13 : memref<!tpu.dma_semaphore, #tpu.memory_space<semaphore_mem>>) src(%dma_wait3A_30 : memref<128xi32, #tpu.memory_space<hbm>>) dst(%arg6 : memref<128xi32, #tpu.memory_space<vmem>>)
    %mul3A_31 = arith.constant 128 : i32
    %mul3A_32 = arith.muli %mul3A_20, %mul3A_31 : i32
    %dma_wait3A_33 = tpu.memref_slice %arg4[%mul3A_32] : memref<320000xi32, #tpu.memory_space<hbm>> -> memref<128xi32, #tpu.memory_space<hbm>>
    %dma_wait3A_34 = tpu.memref_slice %arg4[%mul3A_32] : memref<320000xi32, #tpu.memory_space<hbm>> -> memref<128xi32, #tpu.memory_space<hbm>>
    tpu.wait_dma2 semaphore(%arg13 : memref<!tpu.dma_semaphore, #tpu.memory_space<semaphore_mem>>) src(%dma_wait3A_34 : memref<128xi32, #tpu.memory_space<hbm>>) dst(%arg8 : memref<128xi32, #tpu.memory_space<vmem>>)
    %dma_start3A_35 = arith.constant 0 : i32
    %dma_start3A_36 = arith.constant 0 : i32
    %dma_start3A_37 = tpu.memref_slice %arg2[%dma_start3A_35, %dma_start3A_36] : memref<10000x128xf32, #tpu.memory_space<hbm>> -> memref<10000x128xf32, #tpu.memory_space<hbm>>
    tpu.enqueue_indirect_dma source(%dma_start3A_37 : memref<10000x128xf32, #tpu.memory_space<hbm>>) target(%arg10 : memref<128x128xf32, #tpu.memory_space<vmem>>) offsets(%arg6 : memref<128xi32, #tpu.memory_space<vmem>>) semaphore(%arg15 : memref<!tpu.dma_semaphore, #tpu.memory_space<semaphore_mem>>)
    %add3A_38 = arith.constant 1 : i32
    %add3A_39 = arith.addi %mul3A_20, %add3A_38 : i32
    %mul3A_40 = arith.constant 128 : i32
    %mul3A_41 = arith.muli %add3A_39, %mul3A_40 : i32
    %dma_start3A_42 = tpu.memref_slice %arg3[%mul3A_41] : memref<320000xi32, #tpu.memory_space<hbm>> -> memref<128xi32, #tpu.memory_space<hbm>>
    %dma_start3A_43 = tpu.memref_slice %arg3[%mul3A_41] : memref<320000xi32, #tpu.memory_space<hbm>> -> memref<128xi32, #tpu.memory_space<hbm>>
    tpu.enqueue_dma source(%dma_start3A_43 : memref<128xi32, #tpu.memory_space<hbm>>) target(%arg7 : memref<128xi32, #tpu.memory_space<vmem>>) target_semaphore(%arg14 : memref<!tpu.dma_semaphore, #tpu.memory_space<semaphore_mem>>)
    %mul3A_44 = arith.constant 128 : i32
    %mul3A_45 = arith.muli %add3A_39, %mul3A_44 : i32
    %dma_start3A_46 = tpu.memref_slice %arg4[%mul3A_45] : memref<320000xi32, #tpu.memory_space<hbm>> -> memref<128xi32, #tpu.memory_space<hbm>>
    %dma_start3A_47 = tpu.memref_slice %arg4[%mul3A_45] : memref<320000xi32, #tpu.memory_space<hbm>> -> memref<128xi32, #tpu.memory_space<hbm>>
    tpu.enqueue_dma source(%dma_start3A_47 : memref<128xi32, #tpu.memory_space<hbm>>) target(%arg9 : memref<128xi32, #tpu.memory_space<vmem>>) target_semaphore(%arg14 : memref<!tpu.dma_semaphore, #tpu.memory_space<semaphore_mem>>)
    %mul3A_48 = arith.constant 128 : i32
    %mul3A_49 = arith.muli %add3A_39, %mul3A_48 : i32
    %dma_wait3A_50 = tpu.memref_slice %arg3[%mul3A_49] : memref<320000xi32, #tpu.memory_space<hbm>> -> memref<128xi32, #tpu.memory_space<hbm>>
    %dma_wait3A_51 = tpu.memref_slice %arg3[%mul3A_49] : memref<320000xi32, #tpu.memory_space<hbm>> -> memref<128xi32, #tpu.memory_space<hbm>>
    tpu.wait_dma2 semaphore(%arg14 : memref<!tpu.dma_semaphore, #tpu.memory_space<semaphore_mem>>) src(%dma_wait3A_51 : memref<128xi32, #tpu.memory_space<hbm>>) dst(%arg7 : memref<128xi32, #tpu.memory_space<vmem>>)
    %mul3A_52 = arith.constant 128 : i32
    %mul3A_53 = arith.muli %add3A_39, %mul3A_52 : i32
    %dma_wait3A_54 = tpu.memref_slice %arg4[%mul3A_53] : memref<320000xi32, #tpu.memory_space<hbm>> -> memref<128xi32, #tpu.memory_space<hbm>>
    %dma_wait3A_55 = tpu.memref_slice %arg4[%mul3A_53] : memref<320000xi32, #tpu.memory_space<hbm>> -> memref<128xi32, #tpu.memory_space<hbm>>
    tpu.wait_dma2 semaphore(%arg14 : memref<!tpu.dma_semaphore, #tpu.memory_space<semaphore_mem>>) src(%dma_wait3A_55 : memref<128xi32, #tpu.memory_space<hbm>>) dst(%arg9 : memref<128xi32, #tpu.memory_space<vmem>>)
    %dma_start3A_56 = arith.constant 0 : i32
    %dma_start3A_57 = arith.constant 0 : i32
    %dma_start3A_58 = tpu.memref_slice %arg2[%dma_start3A_56, %dma_start3A_57] : memref<10000x128xf32, #tpu.memory_space<hbm>> -> memref<10000x128xf32, #tpu.memory_space<hbm>>
    tpu.enqueue_indirect_dma source(%dma_start3A_58 : memref<10000x128xf32, #tpu.memory_space<hbm>>) target(%arg11 : memref<128x128xf32, #tpu.memory_space<vmem>>) offsets(%arg7 : memref<128xi32, #tpu.memory_space<vmem>>) semaphore(%arg16 : memref<!tpu.dma_semaphore, #tpu.memory_space<semaphore_mem>>)
    %dma_wait3A_59 = arith.constant 0 : i32
    %dma_wait3A_60 = arith.constant 0 : i32
    %dma_wait3A_61 = tpu.memref_slice %arg2[%dma_wait3A_59, %dma_wait3A_60] : memref<10000x128xf32, #tpu.memory_space<hbm>> -> memref<10000x128xf32, #tpu.memory_space<hbm>>
    tpu.wait_indirect_dma semaphore(%arg15 : memref<!tpu.dma_semaphore, #tpu.memory_space<semaphore_mem>>) src(%dma_wait3A_61 : memref<10000x128xf32, #tpu.memory_space<hbm>>) dst(%arg10 : memref<128x128xf32, #tpu.memory_space<vmem>>)
    %dma_start3A_62 = arith.constant 0 : i32
    %dma_start3A_63 = arith.constant 0 : i32
    %dma_start3A_64 = tpu.memref_slice %arg12[%dma_start3A_62, %dma_start3A_63] : memref<10000x128xf32, #tpu.memory_space<vmem_shared>> -> memref<10000x128xf32, #tpu.memory_space<vmem_shared>>
    tpu.enqueue_indirect_dma source(%arg10 : memref<128x128xf32, #tpu.memory_space<vmem>>) target(%dma_start3A_64 : memref<10000x128xf32, #tpu.memory_space<vmem_shared>>) offsets(%arg8 : memref<128xi32, #tpu.memory_space<vmem>>) semaphore(%arg17 : memref<!tpu.dma_semaphore, #tpu.memory_space<semaphore_mem>>) {add = true}
    %scan3A_65 = arith.constant 0 : i32
    %scan3A_66 = arith.constant 1 : i32
    %scan3A_67 = arith.constant 38 : i32
    %scan3A_68 = arith.addi %scan3A_66, %scan3A_67 : i32
    %scan3A_69 = arith.constant 1 : i32
    scf.for %scan3A_86 = %scan3A_66 to %scan3A_68 step %scan3A_69  : i32 {
      %mul3A_87 = arith.constant 2 : i32
      %mul3A_88 = arith.muli %mul3A_87, %scan3A_86 : i32
      %add3A_89 = arith.addi %mul3A_20, %mul3A_88 : i32
      %dma_wait3A_90 = arith.constant 0 : i32
      %dma_wait3A_91 = arith.constant 0 : i32
      %dma_wait3A_92 = tpu.memref_slice %arg12[%dma_wait3A_90, %dma_wait3A_91] : memref<10000x128xf32, #tpu.memory_space<vmem_shared>> -> memref<10000x128xf32, #tpu.memory_space<vmem_shared>>
      tpu.wait_indirect_dma semaphore(%arg17 : memref<!tpu.dma_semaphore, #tpu.memory_space<semaphore_mem>>) src(%arg10 : memref<128x128xf32, #tpu.memory_space<vmem>>) dst(%dma_wait3A_92 : memref<10000x128xf32, #tpu.memory_space<vmem_shared>>)
      %mul3A_93 = arith.constant 128 : i32
      %mul3A_94 = arith.muli %add3A_89, %mul3A_93 : i32
      %dma_start3A_95 = tpu.memref_slice %arg3[%mul3A_94] : memref<320000xi32, #tpu.memory_space<hbm>> -> memref<128xi32, #tpu.memory_space<hbm>>
      %dma_start3A_96 = tpu.memref_slice %arg3[%mul3A_94] : memref<320000xi32, #tpu.memory_space<hbm>> -> memref<128xi32, #tpu.memory_space<hbm>>
      tpu.enqueue_dma source(%dma_start3A_96 : memref<128xi32, #tpu.memory_space<hbm>>) target(%arg6 : memref<128xi32, #tpu.memory_space<vmem>>) target_semaphore(%arg13 : memref<!tpu.dma_semaphore, #tpu.memory_space<semaphore_mem>>)
      %mul3A_97 = arith.constant 128 : i32
      %mul3A_98 = arith.muli %add3A_89, %mul3A_97 : i32
      %dma_start3A_99 = tpu.memref_slice %arg4[%mul3A_98] : memref<320000xi32, #tpu.memory_space<hbm>> -> memref<128xi32, #tpu.memory_space<hbm>>
      %dma_start3A_100 = tpu.memref_slice %arg4[%mul3A_98] : memref<320000xi32, #tpu.memory_space<hbm>> -> memref<128xi32, #tpu.memory_space<hbm>>
      tpu.enqueue_dma source(%dma_start3A_100 : memref<128xi32, #tpu.memory_space<hbm>>) target(%arg8 : memref<128xi32, #tpu.memory_space<vmem>>) target_semaphore(%arg13 : memref<!tpu.dma_semaphore, #tpu.memory_space<semaphore_mem>>)
      %mul3A_101 = arith.constant 128 : i32
      %mul3A_102 = arith.muli %add3A_89, %mul3A_101 : i32
      %dma_wait3A_103 = tpu.memref_slice %arg3[%mul3A_102] : memref<320000xi32, #tpu.memory_space<hbm>> -> memref<128xi32, #tpu.memory_space<hbm>>
      %dma_wait3A_104 = tpu.memref_slice %arg3[%mul3A_102] : memref<320000xi32, #tpu.memory_space<hbm>> -> memref<128xi32, #tpu.memory_space<hbm>>
      tpu.wait_dma2 semaphore(%arg13 : memref<!tpu.dma_semaphore, #tpu.memory_space<semaphore_mem>>) src(%dma_wait3A_104 : memref<128xi32, #tpu.memory_space<hbm>>) dst(%arg6 : memref<128xi32, #tpu.memory_space<vmem>>)
      %mul3A_105 = arith.constant 128 : i32
      %mul3A_106 = arith.muli %add3A_89, %mul3A_105 : i32
      %dma_wait3A_107 = tpu.memref_slice %arg4[%mul3A_106] : memref<320000xi32, #tpu.memory_space<hbm>> -> memref<128xi32, #tpu.memory_space<hbm>>
      %dma_wait3A_108 = tpu.memref_slice %arg4[%mul3A_106] : memref<320000xi32, #tpu.memory_space<hbm>> -> memref<128xi32, #tpu.memory_space<hbm>>
      tpu.wait_dma2 semaphore(%arg13 : memref<!tpu.dma_semaphore, #tpu.memory_space<semaphore_mem>>) src(%dma_wait3A_108 : memref<128xi32, #tpu.memory_space<hbm>>) dst(%arg8 : memref<128xi32, #tpu.memory_space<vmem>>)
      %dma_start3A_109 = arith.constant 0 : i32
      %dma_start3A_110 = arith.constant 0 : i32
      %dma_start3A_111 = tpu.memref_slice %arg2[%dma_start3A_109, %dma_start3A_110] : memref<10000x128xf32, #tpu.memory_space<hbm>> -> memref<10000x128xf32, #tpu.memory_space<hbm>>
      tpu.enqueue_indirect_dma source(%dma_start3A_111 : memref<10000x128xf32, #tpu.memory_space<hbm>>) target(%arg10 : memref<128x128xf32, #tpu.memory_space<vmem>>) offsets(%arg6 : memref<128xi32, #tpu.memory_space<vmem>>) semaphore(%arg15 : memref<!tpu.dma_semaphore, #tpu.memory_space<semaphore_mem>>)
      %dma_wait3A_112 = arith.constant 0 : i32
      %dma_wait3A_113 = arith.constant 0 : i32
      %dma_wait3A_114 = tpu.memref_slice %arg2[%dma_wait3A_112, %dma_wait3A_113] : memref<10000x128xf32, #tpu.memory_space<hbm>> -> memref<10000x128xf32, #tpu.memory_space<hbm>>
      tpu.wait_indirect_dma semaphore(%arg16 : memref<!tpu.dma_semaphore, #tpu.memory_space<semaphore_mem>>) src(%dma_wait3A_114 : memref<10000x128xf32, #tpu.memory_space<hbm>>) dst(%arg11 : memref<128x128xf32, #tpu.memory_space<vmem>>)
      %dma_start3A_115 = arith.constant 0 : i32
      %dma_start3A_116 = arith.constant 0 : i32
      %dma_start3A_117 = tpu.memref_slice %arg12[%dma_start3A_115, %dma_start3A_116] : memref<10000x128xf32, #tpu.memory_space<vmem_shared>> -> memref<10000x128xf32, #tpu.memory_space<vmem_shared>>
      tpu.enqueue_indirect_dma source(%arg11 : memref<128x128xf32, #tpu.memory_space<vmem>>) target(%dma_start3A_117 : memref<10000x128xf32, #tpu.memory_space<vmem_shared>>) offsets(%arg9 : memref<128xi32, #tpu.memory_space<vmem>>) semaphore(%arg18 : memref<!tpu.dma_semaphore, #tpu.memory_space<semaphore_mem>>) {add = true}
      %dma_wait3A_118 = arith.constant 0 : i32
      %dma_wait3A_119 = arith.constant 0 : i32
      %dma_wait3A_120 = tpu.memref_slice %arg12[%dma_wait3A_118, %dma_wait3A_119] : memref<10000x128xf32, #tpu.memory_space<vmem_shared>> -> memref<10000x128xf32, #tpu.memory_space<vmem_shared>>
      tpu.wait_indirect_dma semaphore(%arg18 : memref<!tpu.dma_semaphore, #tpu.memory_space<semaphore_mem>>) src(%arg11 : memref<128x128xf32, #tpu.memory_space<vmem>>) dst(%dma_wait3A_120 : memref<10000x128xf32, #tpu.memory_space<vmem_shared>>)
      %add3A_121 = arith.constant 1 : i32
      %add3A_122 = arith.addi %add3A_89, %add3A_121 : i32
      %mul3A_123 = arith.constant 128 : i32
      %mul3A_124 = arith.muli %add3A_122, %mul3A_123 : i32
      %dma_start3A_125 = tpu.memref_slice %arg3[%mul3A_124] : memref<320000xi32, #tpu.memory_space<hbm>> -> memref<128xi32, #tpu.memory_space<hbm>>
      %dma_start3A_126 = tpu.memref_slice %arg3[%mul3A_124] : memref<320000xi32, #tpu.memory_space<hbm>> -> memref<128xi32, #tpu.memory_space<hbm>>
      tpu.enqueue_dma source(%dma_start3A_126 : memref<128xi32, #tpu.memory_space<hbm>>) target(%arg7 : memref<128xi32, #tpu.memory_space<vmem>>) target_semaphore(%arg14 : memref<!tpu.dma_semaphore, #tpu.memory_space<semaphore_mem>>)
      %mul3A_127 = arith.constant 128 : i32
      %mul3A_128 = arith.muli %add3A_122, %mul3A_127 : i32
      %dma_start3A_129 = tpu.memref_slice %arg4[%mul3A_128] : memref<320000xi32, #tpu.memory_space<hbm>> -> memref<128xi32, #tpu.memory_space<hbm>>
      %dma_start3A_130 = tpu.memref_slice %arg4[%mul3A_128] : memref<320000xi32, #tpu.memory_space<hbm>> -> memref<128xi32, #tpu.memory_space<hbm>>
      tpu.enqueue_dma source(%dma_start3A_130 : memref<128xi32, #tpu.memory_space<hbm>>) target(%arg9 : memref<128xi32, #tpu.memory_space<vmem>>) target_semaphore(%arg14 : memref<!tpu.dma_semaphore, #tpu.memory_space<semaphore_mem>>)
      %mul3A_131 = arith.constant 128 : i32
      %mul3A_132 = arith.muli %add3A_122, %mul3A_131 : i32
      %dma_wait3A_133 = tpu.memref_slice %arg3[%mul3A_132] : memref<320000xi32, #tpu.memory_space<hbm>> -> memref<128xi32, #tpu.memory_space<hbm>>
      %dma_wait3A_134 = tpu.memref_slice %arg3[%mul3A_132] : memref<320000xi32, #tpu.memory_space<hbm>> -> memref<128xi32, #tpu.memory_space<hbm>>
      tpu.wait_dma2 semaphore(%arg14 : memref<!tpu.dma_semaphore, #tpu.memory_space<semaphore_mem>>) src(%dma_wait3A_134 : memref<128xi32, #tpu.memory_space<hbm>>) dst(%arg7 : memref<128xi32, #tpu.memory_space<vmem>>)
      %mul3A_135 = arith.constant 128 : i32
      %mul3A_136 = arith.muli %add3A_122, %mul3A_135 : i32
      %dma_wait3A_137 = tpu.memref_slice %arg4[%mul3A_136] : memref<320000xi32, #tpu.memory_space<hbm>> -> memref<128xi32, #tpu.memory_space<hbm>>
      %dma_wait3A_138 = tpu.memref_slice %arg4[%mul3A_136] : memref<320000xi32, #tpu.memory_space<hbm>> -> memref<128xi32, #tpu.memory_space<hbm>>
      tpu.wait_dma2 semaphore(%arg14 : memref<!tpu.dma_semaphore, #tpu.memory_space<semaphore_mem>>) src(%dma_wait3A_138 : memref<128xi32, #tpu.memory_space<hbm>>) dst(%arg9 : memref<128xi32, #tpu.memory_space<vmem>>)
      %dma_start3A_139 = arith.constant 0 : i32
      %dma_start3A_140 = arith.constant 0 : i32
      %dma_start3A_141 = tpu.memref_slice %arg2[%dma_start3A_139, %dma_start3A_140] : memref<10000x128xf32, #tpu.memory_space<hbm>> -> memref<10000x128xf32, #tpu.memory_space<hbm>>
      tpu.enqueue_indirect_dma source(%dma_start3A_141 : memref<10000x128xf32, #tpu.memory_space<hbm>>) target(%arg11 : memref<128x128xf32, #tpu.memory_space<vmem>>) offsets(%arg7 : memref<128xi32, #tpu.memory_space<vmem>>) semaphore(%arg16 : memref<!tpu.dma_semaphore, #tpu.memory_space<semaphore_mem>>)
      %dma_wait3A_142 = arith.constant 0 : i32
      %dma_wait3A_143 = arith.constant 0 : i32
      %dma_wait3A_144 = tpu.memref_slice %arg2[%dma_wait3A_142, %dma_wait3A_143] : memref<10000x128xf32, #tpu.memory_space<hbm>> -> memref<10000x128xf32, #tpu.memory_space<hbm>>
      tpu.wait_indirect_dma semaphore(%arg15 : memref<!tpu.dma_semaphore, #tpu.memory_space<semaphore_mem>>) src(%dma_wait3A_144 : memref<10000x128xf32, #tpu.memory_space<hbm>>) dst(%arg10 : memref<128x128xf32, #tpu.memory_space<vmem>>)
      %dma_start3A_145 = arith.constant 0 : i32
      %dma_start3A_146 = arith.constant 0 : i32
      %dma_start3A_147 = tpu.memref_slice %arg12[%dma_start3A_145, %dma_start3A_146] : memref<10000x128xf32, #tpu.memory_space<vmem_shared>> -> memref<10000x128xf32, #tpu.memory_space<vmem_shared>>
      tpu.enqueue_indirect_dma source(%arg10 : memref<128x128xf32, #tpu.memory_space<vmem>>) target(%dma_start3A_147 : memref<10000x128xf32, #tpu.memory_space<vmem_shared>>) offsets(%arg8 : memref<128xi32, #tpu.memory_space<vmem>>) semaphore(%arg17 : memref<!tpu.dma_semaphore, #tpu.memory_space<semaphore_mem>>) {add = true}
    }
    %scan3A_70 = arith.constant 38 : i32
    %dma_wait3A_71 = arith.constant 0 : i32
    %dma_wait3A_72 = arith.constant 0 : i32
    %dma_wait3A_73 = tpu.memref_slice %arg12[%dma_wait3A_71, %dma_wait3A_72] : memref<10000x128xf32, #tpu.memory_space<vmem_shared>> -> memref<10000x128xf32, #tpu.memory_space<vmem_shared>>
    tpu.wait_indirect_dma semaphore(%arg17 : memref<!tpu.dma_semaphore, #tpu.memory_space<semaphore_mem>>) src(%arg10 : memref<128x128xf32, #tpu.memory_space<vmem>>) dst(%dma_wait3A_73 : memref<10000x128xf32, #tpu.memory_space<vmem_shared>>)
    %dma_wait3A_74 = arith.constant 0 : i32
    %dma_wait3A_75 = arith.constant 0 : i32
    %dma_wait3A_76 = tpu.memref_slice %arg2[%dma_wait3A_74, %dma_wait3A_75] : memref<10000x128xf32, #tpu.memory_space<hbm>> -> memref<10000x128xf32, #tpu.memory_space<hbm>>
    tpu.wait_indirect_dma semaphore(%arg16 : memref<!tpu.dma_semaphore, #tpu.memory_space<semaphore_mem>>) src(%dma_wait3A_76 : memref<10000x128xf32, #tpu.memory_space<hbm>>) dst(%arg11 : memref<128x128xf32, #tpu.memory_space<vmem>>)
    %dma_start3A_77 = arith.constant 0 : i32
    %dma_start3A_78 = arith.constant 0 : i32
    %dma_start3A_79 = tpu.memref_slice %arg12[%dma_start3A_77, %dma_start3A_78] : memref<10000x128xf32, #tpu.memory_space<vmem_shared>> -> memref<10000x128xf32, #tpu.memory_space<vmem_shared>>
    tpu.enqueue_indirect_dma source(%arg11 : memref<128x128xf32, #tpu.memory_space<vmem>>) target(%dma_start3A_79 : memref<10000x128xf32, #tpu.memory_space<vmem_shared>>) offsets(%arg9 : memref<128xi32, #tpu.memory_space<vmem>>) semaphore(%arg18 : memref<!tpu.dma_semaphore, #tpu.memory_space<semaphore_mem>>) {add = true}
    %dma_wait3A_80 = arith.constant 0 : i32
    %dma_wait3A_81 = arith.constant 0 : i32
    %dma_wait3A_82 = tpu.memref_slice %arg12[%dma_wait3A_80, %dma_wait3A_81] : memref<10000x128xf32, #tpu.memory_space<vmem_shared>> -> memref<10000x128xf32, #tpu.memory_space<vmem_shared>>
    tpu.wait_indirect_dma semaphore(%arg18 : memref<!tpu.dma_semaphore, #tpu.memory_space<semaphore_mem>>) src(%arg11 : memref<128x128xf32, #tpu.memory_space<vmem>>) dst(%dma_wait3A_82 : memref<10000x128xf32, #tpu.memory_space<vmem_shared>>)
    %lt3A = arith.constant 4 : i32
    %lt3A_83 = arith.cmpi slt, %add3A, %lt3A : i32
    %convert_element_type3A = arith.extui %lt3A_83 : i1 to i32
    %cond3A = arith.constant 0 : i32
    %cond3A_84 = arith.cmpi ne, %convert_element_type3A, %cond3A : i32
    scf.if %cond3A_84 {
      %add3A_86 = arith.constant 2496 : i32
      %add3A_87 = arith.addi %add3A_86, %add3A : i32
      %mul3A_88 = arith.constant 128 : i32
      %mul3A_89 = arith.muli %add3A_87, %mul3A_88 : i32
      "tpu.region"() ({
        %run_scoped3A = tpu.sem_alloc : memref<!tpu.dma_semaphore, #tpu.memory_space<semaphore_mem>>
        %dma_start3A_98 = tpu.memref_slice %arg3[%mul3A_89] : memref<320000xi32, #tpu.memory_space<hbm>> -> memref<128xi32, #tpu.memory_space<hbm>>
        %dma_start3A_99 = tpu.memref_slice %arg3[%mul3A_89] : memref<320000xi32, #tpu.memory_space<hbm>> -> memref<128xi32, #tpu.memory_space<hbm>>
        tpu.enqueue_dma source(%dma_start3A_99 : memref<128xi32, #tpu.memory_space<hbm>>) target(%arg6 : memref<128xi32, #tpu.memory_space<vmem>>) target_semaphore(%run_scoped3A : memref<!tpu.dma_semaphore, #tpu.memory_space<semaphore_mem>>)
        %dma_wait3A_100 = tpu.memref_slice %arg3[%mul3A_89] : memref<320000xi32, #tpu.memory_space<hbm>> -> memref<128xi32, #tpu.memory_space<hbm>>
        %dma_wait3A_101 = tpu.memref_slice %arg3[%mul3A_89] : memref<320000xi32, #tpu.memory_space<hbm>> -> memref<128xi32, #tpu.memory_space<hbm>>
        tpu.wait_dma2 semaphore(%run_scoped3A : memref<!tpu.dma_semaphore, #tpu.memory_space<semaphore_mem>>) src(%dma_wait3A_101 : memref<128xi32, #tpu.memory_space<hbm>>) dst(%arg6 : memref<128xi32, #tpu.memory_space<vmem>>)
        tpu.yield
      }) : () -> ()
      %mul3A_90 = arith.constant 128 : i32
      %mul3A_91 = arith.muli %add3A_87, %mul3A_90 : i32
      "tpu.region"() ({
        %run_scoped3A = tpu.sem_alloc : memref<!tpu.dma_semaphore, #tpu.memory_space<semaphore_mem>>
        %dma_start3A_98 = tpu.memref_slice %arg4[%mul3A_91] : memref<320000xi32, #tpu.memory_space<hbm>> -> memref<128xi32, #tpu.memory_space<hbm>>
        %dma_start3A_99 = tpu.memref_slice %arg4[%mul3A_91] : memref<320000xi32, #tpu.memory_space<hbm>> -> memref<128xi32, #tpu.memory_space<hbm>>
        tpu.enqueue_dma source(%dma_start3A_99 : memref<128xi32, #tpu.memory_space<hbm>>) target(%arg8 : memref<128xi32, #tpu.memory_space<vmem>>) target_semaphore(%run_scoped3A : memref<!tpu.dma_semaphore, #tpu.memory_space<semaphore_mem>>)
        %dma_wait3A_100 = tpu.memref_slice %arg4[%mul3A_91] : memref<320000xi32, #tpu.memory_space<hbm>> -> memref<128xi32, #tpu.memory_space<hbm>>
        %dma_wait3A_101 = tpu.memref_slice %arg4[%mul3A_91] : memref<320000xi32, #tpu.memory_space<hbm>> -> memref<128xi32, #tpu.memory_space<hbm>>
        tpu.wait_dma2 semaphore(%run_scoped3A : memref<!tpu.dma_semaphore, #tpu.memory_space<semaphore_mem>>) src(%dma_wait3A_101 : memref<128xi32, #tpu.memory_space<hbm>>) dst(%arg8 : memref<128xi32, #tpu.memory_space<vmem>>)
        tpu.yield
      }) : () -> ()
      %dma_start3A_92 = arith.constant 0 : i32
      %dma_start3A_93 = arith.constant 0 : i32
      %dma_start3A_94 = tpu.memref_slice %arg2[%dma_start3A_92, %dma_start3A_93] : memref<10000x128xf32, #tpu.memory_space<hbm>> -> memref<10000x128xf32, #tpu.memory_space<hbm>>
      tpu.enqueue_indirect_dma source(%dma_start3A_94 : memref<10000x128xf32, #tpu.memory_space<hbm>>) target(%arg10 : memref<128x128xf32, #tpu.memory_space<vmem>>) offsets(%arg6 : memref<128xi32, #tpu.memory_space<vmem>>) semaphore(%arg15 : memref<!tpu.dma_semaphore, #tpu.memory_space<semaphore_mem>>)
      %dma_wait3A_95 = arith.constant 0 : i32
      %dma_wait3A_96 = arith.constant 0 : i32
      %dma_wait3A_97 = tpu.memref_slice %arg2[%dma_wait3A_95, %dma_wait3A_96] : memref<10000x128xf32, #tpu.memory_space<hbm>> -> memref<10000x128xf32, #tpu.memory_space<hbm>>
      tpu.wait_indirect_dma semaphore(%arg15 : memref<!tpu.dma_semaphore, #tpu.memory_space<semaphore_mem>>) src(%dma_wait3A_97 : memref<10000x128xf32, #tpu.memory_space<hbm>>) dst(%arg10 : memref<128x128xf32, #tpu.memory_space<vmem>>)
      "tpu.region"() ({
        %run_scoped3A = tpu.sem_alloc : memref<!tpu.dma_semaphore, #tpu.memory_space<semaphore_mem>>
        %dma_start3A_98 = arith.constant 0 : i32
        %dma_start3A_99 = arith.constant 0 : i32
        %dma_start3A_100 = tpu.memref_slice %arg12[%dma_start3A_98, %dma_start3A_99] : memref<10000x128xf32, #tpu.memory_space<vmem_shared>> -> memref<10000x128xf32, #tpu.memory_space<vmem_shared>>
        tpu.enqueue_indirect_dma source(%arg10 : memref<128x128xf32, #tpu.memory_space<vmem>>) target(%dma_start3A_100 : memref<10000x128xf32, #tpu.memory_space<vmem_shared>>) offsets(%arg8 : memref<128xi32, #tpu.memory_space<vmem>>) semaphore(%run_scoped3A : memref<!tpu.dma_semaphore, #tpu.memory_space<semaphore_mem>>) {add = true}
        %dma_wait3A_101 = arith.constant 0 : i32
        %dma_wait3A_102 = arith.constant 0 : i32
        %dma_wait3A_103 = tpu.memref_slice %arg12[%dma_wait3A_101, %dma_wait3A_102] : memref<10000x128xf32, #tpu.memory_space<vmem_shared>> -> memref<10000x128xf32, #tpu.memory_space<vmem_shared>>
        tpu.wait_indirect_dma semaphore(%run_scoped3A : memref<!tpu.dma_semaphore, #tpu.memory_space<semaphore_mem>>) src(%arg10 : memref<128x128xf32, #tpu.memory_space<vmem>>) dst(%dma_wait3A_103 : memref<10000x128xf32, #tpu.memory_space<vmem_shared>>)
        tpu.yield
      }) : () -> ()
    } else {
    }
    %barrier3A_85 = arith.constant 0 : index
    tpu.barrier barrier_id(%barrier3A_85)
    "tpu.region"() ({
      %run_scoped3A = tpu.sem_alloc : memref<!tpu.dma_semaphore, #tpu.memory_space<semaphore_mem>>
      %dma_start3A_86 = arith.constant 0 : i32
      %dma_start3A_87 = tpu.memref_slice %arg5[%arg0, %mul3A_2, %dma_start3A_86] : memref<2x10000x128xf32, #tpu.memory_space<hbm>> -> memref<1x640x128xf32, #tpu.memory_space<hbm>>
      %dma_start3A_88 = tpu.memref_squeeze %dma_start3A_87 : memref<1x640x128xf32, #tpu.memory_space<hbm>> -> memref<640x128xf32, #tpu.memory_space<hbm>>
      %dma_start3A_89 = arith.constant 0 : i32
      %dma_start3A_90 = tpu.memref_slice %arg12[%mul3A_2, %dma_start3A_89] : memref<10000x128xf32, #tpu.memory_space<vmem_shared>> -> memref<640x128xf32, #tpu.memory_space<vmem_shared>>
      tpu.enqueue_dma source(%dma_start3A_90 : memref<640x128xf32, #tpu.memory_space<vmem_shared>>) target(%dma_start3A_88 : memref<640x128xf32, #tpu.memory_space<hbm>>) target_semaphore(%run_scoped3A : memref<!tpu.dma_semaphore, #tpu.memory_space<semaphore_mem>>)
      %dma_wait3A_91 = arith.constant 0 : i32
      %dma_wait3A_92 = tpu.memref_slice %arg5[%arg0, %mul3A_2, %dma_wait3A_91] : memref<2x10000x128xf32, #tpu.memory_space<hbm>> -> memref<1x640x128xf32, #tpu.memory_space<hbm>>
      %dma_wait3A_93 = tpu.memref_squeeze %dma_wait3A_92 : memref<1x640x128xf32, #tpu.memory_space<hbm>> -> memref<640x128xf32, #tpu.memory_space<hbm>>
      %dma_wait3A_94 = arith.constant 0 : i32
      %dma_wait3A_95 = tpu.memref_slice %arg12[%mul3A_2, %dma_wait3A_94] : memref<10000x128xf32, #tpu.memory_space<vmem_shared>> -> memref<640x128xf32, #tpu.memory_space<vmem_shared>>
      tpu.wait_dma2 semaphore(%run_scoped3A : memref<!tpu.dma_semaphore, #tpu.memory_space<semaphore_mem>>) src(%dma_wait3A_95 : memref<640x128xf32, #tpu.memory_space<vmem_shared>>) dst(%dma_wait3A_93 : memref<640x128xf32, #tpu.memory_space<hbm>>)
      tpu.yield
    }) : () -> ()
    return
  }
}

#map = affine_map<(d0, d1) -> (0, 0)>
#map1 = affine_map<(d0, d1) -> (0)>
#map2 = affine_map<(d0, d1) -> (0, 0, 0)>
module attributes {stable_mosaic.version = 14 : i64} {
  func.func @body(%arg0: i32, %arg1: i32, %arg2: memref<10000x128xf32, #tpu.memory_space<hbm>>, %arg3: memref<320000xi32, #tpu.memory_space<hbm>>, %arg4: memref<320000xi32, #tpu.memory_space<hbm>>, %arg5: memref<2x10000x128xf32, #tpu.memory_space<hbm>>, %arg6: memref<2x10000x16xf32, #tpu.memory_space<hbm>>, %arg7: memref<128xi32, #tpu.memory_space<vmem>>, %arg8: memref<128xi32, #tpu.memory_space<vmem>>, %arg9: memref<128xi32, #tpu.memory_space<vmem>>, %arg10: memref<128xi32, #tpu.memory_space<vmem>>, %arg11: memref<128x128xf32, #tpu.memory_space<vmem>>, %arg12: memref<128x128xf32, #tpu.memory_space<vmem>>, %arg13: memref<10000x128xf32, #tpu.memory_space<vmem_shared>>, %arg14: memref<!tpu.dma_semaphore, #tpu.memory_space<semaphore_mem>>, %arg15: memref<!tpu.dma_semaphore, #tpu.memory_space<semaphore_mem>>, %arg16: memref<!tpu.dma_semaphore, #tpu.memory_space<semaphore_mem>>, %arg17: memref<!tpu.dma_semaphore, #tpu.memory_space<semaphore_mem>>, %arg18: memref<!tpu.dma_semaphore, #tpu.memory_space<semaphore_mem>>, %arg19: memref<!tpu.dma_semaphore, #tpu.memory_space<semaphore_mem>>, %arg20: memref<128x16xf32, #tpu.memory_space<vmem>>, %arg21: memref<10000x16xf32, #tpu.memory_space<vmem_shared>>) attributes {dimension_semantics = [#tpu.dimension_semantics<core_parallel>, #tpu.dimension_semantics<subcore_parallel>], iteration_bounds = array<i64: 2, 16>, scalar_prefetch = 0 : i64, scratch_operands = 15 : i64, tpu.core_type = #tpu.core_type<sc_vector_subcore>, window_params = [{transform_indices = #map}, {transform_indices = #map1}, {transform_indices = #map1}, {transform_indices = #map2}, {transform_indices = #map2}]} {
    %mul3A = arith.constant 16 : i32
    %mul3A_0 = arith.muli %arg0, %mul3A : i32
    %add3A = arith.addi %mul3A_0, %arg1 : i32
    %mul3A_1 = arith.constant 624 : i32
    %mul3A_2 = arith.muli %arg1, %mul3A_1 : i32
    %broadcast_in_dim3A = arith.constant 0.000000e+00 : f32
    %broadcast_in_dim3A_3 = vector.broadcast %broadcast_in_dim3A : f32 to vector<16xf32>
    %scan3A = arith.constant 0 : i32
    %scan3A_4 = arith.constant 0 : i32
    %scan3A_5 = arith.constant 128 : i32
    %scan3A_6 = arith.addi %scan3A_4, %scan3A_5 : i32
    %scan3A_7 = arith.constant 1 : i32
    scf.for %scan3A_120 = %scan3A_4 to %scan3A_6 step %scan3A_7  : i32 {
      %swap3A = arith.index_cast %scan3A_120 : i32 to index
      %swap3A_121 = arith.constant 0 : index
      %swap3A_122 = tpu.vector_load %arg11[%swap3A, %swap3A_121] {strides = array<i32>} : memref<128x128xf32, #tpu.memory_space<vmem>>, vector<1x16xf32>,
      %swap3A_123 = vector.shape_cast %swap3A_122 : vector<1x16xf32> to vector<16xf32>
      %swap3A_124 = vector.shape_cast %broadcast_in_dim3A_3 : vector<16xf32> to vector<1x16xf32>
      tpu.vector_store %arg11[%swap3A, %swap3A_121], %swap3A_124 {strides = array<i32>} : memref<128x128xf32, #tpu.memory_space<vmem>>, vector<1x16xf32>,
      %swap3A_125 = arith.index_cast %scan3A_120 : i32 to index
      %swap3A_126 = arith.constant 16 : index
      %swap3A_127 = tpu.vector_load %arg11[%swap3A_125, %swap3A_126] {strides = array<i32>} : memref<128x128xf32, #tpu.memory_space<vmem>>, vector<1x16xf32>,
      %swap3A_128 = vector.shape_cast %swap3A_127 : vector<1x16xf32> to vector<16xf32>
      %swap3A_129 = vector.shape_cast %broadcast_in_dim3A_3 : vector<16xf32> to vector<1x16xf32>
      tpu.vector_store %arg11[%swap3A_125, %swap3A_126], %swap3A_129 {strides = array<i32>} : memref<128x128xf32, #tpu.memory_space<vmem>>, vector<1x16xf32>,
      %swap3A_130 = arith.index_cast %scan3A_120 : i32 to index
      %swap3A_131 = arith.constant 32 : index
      %swap3A_132 = tpu.vector_load %arg11[%swap3A_130, %swap3A_131] {strides = array<i32>} : memref<128x128xf32, #tpu.memory_space<vmem>>, vector<1x16xf32>,
      %swap3A_133 = vector.shape_cast %swap3A_132 : vector<1x16xf32> to vector<16xf32>
      %swap3A_134 = vector.shape_cast %broadcast_in_dim3A_3 : vector<16xf32> to vector<1x16xf32>
      tpu.vector_store %arg11[%swap3A_130, %swap3A_131], %swap3A_134 {strides = array<i32>} : memref<128x128xf32, #tpu.memory_space<vmem>>, vector<1x16xf32>,
      %swap3A_135 = arith.index_cast %scan3A_120 : i32 to index
      %swap3A_136 = arith.constant 48 : index
      %swap3A_137 = tpu.vector_load %arg11[%swap3A_135, %swap3A_136] {strides = array<i32>} : memref<128x128xf32, #tpu.memory_space<vmem>>, vector<1x16xf32>,
      %swap3A_138 = vector.shape_cast %swap3A_137 : vector<1x16xf32> to vector<16xf32>
      %swap3A_139 = vector.shape_cast %broadcast_in_dim3A_3 : vector<16xf32> to vector<1x16xf32>
      tpu.vector_store %arg11[%swap3A_135, %swap3A_136], %swap3A_139 {strides = array<i32>} : memref<128x128xf32, #tpu.memory_space<vmem>>, vector<1x16xf32>,
      %swap3A_140 = arith.index_cast %scan3A_120 : i32 to index
      %swap3A_141 = arith.constant 64 : index
      %swap3A_142 = tpu.vector_load %arg11[%swap3A_140, %swap3A_141] {strides = array<i32>} : memref<128x128xf32, #tpu.memory_space<vmem>>, vector<1x16xf32>,
      %swap3A_143 = vector.shape_cast %swap3A_142 : vector<1x16xf32> to vector<16xf32>
      %swap3A_144 = vector.shape_cast %broadcast_in_dim3A_3 : vector<16xf32> to vector<1x16xf32>
      tpu.vector_store %arg11[%swap3A_140, %swap3A_141], %swap3A_144 {strides = array<i32>} : memref<128x128xf32, #tpu.memory_space<vmem>>, vector<1x16xf32>,
      %swap3A_145 = arith.index_cast %scan3A_120 : i32 to index
      %swap3A_146 = arith.constant 80 : index
      %swap3A_147 = tpu.vector_load %arg11[%swap3A_145, %swap3A_146] {strides = array<i32>} : memref<128x128xf32, #tpu.memory_space<vmem>>, vector<1x16xf32>,
      %swap3A_148 = vector.shape_cast %swap3A_147 : vector<1x16xf32> to vector<16xf32>
      %swap3A_149 = vector.shape_cast %broadcast_in_dim3A_3 : vector<16xf32> to vector<1x16xf32>
      tpu.vector_store %arg11[%swap3A_145, %swap3A_146], %swap3A_149 {strides = array<i32>} : memref<128x128xf32, #tpu.memory_space<vmem>>, vector<1x16xf32>,
      %swap3A_150 = arith.index_cast %scan3A_120 : i32 to index
      %swap3A_151 = arith.constant 96 : index
      %swap3A_152 = tpu.vector_load %arg11[%swap3A_150, %swap3A_151] {strides = array<i32>} : memref<128x128xf32, #tpu.memory_space<vmem>>, vector<1x16xf32>,
      %swap3A_153 = vector.shape_cast %swap3A_152 : vector<1x16xf32> to vector<16xf32>
      %swap3A_154 = vector.shape_cast %broadcast_in_dim3A_3 : vector<16xf32> to vector<1x16xf32>
      tpu.vector_store %arg11[%swap3A_150, %swap3A_151], %swap3A_154 {strides = array<i32>} : memref<128x128xf32, #tpu.memory_space<vmem>>, vector<1x16xf32>,
      %swap3A_155 = arith.index_cast %scan3A_120 : i32 to index
      %swap3A_156 = arith.constant 112 : index
      %swap3A_157 = tpu.vector_load %arg11[%swap3A_155, %swap3A_156] {strides = array<i32>} : memref<128x128xf32, #tpu.memory_space<vmem>>, vector<1x16xf32>,
      %swap3A_158 = vector.shape_cast %swap3A_157 : vector<1x16xf32> to vector<16xf32>
      %swap3A_159 = vector.shape_cast %broadcast_in_dim3A_3 : vector<16xf32> to vector<1x16xf32>
      tpu.vector_store %arg11[%swap3A_155, %swap3A_156], %swap3A_159 {strides = array<i32>} : memref<128x128xf32, #tpu.memory_space<vmem>>, vector<1x16xf32>,
    }
    %scan3A_8 = arith.constant 128 : i32
    %add3A_9 = arith.constant 0 : i32
    %add3A_10 = arith.addi %mul3A_2, %add3A_9 : i32
    "tpu.region"() ({
      %run_scoped3A = tpu.sem_alloc : memref<!tpu.dma_semaphore, #tpu.memory_space<semaphore_mem>>
      %dma_start3A_120 = arith.constant 0 : i32
      %dma_start3A_121 = arith.constant 0 : i32
      %dma_start3A_122 = tpu.memref_slice %arg11[%dma_start3A_120, %dma_start3A_121] : memref<128x128xf32, #tpu.memory_space<vmem>> -> memref<128x128xf32, #tpu.memory_space<vmem>>
      %dma_start3A_123 = arith.constant 0 : i32
      %dma_start3A_124 = tpu.memref_slice %arg13[%add3A_10, %dma_start3A_123] : memref<10000x128xf32, #tpu.memory_space<vmem_shared>> -> memref<128x128xf32, #tpu.memory_space<vmem_shared>>
      %dma_start3A_125 = arith.constant 0 : i32
      %dma_start3A_126 = tpu.memref_slice %arg13[%add3A_10, %dma_start3A_125] : memref<10000x128xf32, #tpu.memory_space<vmem_shared>> -> memref<128x128xf32, #tpu.memory_space<vmem_shared>>
      %dma_start3A_127 = arith.constant 0 : i32
      %dma_start3A_128 = arith.constant 0 : i32
      %dma_start3A_129 = tpu.memref_slice %arg11[%dma_start3A_127, %dma_start3A_128] : memref<128x128xf32, #tpu.memory_space<vmem>> -> memref<128x128xf32, #tpu.memory_space<vmem>>
      tpu.enqueue_dma source(%dma_start3A_129 : memref<128x128xf32, #tpu.memory_space<vmem>>) target(%dma_start3A_126 : memref<128x128xf32, #tpu.memory_space<vmem_shared>>) target_semaphore(%run_scoped3A : memref<!tpu.dma_semaphore, #tpu.memory_space<semaphore_mem>>)
      %dma_wait3A_130 = arith.constant 0 : i32
      %dma_wait3A_131 = arith.constant 0 : i32
      %dma_wait3A_132 = tpu.memref_slice %arg11[%dma_wait3A_130, %dma_wait3A_131] : memref<128x128xf32, #tpu.memory_space<vmem>> -> memref<128x128xf32, #tpu.memory_space<vmem>>
      %dma_wait3A_133 = arith.constant 0 : i32
      %dma_wait3A_134 = tpu.memref_slice %arg13[%add3A_10, %dma_wait3A_133] : memref<10000x128xf32, #tpu.memory_space<vmem_shared>> -> memref<128x128xf32, #tpu.memory_space<vmem_shared>>
      %dma_wait3A_135 = arith.constant 0 : i32
      %dma_wait3A_136 = tpu.memref_slice %arg13[%add3A_10, %dma_wait3A_135] : memref<10000x128xf32, #tpu.memory_space<vmem_shared>> -> memref<128x128xf32, #tpu.memory_space<vmem_shared>>
      %dma_wait3A_137 = arith.constant 0 : i32
      %dma_wait3A_138 = arith.constant 0 : i32
      %dma_wait3A_139 = tpu.memref_slice %arg11[%dma_wait3A_137, %dma_wait3A_138] : memref<128x128xf32, #tpu.memory_space<vmem>> -> memref<128x128xf32, #tpu.memory_space<vmem>>
      tpu.wait_dma2 semaphore(%run_scoped3A : memref<!tpu.dma_semaphore, #tpu.memory_space<semaphore_mem>>) src(%dma_wait3A_139 : memref<128x128xf32, #tpu.memory_space<vmem>>) dst(%dma_wait3A_136 : memref<128x128xf32, #tpu.memory_space<vmem_shared>>)
      tpu.yield
    }) : () -> ()
    %add3A_11 = arith.constant 128 : i32
    %add3A_12 = arith.addi %mul3A_2, %add3A_11 : i32
    "tpu.region"() ({
      %run_scoped3A = tpu.sem_alloc : memref<!tpu.dma_semaphore, #tpu.memory_space<semaphore_mem>>
      %dma_start3A_120 = arith.constant 0 : i32
      %dma_start3A_121 = arith.constant 0 : i32
      %dma_start3A_122 = tpu.memref_slice %arg11[%dma_start3A_120, %dma_start3A_121] : memref<128x128xf32, #tpu.memory_space<vmem>> -> memref<128x128xf32, #tpu.memory_space<vmem>>
      %dma_start3A_123 = arith.constant 0 : i32
      %dma_start3A_124 = tpu.memref_slice %arg13[%add3A_12, %dma_start3A_123] : memref<10000x128xf32, #tpu.memory_space<vmem_shared>> -> memref<128x128xf32, #tpu.memory_space<vmem_shared>>
      %dma_start3A_125 = arith.constant 0 : i32
      %dma_start3A_126 = tpu.memref_slice %arg13[%add3A_12, %dma_start3A_125] : memref<10000x128xf32, #tpu.memory_space<vmem_shared>> -> memref<128x128xf32, #tpu.memory_space<vmem_shared>>
      %dma_start3A_127 = arith.constant 0 : i32
      %dma_start3A_128 = arith.constant 0 : i32
      %dma_start3A_129 = tpu.memref_slice %arg11[%dma_start3A_127, %dma_start3A_128] : memref<128x128xf32, #tpu.memory_space<vmem>> -> memref<128x128xf32, #tpu.memory_space<vmem>>
      tpu.enqueue_dma source(%dma_start3A_129 : memref<128x128xf32, #tpu.memory_space<vmem>>) target(%dma_start3A_126 : memref<128x128xf32, #tpu.memory_space<vmem_shared>>) target_semaphore(%run_scoped3A : memref<!tpu.dma_semaphore, #tpu.memory_space<semaphore_mem>>)
      %dma_wait3A_130 = arith.constant 0 : i32
      %dma_wait3A_131 = arith.constant 0 : i32
      %dma_wait3A_132 = tpu.memref_slice %arg11[%dma_wait3A_130, %dma_wait3A_131] : memref<128x128xf32, #tpu.memory_space<vmem>> -> memref<128x128xf32, #tpu.memory_space<vmem>>
      %dma_wait3A_133 = arith.constant 0 : i32
      %dma_wait3A_134 = tpu.memref_slice %arg13[%add3A_12, %dma_wait3A_133] : memref<10000x128xf32, #tpu.memory_space<vmem_shared>> -> memref<128x128xf32, #tpu.memory_space<vmem_shared>>
      %dma_wait3A_135 = arith.constant 0 : i32
      %dma_wait3A_136 = tpu.memref_slice %arg13[%add3A_12, %dma_wait3A_135] : memref<10000x128xf32, #tpu.memory_space<vmem_shared>> -> memref<128x128xf32, #tpu.memory_space<vmem_shared>>
      %dma_wait3A_137 = arith.constant 0 : i32
      %dma_wait3A_138 = arith.constant 0 : i32
      %dma_wait3A_139 = tpu.memref_slice %arg11[%dma_wait3A_137, %dma_wait3A_138] : memref<128x128xf32, #tpu.memory_space<vmem>> -> memref<128x128xf32, #tpu.memory_space<vmem>>
      tpu.wait_dma2 semaphore(%run_scoped3A : memref<!tpu.dma_semaphore, #tpu.memory_space<semaphore_mem>>) src(%dma_wait3A_139 : memref<128x128xf32, #tpu.memory_space<vmem>>) dst(%dma_wait3A_136 : memref<128x128xf32, #tpu.memory_space<vmem_shared>>)
      tpu.yield
    }) : () -> ()
    %add3A_13 = arith.constant 256 : i32
    %add3A_14 = arith.addi %mul3A_2, %add3A_13 : i32
    "tpu.region"() ({
      %run_scoped3A = tpu.sem_alloc : memref<!tpu.dma_semaphore, #tpu.memory_space<semaphore_mem>>
      %dma_start3A_120 = arith.constant 0 : i32
      %dma_start3A_121 = arith.constant 0 : i32
      %dma_start3A_122 = tpu.memref_slice %arg11[%dma_start3A_120, %dma_start3A_121] : memref<128x128xf32, #tpu.memory_space<vmem>> -> memref<128x128xf32, #tpu.memory_space<vmem>>
      %dma_start3A_123 = arith.constant 0 : i32
      %dma_start3A_124 = tpu.memref_slice %arg13[%add3A_14, %dma_start3A_123] : memref<10000x128xf32, #tpu.memory_space<vmem_shared>> -> memref<128x128xf32, #tpu.memory_space<vmem_shared>>
      %dma_start3A_125 = arith.constant 0 : i32
      %dma_start3A_126 = tpu.memref_slice %arg13[%add3A_14, %dma_start3A_125] : memref<10000x128xf32, #tpu.memory_space<vmem_shared>> -> memref<128x128xf32, #tpu.memory_space<vmem_shared>>
      %dma_start3A_127 = arith.constant 0 : i32
      %dma_start3A_128 = arith.constant 0 : i32
      %dma_start3A_129 = tpu.memref_slice %arg11[%dma_start3A_127, %dma_start3A_128] : memref<128x128xf32, #tpu.memory_space<vmem>> -> memref<128x128xf32, #tpu.memory_space<vmem>>
      tpu.enqueue_dma source(%dma_start3A_129 : memref<128x128xf32, #tpu.memory_space<vmem>>) target(%dma_start3A_126 : memref<128x128xf32, #tpu.memory_space<vmem_shared>>) target_semaphore(%run_scoped3A : memref<!tpu.dma_semaphore, #tpu.memory_space<semaphore_mem>>)
      %dma_wait3A_130 = arith.constant 0 : i32
      %dma_wait3A_131 = arith.constant 0 : i32
      %dma_wait3A_132 = tpu.memref_slice %arg11[%dma_wait3A_130, %dma_wait3A_131] : memref<128x128xf32, #tpu.memory_space<vmem>> -> memref<128x128xf32, #tpu.memory_space<vmem>>
      %dma_wait3A_133 = arith.constant 0 : i32
      %dma_wait3A_134 = tpu.memref_slice %arg13[%add3A_14, %dma_wait3A_133] : memref<10000x128xf32, #tpu.memory_space<vmem_shared>> -> memref<128x128xf32, #tpu.memory_space<vmem_shared>>
      %dma_wait3A_135 = arith.constant 0 : i32
      %dma_wait3A_136 = tpu.memref_slice %arg13[%add3A_14, %dma_wait3A_135] : memref<10000x128xf32, #tpu.memory_space<vmem_shared>> -> memref<128x128xf32, #tpu.memory_space<vmem_shared>>
      %dma_wait3A_137 = arith.constant 0 : i32
      %dma_wait3A_138 = arith.constant 0 : i32
      %dma_wait3A_139 = tpu.memref_slice %arg11[%dma_wait3A_137, %dma_wait3A_138] : memref<128x128xf32, #tpu.memory_space<vmem>> -> memref<128x128xf32, #tpu.memory_space<vmem>>
      tpu.wait_dma2 semaphore(%run_scoped3A : memref<!tpu.dma_semaphore, #tpu.memory_space<semaphore_mem>>) src(%dma_wait3A_139 : memref<128x128xf32, #tpu.memory_space<vmem>>) dst(%dma_wait3A_136 : memref<128x128xf32, #tpu.memory_space<vmem_shared>>)
      tpu.yield
    }) : () -> ()
    %add3A_15 = arith.constant 384 : i32
    %add3A_16 = arith.addi %mul3A_2, %add3A_15 : i32
    "tpu.region"() ({
      %run_scoped3A = tpu.sem_alloc : memref<!tpu.dma_semaphore, #tpu.memory_space<semaphore_mem>>
      %dma_start3A_120 = arith.constant 0 : i32
      %dma_start3A_121 = arith.constant 0 : i32
      %dma_start3A_122 = tpu.memref_slice %arg11[%dma_start3A_120, %dma_start3A_121] : memref<128x128xf32, #tpu.memory_space<vmem>> -> memref<128x128xf32, #tpu.memory_space<vmem>>
      %dma_start3A_123 = arith.constant 0 : i32
      %dma_start3A_124 = tpu.memref_slice %arg13[%add3A_16, %dma_start3A_123] : memref<10000x128xf32, #tpu.memory_space<vmem_shared>> -> memref<128x128xf32, #tpu.memory_space<vmem_shared>>
      %dma_start3A_125 = arith.constant 0 : i32
      %dma_start3A_126 = tpu.memref_slice %arg13[%add3A_16, %dma_start3A_125] : memref<10000x128xf32, #tpu.memory_space<vmem_shared>> -> memref<128x128xf32, #tpu.memory_space<vmem_shared>>
      %dma_start3A_127 = arith.constant 0 : i32
      %dma_start3A_128 = arith.constant 0 : i32
      %dma_start3A_129 = tpu.memref_slice %arg11[%dma_start3A_127, %dma_start3A_128] : memref<128x128xf32, #tpu.memory_space<vmem>> -> memref<128x128xf32, #tpu.memory_space<vmem>>
      tpu.enqueue_dma source(%dma_start3A_129 : memref<128x128xf32, #tpu.memory_space<vmem>>) target(%dma_start3A_126 : memref<128x128xf32, #tpu.memory_space<vmem_shared>>) target_semaphore(%run_scoped3A : memref<!tpu.dma_semaphore, #tpu.memory_space<semaphore_mem>>)
      %dma_wait3A_130 = arith.constant 0 : i32
      %dma_wait3A_131 = arith.constant 0 : i32
      %dma_wait3A_132 = tpu.memref_slice %arg11[%dma_wait3A_130, %dma_wait3A_131] : memref<128x128xf32, #tpu.memory_space<vmem>> -> memref<128x128xf32, #tpu.memory_space<vmem>>
      %dma_wait3A_133 = arith.constant 0 : i32
      %dma_wait3A_134 = tpu.memref_slice %arg13[%add3A_16, %dma_wait3A_133] : memref<10000x128xf32, #tpu.memory_space<vmem_shared>> -> memref<128x128xf32, #tpu.memory_space<vmem_shared>>
      %dma_wait3A_135 = arith.constant 0 : i32
      %dma_wait3A_136 = tpu.memref_slice %arg13[%add3A_16, %dma_wait3A_135] : memref<10000x128xf32, #tpu.memory_space<vmem_shared>> -> memref<128x128xf32, #tpu.memory_space<vmem_shared>>
      %dma_wait3A_137 = arith.constant 0 : i32
      %dma_wait3A_138 = arith.constant 0 : i32
      %dma_wait3A_139 = tpu.memref_slice %arg11[%dma_wait3A_137, %dma_wait3A_138] : memref<128x128xf32, #tpu.memory_space<vmem>> -> memref<128x128xf32, #tpu.memory_space<vmem>>
      tpu.wait_dma2 semaphore(%run_scoped3A : memref<!tpu.dma_semaphore, #tpu.memory_space<semaphore_mem>>) src(%dma_wait3A_139 : memref<128x128xf32, #tpu.memory_space<vmem>>) dst(%dma_wait3A_136 : memref<128x128xf32, #tpu.memory_space<vmem_shared>>)
      tpu.yield
    }) : () -> ()
    %add3A_17 = arith.constant 512 : i32
    %add3A_18 = arith.addi %mul3A_2, %add3A_17 : i32
    "tpu.region"() ({
      %run_scoped3A = tpu.sem_alloc : memref<!tpu.dma_semaphore, #tpu.memory_space<semaphore_mem>>
      %dma_start3A_120 = arith.constant 0 : i32
      %dma_start3A_121 = arith.constant 0 : i32
      %dma_start3A_122 = tpu.memref_slice %arg11[%dma_start3A_120, %dma_start3A_121] : memref<128x128xf32, #tpu.memory_space<vmem>> -> memref<128x128xf32, #tpu.memory_space<vmem>>
      %dma_start3A_123 = arith.constant 0 : i32
      %dma_start3A_124 = tpu.memref_slice %arg13[%add3A_18, %dma_start3A_123] : memref<10000x128xf32, #tpu.memory_space<vmem_shared>> -> memref<128x128xf32, #tpu.memory_space<vmem_shared>>
      %dma_start3A_125 = arith.constant 0 : i32
      %dma_start3A_126 = tpu.memref_slice %arg13[%add3A_18, %dma_start3A_125] : memref<10000x128xf32, #tpu.memory_space<vmem_shared>> -> memref<128x128xf32, #tpu.memory_space<vmem_shared>>
      %dma_start3A_127 = arith.constant 0 : i32
      %dma_start3A_128 = arith.constant 0 : i32
      %dma_start3A_129 = tpu.memref_slice %arg11[%dma_start3A_127, %dma_start3A_128] : memref<128x128xf32, #tpu.memory_space<vmem>> -> memref<128x128xf32, #tpu.memory_space<vmem>>
      tpu.enqueue_dma source(%dma_start3A_129 : memref<128x128xf32, #tpu.memory_space<vmem>>) target(%dma_start3A_126 : memref<128x128xf32, #tpu.memory_space<vmem_shared>>) target_semaphore(%run_scoped3A : memref<!tpu.dma_semaphore, #tpu.memory_space<semaphore_mem>>)
      %dma_wait3A_130 = arith.constant 0 : i32
      %dma_wait3A_131 = arith.constant 0 : i32
      %dma_wait3A_132 = tpu.memref_slice %arg11[%dma_wait3A_130, %dma_wait3A_131] : memref<128x128xf32, #tpu.memory_space<vmem>> -> memref<128x128xf32, #tpu.memory_space<vmem>>
      %dma_wait3A_133 = arith.constant 0 : i32
      %dma_wait3A_134 = tpu.memref_slice %arg13[%add3A_18, %dma_wait3A_133] : memref<10000x128xf32, #tpu.memory_space<vmem_shared>> -> memref<128x128xf32, #tpu.memory_space<vmem_shared>>
      %dma_wait3A_135 = arith.constant 0 : i32
      %dma_wait3A_136 = tpu.memref_slice %arg13[%add3A_18, %dma_wait3A_135] : memref<10000x128xf32, #tpu.memory_space<vmem_shared>> -> memref<128x128xf32, #tpu.memory_space<vmem_shared>>
      %dma_wait3A_137 = arith.constant 0 : i32
      %dma_wait3A_138 = arith.constant 0 : i32
      %dma_wait3A_139 = tpu.memref_slice %arg11[%dma_wait3A_137, %dma_wait3A_138] : memref<128x128xf32, #tpu.memory_space<vmem>> -> memref<128x128xf32, #tpu.memory_space<vmem>>
      tpu.wait_dma2 semaphore(%run_scoped3A : memref<!tpu.dma_semaphore, #tpu.memory_space<semaphore_mem>>) src(%dma_wait3A_139 : memref<128x128xf32, #tpu.memory_space<vmem>>) dst(%dma_wait3A_136 : memref<128x128xf32, #tpu.memory_space<vmem_shared>>)
      tpu.yield
    }) : () -> ()
    %scan3A_19 = arith.constant 0 : i32
    %scan3A_20 = arith.constant 0 : i32
    %scan3A_21 = arith.constant 128 : i32
    %scan3A_22 = arith.addi %scan3A_20, %scan3A_21 : i32
    %scan3A_23 = arith.constant 1 : i32
    scf.for %scan3A_120 = %scan3A_20 to %scan3A_22 step %scan3A_23  : i32 {
      %swap3A = arith.index_cast %scan3A_120 : i32 to index
      %swap3A_121 = arith.constant 0 : index
      %swap3A_122 = tpu.vector_load %arg20[%swap3A, %swap3A_121] {strides = array<i32>} : memref<128x16xf32, #tpu.memory_space<vmem>>, vector<1x16xf32>,
      %swap3A_123 = vector.shape_cast %swap3A_122 : vector<1x16xf32> to vector<16xf32>
      %swap3A_124 = vector.shape_cast %broadcast_in_dim3A_3 : vector<16xf32> to vector<1x16xf32>
      tpu.vector_store %arg20[%swap3A, %swap3A_121], %swap3A_124 {strides = array<i32>} : memref<128x16xf32, #tpu.memory_space<vmem>>, vector<1x16xf32>,
    }
    %scan3A_24 = arith.constant 128 : i32
    %add3A_25 = arith.constant 0 : i32
    %add3A_26 = arith.addi %mul3A_2, %add3A_25 : i32
    "tpu.region"() ({
      %run_scoped3A = tpu.sem_alloc : memref<!tpu.dma_semaphore, #tpu.memory_space<semaphore_mem>>
      %dma_start3A_120 = arith.constant 0 : i32
      %dma_start3A_121 = arith.constant 0 : i32
      %dma_start3A_122 = tpu.memref_slice %arg20[%dma_start3A_120, %dma_start3A_121] : memref<128x16xf32, #tpu.memory_space<vmem>> -> memref<128x16xf32, #tpu.memory_space<vmem>>
      %dma_start3A_123 = arith.constant 0 : i32
      %dma_start3A_124 = tpu.memref_slice %arg21[%add3A_26, %dma_start3A_123] : memref<10000x16xf32, #tpu.memory_space<vmem_shared>> -> memref<128x16xf32, #tpu.memory_space<vmem_shared>>
      %dma_start3A_125 = arith.constant 0 : i32
      %dma_start3A_126 = tpu.memref_slice %arg21[%add3A_26, %dma_start3A_125] : memref<10000x16xf32, #tpu.memory_space<vmem_shared>> -> memref<128x16xf32, #tpu.memory_space<vmem_shared>>
      %dma_start3A_127 = arith.constant 0 : i32
      %dma_start3A_128 = arith.constant 0 : i32
      %dma_start3A_129 = tpu.memref_slice %arg20[%dma_start3A_127, %dma_start3A_128] : memref<128x16xf32, #tpu.memory_space<vmem>> -> memref<128x16xf32, #tpu.memory_space<vmem>>
      tpu.enqueue_dma source(%dma_start3A_129 : memref<128x16xf32, #tpu.memory_space<vmem>>) target(%dma_start3A_126 : memref<128x16xf32, #tpu.memory_space<vmem_shared>>) target_semaphore(%run_scoped3A : memref<!tpu.dma_semaphore, #tpu.memory_space<semaphore_mem>>)
      %dma_wait3A_130 = arith.constant 0 : i32
      %dma_wait3A_131 = arith.constant 0 : i32
      %dma_wait3A_132 = tpu.memref_slice %arg20[%dma_wait3A_130, %dma_wait3A_131] : memref<128x16xf32, #tpu.memory_space<vmem>> -> memref<128x16xf32, #tpu.memory_space<vmem>>
      %dma_wait3A_133 = arith.constant 0 : i32
      %dma_wait3A_134 = tpu.memref_slice %arg21[%add3A_26, %dma_wait3A_133] : memref<10000x16xf32, #tpu.memory_space<vmem_shared>> -> memref<128x16xf32, #tpu.memory_space<vmem_shared>>
      %dma_wait3A_135 = arith.constant 0 : i32
      %dma_wait3A_136 = tpu.memref_slice %arg21[%add3A_26, %dma_wait3A_135] : memref<10000x16xf32, #tpu.memory_space<vmem_shared>> -> memref<128x16xf32, #tpu.memory_space<vmem_shared>>
      %dma_wait3A_137 = arith.constant 0 : i32
      %dma_wait3A_138 = arith.constant 0 : i32
      %dma_wait3A_139 = tpu.memref_slice %arg20[%dma_wait3A_137, %dma_wait3A_138] : memref<128x16xf32, #tpu.memory_space<vmem>> -> memref<128x16xf32, #tpu.memory_space<vmem>>
      tpu.wait_dma2 semaphore(%run_scoped3A : memref<!tpu.dma_semaphore, #tpu.memory_space<semaphore_mem>>) src(%dma_wait3A_139 : memref<128x16xf32, #tpu.memory_space<vmem>>) dst(%dma_wait3A_136 : memref<128x16xf32, #tpu.memory_space<vmem_shared>>)
      tpu.yield
    }) : () -> ()
    %add3A_27 = arith.constant 128 : i32
    %add3A_28 = arith.addi %mul3A_2, %add3A_27 : i32
    "tpu.region"() ({
      %run_scoped3A = tpu.sem_alloc : memref<!tpu.dma_semaphore, #tpu.memory_space<semaphore_mem>>
      %dma_start3A_120 = arith.constant 0 : i32
      %dma_start3A_121 = arith.constant 0 : i32
      %dma_start3A_122 = tpu.memref_slice %arg20[%dma_start3A_120, %dma_start3A_121] : memref<128x16xf32, #tpu.memory_space<vmem>> -> memref<128x16xf32, #tpu.memory_space<vmem>>
      %dma_start3A_123 = arith.constant 0 : i32
      %dma_start3A_124 = tpu.memref_slice %arg21[%add3A_28, %dma_start3A_123] : memref<10000x16xf32, #tpu.memory_space<vmem_shared>> -> memref<128x16xf32, #tpu.memory_space<vmem_shared>>
      %dma_start3A_125 = arith.constant 0 : i32
      %dma_start3A_126 = tpu.memref_slice %arg21[%add3A_28, %dma_start3A_125] : memref<10000x16xf32, #tpu.memory_space<vmem_shared>> -> memref<128x16xf32, #tpu.memory_space<vmem_shared>>
      %dma_start3A_127 = arith.constant 0 : i32
      %dma_start3A_128 = arith.constant 0 : i32
      %dma_start3A_129 = tpu.memref_slice %arg20[%dma_start3A_127, %dma_start3A_128] : memref<128x16xf32, #tpu.memory_space<vmem>> -> memref<128x16xf32, #tpu.memory_space<vmem>>
      tpu.enqueue_dma source(%dma_start3A_129 : memref<128x16xf32, #tpu.memory_space<vmem>>) target(%dma_start3A_126 : memref<128x16xf32, #tpu.memory_space<vmem_shared>>) target_semaphore(%run_scoped3A : memref<!tpu.dma_semaphore, #tpu.memory_space<semaphore_mem>>)
      %dma_wait3A_130 = arith.constant 0 : i32
      %dma_wait3A_131 = arith.constant 0 : i32
      %dma_wait3A_132 = tpu.memref_slice %arg20[%dma_wait3A_130, %dma_wait3A_131] : memref<128x16xf32, #tpu.memory_space<vmem>> -> memref<128x16xf32, #tpu.memory_space<vmem>>
      %dma_wait3A_133 = arith.constant 0 : i32
      %dma_wait3A_134 = tpu.memref_slice %arg21[%add3A_28, %dma_wait3A_133] : memref<10000x16xf32, #tpu.memory_space<vmem_shared>> -> memref<128x16xf32, #tpu.memory_space<vmem_shared>>
      %dma_wait3A_135 = arith.constant 0 : i32
      %dma_wait3A_136 = tpu.memref_slice %arg21[%add3A_28, %dma_wait3A_135] : memref<10000x16xf32, #tpu.memory_space<vmem_shared>> -> memref<128x16xf32, #tpu.memory_space<vmem_shared>>
      %dma_wait3A_137 = arith.constant 0 : i32
      %dma_wait3A_138 = arith.constant 0 : i32
      %dma_wait3A_139 = tpu.memref_slice %arg20[%dma_wait3A_137, %dma_wait3A_138] : memref<128x16xf32, #tpu.memory_space<vmem>> -> memref<128x16xf32, #tpu.memory_space<vmem>>
      tpu.wait_dma2 semaphore(%run_scoped3A : memref<!tpu.dma_semaphore, #tpu.memory_space<semaphore_mem>>) src(%dma_wait3A_139 : memref<128x16xf32, #tpu.memory_space<vmem>>) dst(%dma_wait3A_136 : memref<128x16xf32, #tpu.memory_space<vmem_shared>>)
      tpu.yield
    }) : () -> ()
    %add3A_29 = arith.constant 256 : i32
    %add3A_30 = arith.addi %mul3A_2, %add3A_29 : i32
    "tpu.region"() ({
      %run_scoped3A = tpu.sem_alloc : memref<!tpu.dma_semaphore, #tpu.memory_space<semaphore_mem>>
      %dma_start3A_120 = arith.constant 0 : i32
      %dma_start3A_121 = arith.constant 0 : i32
      %dma_start3A_122 = tpu.memref_slice %arg20[%dma_start3A_120, %dma_start3A_121] : memref<128x16xf32, #tpu.memory_space<vmem>> -> memref<128x16xf32, #tpu.memory_space<vmem>>
      %dma_start3A_123 = arith.constant 0 : i32
      %dma_start3A_124 = tpu.memref_slice %arg21[%add3A_30, %dma_start3A_123] : memref<10000x16xf32, #tpu.memory_space<vmem_shared>> -> memref<128x16xf32, #tpu.memory_space<vmem_shared>>
      %dma_start3A_125 = arith.constant 0 : i32
      %dma_start3A_126 = tpu.memref_slice %arg21[%add3A_30, %dma_start3A_125] : memref<10000x16xf32, #tpu.memory_space<vmem_shared>> -> memref<128x16xf32, #tpu.memory_space<vmem_shared>>
      %dma_start3A_127 = arith.constant 0 : i32
      %dma_start3A_128 = arith.constant 0 : i32
      %dma_start3A_129 = tpu.memref_slice %arg20[%dma_start3A_127, %dma_start3A_128] : memref<128x16xf32, #tpu.memory_space<vmem>> -> memref<128x16xf32, #tpu.memory_space<vmem>>
      tpu.enqueue_dma source(%dma_start3A_129 : memref<128x16xf32, #tpu.memory_space<vmem>>) target(%dma_start3A_126 : memref<128x16xf32, #tpu.memory_space<vmem_shared>>) target_semaphore(%run_scoped3A : memref<!tpu.dma_semaphore, #tpu.memory_space<semaphore_mem>>)
      %dma_wait3A_130 = arith.constant 0 : i32
      %dma_wait3A_131 = arith.constant 0 : i32
      %dma_wait3A_132 = tpu.memref_slice %arg20[%dma_wait3A_130, %dma_wait3A_131] : memref<128x16xf32, #tpu.memory_space<vmem>> -> memref<128x16xf32, #tpu.memory_space<vmem>>
      %dma_wait3A_133 = arith.constant 0 : i32
      %dma_wait3A_134 = tpu.memref_slice %arg21[%add3A_30, %dma_wait3A_133] : memref<10000x16xf32, #tpu.memory_space<vmem_shared>> -> memref<128x16xf32, #tpu.memory_space<vmem_shared>>
      %dma_wait3A_135 = arith.constant 0 : i32
      %dma_wait3A_136 = tpu.memref_slice %arg21[%add3A_30, %dma_wait3A_135] : memref<10000x16xf32, #tpu.memory_space<vmem_shared>> -> memref<128x16xf32, #tpu.memory_space<vmem_shared>>
      %dma_wait3A_137 = arith.constant 0 : i32
      %dma_wait3A_138 = arith.constant 0 : i32
      %dma_wait3A_139 = tpu.memref_slice %arg20[%dma_wait3A_137, %dma_wait3A_138] : memref<128x16xf32, #tpu.memory_space<vmem>> -> memref<128x16xf32, #tpu.memory_space<vmem>>
      tpu.wait_dma2 semaphore(%run_scoped3A : memref<!tpu.dma_semaphore, #tpu.memory_space<semaphore_mem>>) src(%dma_wait3A_139 : memref<128x16xf32, #tpu.memory_space<vmem>>) dst(%dma_wait3A_136 : memref<128x16xf32, #tpu.memory_space<vmem_shared>>)
      tpu.yield
    }) : () -> ()
    %add3A_31 = arith.constant 384 : i32
    %add3A_32 = arith.addi %mul3A_2, %add3A_31 : i32
    "tpu.region"() ({
      %run_scoped3A = tpu.sem_alloc : memref<!tpu.dma_semaphore, #tpu.memory_space<semaphore_mem>>
      %dma_start3A_120 = arith.constant 0 : i32
      %dma_start3A_121 = arith.constant 0 : i32
      %dma_start3A_122 = tpu.memref_slice %arg20[%dma_start3A_120, %dma_start3A_121] : memref<128x16xf32, #tpu.memory_space<vmem>> -> memref<128x16xf32, #tpu.memory_space<vmem>>
      %dma_start3A_123 = arith.constant 0 : i32
      %dma_start3A_124 = tpu.memref_slice %arg21[%add3A_32, %dma_start3A_123] : memref<10000x16xf32, #tpu.memory_space<vmem_shared>> -> memref<128x16xf32, #tpu.memory_space<vmem_shared>>
      %dma_start3A_125 = arith.constant 0 : i32
      %dma_start3A_126 = tpu.memref_slice %arg21[%add3A_32, %dma_start3A_125] : memref<10000x16xf32, #tpu.memory_space<vmem_shared>> -> memref<128x16xf32, #tpu.memory_space<vmem_shared>>
      %dma_start3A_127 = arith.constant 0 : i32
      %dma_start3A_128 = arith.constant 0 : i32
      %dma_start3A_129 = tpu.memref_slice %arg20[%dma_start3A_127, %dma_start3A_128] : memref<128x16xf32, #tpu.memory_space<vmem>> -> memref<128x16xf32, #tpu.memory_space<vmem>>
      tpu.enqueue_dma source(%dma_start3A_129 : memref<128x16xf32, #tpu.memory_space<vmem>>) target(%dma_start3A_126 : memref<128x16xf32, #tpu.memory_space<vmem_shared>>) target_semaphore(%run_scoped3A : memref<!tpu.dma_semaphore, #tpu.memory_space<semaphore_mem>>)
      %dma_wait3A_130 = arith.constant 0 : i32
      %dma_wait3A_131 = arith.constant 0 : i32
      %dma_wait3A_132 = tpu.memref_slice %arg20[%dma_wait3A_130, %dma_wait3A_131] : memref<128x16xf32, #tpu.memory_space<vmem>> -> memref<128x16xf32, #tpu.memory_space<vmem>>
      %dma_wait3A_133 = arith.constant 0 : i32
      %dma_wait3A_134 = tpu.memref_slice %arg21[%add3A_32, %dma_wait3A_133] : memref<10000x16xf32, #tpu.memory_space<vmem_shared>> -> memref<128x16xf32, #tpu.memory_space<vmem_shared>>
      %dma_wait3A_135 = arith.constant 0 : i32
      %dma_wait3A_136 = tpu.memref_slice %arg21[%add3A_32, %dma_wait3A_135] : memref<10000x16xf32, #tpu.memory_space<vmem_shared>> -> memref<128x16xf32, #tpu.memory_space<vmem_shared>>
      %dma_wait3A_137 = arith.constant 0 : i32
      %dma_wait3A_138 = arith.constant 0 : i32
      %dma_wait3A_139 = tpu.memref_slice %arg20[%dma_wait3A_137, %dma_wait3A_138] : memref<128x16xf32, #tpu.memory_space<vmem>> -> memref<128x16xf32, #tpu.memory_space<vmem>>
      tpu.wait_dma2 semaphore(%run_scoped3A : memref<!tpu.dma_semaphore, #tpu.memory_space<semaphore_mem>>) src(%dma_wait3A_139 : memref<128x16xf32, #tpu.memory_space<vmem>>) dst(%dma_wait3A_136 : memref<128x16xf32, #tpu.memory_space<vmem_shared>>)
      tpu.yield
    }) : () -> ()
    %add3A_33 = arith.constant 512 : i32
    %add3A_34 = arith.addi %mul3A_2, %add3A_33 : i32
    "tpu.region"() ({
      %run_scoped3A = tpu.sem_alloc : memref<!tpu.dma_semaphore, #tpu.memory_space<semaphore_mem>>
      %dma_start3A_120 = arith.constant 0 : i32
      %dma_start3A_121 = arith.constant 0 : i32
      %dma_start3A_122 = tpu.memref_slice %arg20[%dma_start3A_120, %dma_start3A_121] : memref<128x16xf32, #tpu.memory_space<vmem>> -> memref<128x16xf32, #tpu.memory_space<vmem>>
      %dma_start3A_123 = arith.constant 0 : i32
      %dma_start3A_124 = tpu.memref_slice %arg21[%add3A_34, %dma_start3A_123] : memref<10000x16xf32, #tpu.memory_space<vmem_shared>> -> memref<128x16xf32, #tpu.memory_space<vmem_shared>>
      %dma_start3A_125 = arith.constant 0 : i32
      %dma_start3A_126 = tpu.memref_slice %arg21[%add3A_34, %dma_start3A_125] : memref<10000x16xf32, #tpu.memory_space<vmem_shared>> -> memref<128x16xf32, #tpu.memory_space<vmem_shared>>
      %dma_start3A_127 = arith.constant 0 : i32
      %dma_start3A_128 = arith.constant 0 : i32
      %dma_start3A_129 = tpu.memref_slice %arg20[%dma_start3A_127, %dma_start3A_128] : memref<128x16xf32, #tpu.memory_space<vmem>> -> memref<128x16xf32, #tpu.memory_space<vmem>>
      tpu.enqueue_dma source(%dma_start3A_129 : memref<128x16xf32, #tpu.memory_space<vmem>>) target(%dma_start3A_126 : memref<128x16xf32, #tpu.memory_space<vmem_shared>>) target_semaphore(%run_scoped3A : memref<!tpu.dma_semaphore, #tpu.memory_space<semaphore_mem>>)
      %dma_wait3A_130 = arith.constant 0 : i32
      %dma_wait3A_131 = arith.constant 0 : i32
      %dma_wait3A_132 = tpu.memref_slice %arg20[%dma_wait3A_130, %dma_wait3A_131] : memref<128x16xf32, #tpu.memory_space<vmem>> -> memref<128x16xf32, #tpu.memory_space<vmem>>
      %dma_wait3A_133 = arith.constant 0 : i32
      %dma_wait3A_134 = tpu.memref_slice %arg21[%add3A_34, %dma_wait3A_133] : memref<10000x16xf32, #tpu.memory_space<vmem_shared>> -> memref<128x16xf32, #tpu.memory_space<vmem_shared>>
      %dma_wait3A_135 = arith.constant 0 : i32
      %dma_wait3A_136 = tpu.memref_slice %arg21[%add3A_34, %dma_wait3A_135] : memref<10000x16xf32, #tpu.memory_space<vmem_shared>> -> memref<128x16xf32, #tpu.memory_space<vmem_shared>>
      %dma_wait3A_137 = arith.constant 0 : i32
      %dma_wait3A_138 = arith.constant 0 : i32
      %dma_wait3A_139 = tpu.memref_slice %arg20[%dma_wait3A_137, %dma_wait3A_138] : memref<128x16xf32, #tpu.memory_space<vmem>> -> memref<128x16xf32, #tpu.memory_space<vmem>>
      tpu.wait_dma2 semaphore(%run_scoped3A : memref<!tpu.dma_semaphore, #tpu.memory_space<semaphore_mem>>) src(%dma_wait3A_139 : memref<128x16xf32, #tpu.memory_space<vmem>>) dst(%dma_wait3A_136 : memref<128x16xf32, #tpu.memory_space<vmem_shared>>)
      tpu.yield
    }) : () -> ()
    %scan3A_35 = arith.constant 0 : i32
    %scan3A_36 = arith.constant 0 : i32
    %scan3A_37 = arith.constant 128 : i32
    %scan3A_38 = arith.addi %scan3A_36, %scan3A_37 : i32
    %scan3A_39 = arith.constant 1 : i32
    scf.for %scan3A_120 = %scan3A_36 to %scan3A_38 step %scan3A_39  : i32 {
      %broadcast_in_dim3A_121 = arith.constant 1.000000e+00 : f32
      %broadcast_in_dim3A_122 = vector.broadcast %broadcast_in_dim3A_121 : f32 to vector<16xf32>
      %swap3A = arith.index_cast %scan3A_120 : i32 to index
      %swap3A_123 = arith.constant 0 : index
      %swap3A_124 = tpu.vector_load %arg20[%swap3A, %swap3A_123] {strides = array<i32>} : memref<128x16xf32, #tpu.memory_space<vmem>>, vector<1x16xf32>,
      %swap3A_125 = vector.shape_cast %swap3A_124 : vector<1x16xf32> to vector<16xf32>
      %swap3A_126 = vector.shape_cast %broadcast_in_dim3A_122 : vector<16xf32> to vector<1x16xf32>
      tpu.vector_store %arg20[%swap3A, %swap3A_123], %swap3A_126 {strides = array<i32>} : memref<128x16xf32, #tpu.memory_space<vmem>>, vector<1x16xf32>,
    }
    %scan3A_40 = arith.constant 128 : i32
    %barrier3A = arith.constant 0 : index
    tpu.barrier barrier_id(%barrier3A)
    %mul3A_41 = arith.constant 78 : i32
    %mul3A_42 = arith.muli %add3A, %mul3A_41 : i32
    %mul3A_43 = arith.constant 128 : i32
    %mul3A_44 = arith.muli %mul3A_42, %mul3A_43 : i32
    %dma_start3A = tpu.memref_slice %arg3[%mul3A_44] : memref<320000xi32, #tpu.memory_space<hbm>> -> memref<128xi32, #tpu.memory_space<hbm>>
    %dma_start3A_45 = tpu.memref_slice %arg3[%mul3A_44] : memref<320000xi32, #tpu.memory_space<hbm>> -> memref<128xi32, #tpu.memory_space<hbm>>
    tpu.enqueue_dma source(%dma_start3A_45 : memref<128xi32, #tpu.memory_space<hbm>>) target(%arg7 : memref<128xi32, #tpu.memory_space<vmem>>) target_semaphore(%arg14 : memref<!tpu.dma_semaphore, #tpu.memory_space<semaphore_mem>>)
    %mul3A_46 = arith.constant 128 : i32
    %mul3A_47 = arith.muli %mul3A_42, %mul3A_46 : i32
    %dma_start3A_48 = tpu.memref_slice %arg4[%mul3A_47] : memref<320000xi32, #tpu.memory_space<hbm>> -> memref<128xi32, #tpu.memory_space<hbm>>
    %dma_start3A_49 = tpu.memref_slice %arg4[%mul3A_47] : memref<320000xi32, #tpu.memory_space<hbm>> -> memref<128xi32, #tpu.memory_space<hbm>>
    tpu.enqueue_dma source(%dma_start3A_49 : memref<128xi32, #tpu.memory_space<hbm>>) target(%arg9 : memref<128xi32, #tpu.memory_space<vmem>>) target_semaphore(%arg14 : memref<!tpu.dma_semaphore, #tpu.memory_space<semaphore_mem>>)
    %mul3A_50 = arith.constant 128 : i32
    %mul3A_51 = arith.muli %mul3A_42, %mul3A_50 : i32
    %dma_wait3A = tpu.memref_slice %arg3[%mul3A_51] : memref<320000xi32, #tpu.memory_space<hbm>> -> memref<128xi32, #tpu.memory_space<hbm>>
    %dma_wait3A_52 = tpu.memref_slice %arg3[%mul3A_51] : memref<320000xi32, #tpu.memory_space<hbm>> -> memref<128xi32, #tpu.memory_space<hbm>>
    tpu.wait_dma2 semaphore(%arg14 : memref<!tpu.dma_semaphore, #tpu.memory_space<semaphore_mem>>) src(%dma_wait3A_52 : memref<128xi32, #tpu.memory_space<hbm>>) dst(%arg7 : memref<128xi32, #tpu.memory_space<vmem>>)
    %mul3A_53 = arith.constant 128 : i32
    %mul3A_54 = arith.muli %mul3A_42, %mul3A_53 : i32
    %dma_wait3A_55 = tpu.memref_slice %arg4[%mul3A_54] : memref<320000xi32, #tpu.memory_space<hbm>> -> memref<128xi32, #tpu.memory_space<hbm>>
    %dma_wait3A_56 = tpu.memref_slice %arg4[%mul3A_54] : memref<320000xi32, #tpu.memory_space<hbm>> -> memref<128xi32, #tpu.memory_space<hbm>>
    tpu.wait_dma2 semaphore(%arg14 : memref<!tpu.dma_semaphore, #tpu.memory_space<semaphore_mem>>) src(%dma_wait3A_56 : memref<128xi32, #tpu.memory_space<hbm>>) dst(%arg9 : memref<128xi32, #tpu.memory_space<vmem>>)
    %dma_start3A_57 = arith.constant 0 : i32
    %dma_start3A_58 = arith.constant 0 : i32
    %dma_start3A_59 = tpu.memref_slice %arg2[%dma_start3A_57, %dma_start3A_58] : memref<10000x128xf32, #tpu.memory_space<hbm>> -> memref<10000x128xf32, #tpu.memory_space<hbm>>
    tpu.enqueue_indirect_dma source(%dma_start3A_59 : memref<10000x128xf32, #tpu.memory_space<hbm>>) target(%arg11 : memref<128x128xf32, #tpu.memory_space<vmem>>) offsets(%arg7 : memref<128xi32, #tpu.memory_space<vmem>>) semaphore(%arg16 : memref<!tpu.dma_semaphore, #tpu.memory_space<semaphore_mem>>)
    %add3A_60 = arith.constant 1 : i32
    %add3A_61 = arith.addi %mul3A_42, %add3A_60 : i32
    %mul3A_62 = arith.constant 128 : i32
    %mul3A_63 = arith.muli %add3A_61, %mul3A_62 : i32
    %dma_start3A_64 = tpu.memref_slice %arg3[%mul3A_63] : memref<320000xi32, #tpu.memory_space<hbm>> -> memref<128xi32, #tpu.memory_space<hbm>>
    %dma_start3A_65 = tpu.memref_slice %arg3[%mul3A_63] : memref<320000xi32, #tpu.memory_space<hbm>> -> memref<128xi32, #tpu.memory_space<hbm>>
    tpu.enqueue_dma source(%dma_start3A_65 : memref<128xi32, #tpu.memory_space<hbm>>) target(%arg8 : memref<128xi32, #tpu.memory_space<vmem>>) target_semaphore(%arg15 : memref<!tpu.dma_semaphore, #tpu.memory_space<semaphore_mem>>)
    %mul3A_66 = arith.constant 128 : i32
    %mul3A_67 = arith.muli %add3A_61, %mul3A_66 : i32
    %dma_start3A_68 = tpu.memref_slice %arg4[%mul3A_67] : memref<320000xi32, #tpu.memory_space<hbm>> -> memref<128xi32, #tpu.memory_space<hbm>>
    %dma_start3A_69 = tpu.memref_slice %arg4[%mul3A_67] : memref<320000xi32, #tpu.memory_space<hbm>> -> memref<128xi32, #tpu.memory_space<hbm>>
    tpu.enqueue_dma source(%dma_start3A_69 : memref<128xi32, #tpu.memory_space<hbm>>) target(%arg10 : memref<128xi32, #tpu.memory_space<vmem>>) target_semaphore(%arg15 : memref<!tpu.dma_semaphore, #tpu.memory_space<semaphore_mem>>)
    %mul3A_70 = arith.constant 128 : i32
    %mul3A_71 = arith.muli %add3A_61, %mul3A_70 : i32
    %dma_wait3A_72 = tpu.memref_slice %arg3[%mul3A_71] : memref<320000xi32, #tpu.memory_space<hbm>> -> memref<128xi32, #tpu.memory_space<hbm>>
    %dma_wait3A_73 = tpu.memref_slice %arg3[%mul3A_71] : memref<320000xi32, #tpu.memory_space<hbm>> -> memref<128xi32, #tpu.memory_space<hbm>>
    tpu.wait_dma2 semaphore(%arg15 : memref<!tpu.dma_semaphore, #tpu.memory_space<semaphore_mem>>) src(%dma_wait3A_73 : memref<128xi32, #tpu.memory_space<hbm>>) dst(%arg8 : memref<128xi32, #tpu.memory_space<vmem>>)
    %mul3A_74 = arith.constant 128 : i32
    %mul3A_75 = arith.muli %add3A_61, %mul3A_74 : i32
    %dma_wait3A_76 = tpu.memref_slice %arg4[%mul3A_75] : memref<320000xi32, #tpu.memory_space<hbm>> -> memref<128xi32, #tpu.memory_space<hbm>>
    %dma_wait3A_77 = tpu.memref_slice %arg4[%mul3A_75] : memref<320000xi32, #tpu.memory_space<hbm>> -> memref<128xi32, #tpu.memory_space<hbm>>
    tpu.wait_dma2 semaphore(%arg15 : memref<!tpu.dma_semaphore, #tpu.memory_space<semaphore_mem>>) src(%dma_wait3A_77 : memref<128xi32, #tpu.memory_space<hbm>>) dst(%arg10 : memref<128xi32, #tpu.memory_space<vmem>>)
    %dma_start3A_78 = arith.constant 0 : i32
    %dma_start3A_79 = arith.constant 0 : i32
    %dma_start3A_80 = tpu.memref_slice %arg2[%dma_start3A_78, %dma_start3A_79] : memref<10000x128xf32, #tpu.memory_space<hbm>> -> memref<10000x128xf32, #tpu.memory_space<hbm>>
    tpu.enqueue_indirect_dma source(%dma_start3A_80 : memref<10000x128xf32, #tpu.memory_space<hbm>>) target(%arg12 : memref<128x128xf32, #tpu.memory_space<vmem>>) offsets(%arg8 : memref<128xi32, #tpu.memory_space<vmem>>) semaphore(%arg17 : memref<!tpu.dma_semaphore, #tpu.memory_space<semaphore_mem>>)
    %dma_wait3A_81 = arith.constant 0 : i32
    %dma_wait3A_82 = arith.constant 0 : i32
    %dma_wait3A_83 = tpu.memref_slice %arg2[%dma_wait3A_81, %dma_wait3A_82] : memref<10000x128xf32, #tpu.memory_space<hbm>> -> memref<10000x128xf32, #tpu.memory_space<hbm>>
    tpu.wait_indirect_dma semaphore(%arg16 : memref<!tpu.dma_semaphore, #tpu.memory_space<semaphore_mem>>) src(%dma_wait3A_83 : memref<10000x128xf32, #tpu.memory_space<hbm>>) dst(%arg11 : memref<128x128xf32, #tpu.memory_space<vmem>>)
    %dma_start3A_84 = arith.constant 0 : i32
    %dma_start3A_85 = arith.constant 0 : i32
    %dma_start3A_86 = tpu.memref_slice %arg13[%dma_start3A_84, %dma_start3A_85] : memref<10000x128xf32, #tpu.memory_space<vmem_shared>> -> memref<10000x128xf32, #tpu.memory_space<vmem_shared>>
    tpu.enqueue_indirect_dma source(%arg11 : memref<128x128xf32, #tpu.memory_space<vmem>>) target(%dma_start3A_86 : memref<10000x128xf32, #tpu.memory_space<vmem_shared>>) offsets(%arg9 : memref<128xi32, #tpu.memory_space<vmem>>) semaphore(%arg18 : memref<!tpu.dma_semaphore, #tpu.memory_space<semaphore_mem>>) {add = true}
    %dma_start3A_87 = arith.constant 0 : i32
    %dma_start3A_88 = arith.constant 0 : i32
    %dma_start3A_89 = tpu.memref_slice %arg21[%dma_start3A_87, %dma_start3A_88] : memref<10000x16xf32, #tpu.memory_space<vmem_shared>> -> memref<10000x16xf32, #tpu.memory_space<vmem_shared>>
    tpu.enqueue_indirect_dma source(%arg20 : memref<128x16xf32, #tpu.memory_space<vmem>>) target(%dma_start3A_89 : memref<10000x16xf32, #tpu.memory_space<vmem_shared>>) offsets(%arg9 : memref<128xi32, #tpu.memory_space<vmem>>) semaphore(%arg18 : memref<!tpu.dma_semaphore, #tpu.memory_space<semaphore_mem>>) {add = true}
    %scan3A_90 = arith.constant 0 : i32
    %scan3A_91 = arith.constant 1 : i32
    %scan3A_92 = arith.constant 38 : i32
    %scan3A_93 = arith.addi %scan3A_91, %scan3A_92 : i32
    %scan3A_94 = arith.constant 1 : i32
    scf.for %scan3A_120 = %scan3A_91 to %scan3A_93 step %scan3A_94  : i32 {
      %mul3A_121 = arith.constant 2 : i32
      %mul3A_122 = arith.muli %mul3A_121, %scan3A_120 : i32
      %add3A_123 = arith.addi %mul3A_42, %mul3A_122 : i32
      %dma_wait3A_124 = arith.constant 0 : i32
      %dma_wait3A_125 = arith.constant 0 : i32
      %dma_wait3A_126 = tpu.memref_slice %arg13[%dma_wait3A_124, %dma_wait3A_125] : memref<10000x128xf32, #tpu.memory_space<vmem_shared>> -> memref<10000x128xf32, #tpu.memory_space<vmem_shared>>
      tpu.wait_indirect_dma semaphore(%arg18 : memref<!tpu.dma_semaphore, #tpu.memory_space<semaphore_mem>>) src(%arg11 : memref<128x128xf32, #tpu.memory_space<vmem>>) dst(%dma_wait3A_126 : memref<10000x128xf32, #tpu.memory_space<vmem_shared>>)
      %dma_wait3A_127 = arith.constant 0 : i32
      %dma_wait3A_128 = arith.constant 0 : i32
      %dma_wait3A_129 = tpu.memref_slice %arg21[%dma_wait3A_127, %dma_wait3A_128] : memref<10000x16xf32, #tpu.memory_space<vmem_shared>> -> memref<10000x16xf32, #tpu.memory_space<vmem_shared>>
      tpu.wait_indirect_dma semaphore(%arg18 : memref<!tpu.dma_semaphore, #tpu.memory_space<semaphore_mem>>) src(%arg20 : memref<128x16xf32, #tpu.memory_space<vmem>>) dst(%dma_wait3A_129 : memref<10000x16xf32, #tpu.memory_space<vmem_shared>>)
      %mul3A_130 = arith.constant 128 : i32
      %mul3A_131 = arith.muli %add3A_123, %mul3A_130 : i32
      %dma_start3A_132 = tpu.memref_slice %arg3[%mul3A_131] : memref<320000xi32, #tpu.memory_space<hbm>> -> memref<128xi32, #tpu.memory_space<hbm>>
      %dma_start3A_133 = tpu.memref_slice %arg3[%mul3A_131] : memref<320000xi32, #tpu.memory_space<hbm>> -> memref<128xi32, #tpu.memory_space<hbm>>
      tpu.enqueue_dma source(%dma_start3A_133 : memref<128xi32, #tpu.memory_space<hbm>>) target(%arg7 : memref<128xi32, #tpu.memory_space<vmem>>) target_semaphore(%arg14 : memref<!tpu.dma_semaphore, #tpu.memory_space<semaphore_mem>>)
      %mul3A_134 = arith.constant 128 : i32
      %mul3A_135 = arith.muli %add3A_123, %mul3A_134 : i32
      %dma_start3A_136 = tpu.memref_slice %arg4[%mul3A_135] : memref<320000xi32, #tpu.memory_space<hbm>> -> memref<128xi32, #tpu.memory_space<hbm>>
      %dma_start3A_137 = tpu.memref_slice %arg4[%mul3A_135] : memref<320000xi32, #tpu.memory_space<hbm>> -> memref<128xi32, #tpu.memory_space<hbm>>
      tpu.enqueue_dma source(%dma_start3A_137 : memref<128xi32, #tpu.memory_space<hbm>>) target(%arg9 : memref<128xi32, #tpu.memory_space<vmem>>) target_semaphore(%arg14 : memref<!tpu.dma_semaphore, #tpu.memory_space<semaphore_mem>>)
      %mul3A_138 = arith.constant 128 : i32
      %mul3A_139 = arith.muli %add3A_123, %mul3A_138 : i32
      %dma_wait3A_140 = tpu.memref_slice %arg3[%mul3A_139] : memref<320000xi32, #tpu.memory_space<hbm>> -> memref<128xi32, #tpu.memory_space<hbm>>
      %dma_wait3A_141 = tpu.memref_slice %arg3[%mul3A_139] : memref<320000xi32, #tpu.memory_space<hbm>> -> memref<128xi32, #tpu.memory_space<hbm>>
      tpu.wait_dma2 semaphore(%arg14 : memref<!tpu.dma_semaphore, #tpu.memory_space<semaphore_mem>>) src(%dma_wait3A_141 : memref<128xi32, #tpu.memory_space<hbm>>) dst(%arg7 : memref<128xi32, #tpu.memory_space<vmem>>)
      %mul3A_142 = arith.constant 128 : i32
      %mul3A_143 = arith.muli %add3A_123, %mul3A_142 : i32
      %dma_wait3A_144 = tpu.memref_slice %arg4[%mul3A_143] : memref<320000xi32, #tpu.memory_space<hbm>> -> memref<128xi32, #tpu.memory_space<hbm>>
      %dma_wait3A_145 = tpu.memref_slice %arg4[%mul3A_143] : memref<320000xi32, #tpu.memory_space<hbm>> -> memref<128xi32, #tpu.memory_space<hbm>>
      tpu.wait_dma2 semaphore(%arg14 : memref<!tpu.dma_semaphore, #tpu.memory_space<semaphore_mem>>) src(%dma_wait3A_145 : memref<128xi32, #tpu.memory_space<hbm>>) dst(%arg9 : memref<128xi32, #tpu.memory_space<vmem>>)
      %dma_start3A_146 = arith.constant 0 : i32
      %dma_start3A_147 = arith.constant 0 : i32
      %dma_start3A_148 = tpu.memref_slice %arg2[%dma_start3A_146, %dma_start3A_147] : memref<10000x128xf32, #tpu.memory_space<hbm>> -> memref<10000x128xf32, #tpu.memory_space<hbm>>
      tpu.enqueue_indirect_dma source(%dma_start3A_148 : memref<10000x128xf32, #tpu.memory_space<hbm>>) target(%arg11 : memref<128x128xf32, #tpu.memory_space<vmem>>) offsets(%arg7 : memref<128xi32, #tpu.memory_space<vmem>>) semaphore(%arg16 : memref<!tpu.dma_semaphore, #tpu.memory_space<semaphore_mem>>)
      %dma_wait3A_149 = arith.constant 0 : i32
      %dma_wait3A_150 = arith.constant 0 : i32
      %dma_wait3A_151 = tpu.memref_slice %arg2[%dma_wait3A_149, %dma_wait3A_150] : memref<10000x128xf32, #tpu.memory_space<hbm>> -> memref<10000x128xf32, #tpu.memory_space<hbm>>
      tpu.wait_indirect_dma semaphore(%arg17 : memref<!tpu.dma_semaphore, #tpu.memory_space<semaphore_mem>>) src(%dma_wait3A_151 : memref<10000x128xf32, #tpu.memory_space<hbm>>) dst(%arg12 : memref<128x128xf32, #tpu.memory_space<vmem>>)
      %dma_start3A_152 = arith.constant 0 : i32
      %dma_start3A_153 = arith.constant 0 : i32
      %dma_start3A_154 = tpu.memref_slice %arg13[%dma_start3A_152, %dma_start3A_153] : memref<10000x128xf32, #tpu.memory_space<vmem_shared>> -> memref<10000x128xf32, #tpu.memory_space<vmem_shared>>
      tpu.enqueue_indirect_dma source(%arg12 : memref<128x128xf32, #tpu.memory_space<vmem>>) target(%dma_start3A_154 : memref<10000x128xf32, #tpu.memory_space<vmem_shared>>) offsets(%arg10 : memref<128xi32, #tpu.memory_space<vmem>>) semaphore(%arg19 : memref<!tpu.dma_semaphore, #tpu.memory_space<semaphore_mem>>) {add = true}
      %dma_start3A_155 = arith.constant 0 : i32
      %dma_start3A_156 = arith.constant 0 : i32
      %dma_start3A_157 = tpu.memref_slice %arg21[%dma_start3A_155, %dma_start3A_156] : memref<10000x16xf32, #tpu.memory_space<vmem_shared>> -> memref<10000x16xf32, #tpu.memory_space<vmem_shared>>
      tpu.enqueue_indirect_dma source(%arg20 : memref<128x16xf32, #tpu.memory_space<vmem>>) target(%dma_start3A_157 : memref<10000x16xf32, #tpu.memory_space<vmem_shared>>) offsets(%arg10 : memref<128xi32, #tpu.memory_space<vmem>>) semaphore(%arg19 : memref<!tpu.dma_semaphore, #tpu.memory_space<semaphore_mem>>) {add = true}
      %dma_wait3A_158 = arith.constant 0 : i32
      %dma_wait3A_159 = arith.constant 0 : i32
      %dma_wait3A_160 = tpu.memref_slice %arg13[%dma_wait3A_158, %dma_wait3A_159] : memref<10000x128xf32, #tpu.memory_space<vmem_shared>> -> memref<10000x128xf32, #tpu.memory_space<vmem_shared>>
      tpu.wait_indirect_dma semaphore(%arg19 : memref<!tpu.dma_semaphore, #tpu.memory_space<semaphore_mem>>) src(%arg12 : memref<128x128xf32, #tpu.memory_space<vmem>>) dst(%dma_wait3A_160 : memref<10000x128xf32, #tpu.memory_space<vmem_shared>>)
      %dma_wait3A_161 = arith.constant 0 : i32
      %dma_wait3A_162 = arith.constant 0 : i32
      %dma_wait3A_163 = tpu.memref_slice %arg21[%dma_wait3A_161, %dma_wait3A_162] : memref<10000x16xf32, #tpu.memory_space<vmem_shared>> -> memref<10000x16xf32, #tpu.memory_space<vmem_shared>>
      tpu.wait_indirect_dma semaphore(%arg19 : memref<!tpu.dma_semaphore, #tpu.memory_space<semaphore_mem>>) src(%arg20 : memref<128x16xf32, #tpu.memory_space<vmem>>) dst(%dma_wait3A_163 : memref<10000x16xf32, #tpu.memory_space<vmem_shared>>)
      %add3A_164 = arith.constant 1 : i32
      %add3A_165 = arith.addi %add3A_123, %add3A_164 : i32
      %mul3A_166 = arith.constant 128 : i32
      %mul3A_167 = arith.muli %add3A_165, %mul3A_166 : i32
      %dma_start3A_168 = tpu.memref_slice %arg3[%mul3A_167] : memref<320000xi32, #tpu.memory_space<hbm>> -> memref<128xi32, #tpu.memory_space<hbm>>
      %dma_start3A_169 = tpu.memref_slice %arg3[%mul3A_167] : memref<320000xi32, #tpu.memory_space<hbm>> -> memref<128xi32, #tpu.memory_space<hbm>>
      tpu.enqueue_dma source(%dma_start3A_169 : memref<128xi32, #tpu.memory_space<hbm>>) target(%arg8 : memref<128xi32, #tpu.memory_space<vmem>>) target_semaphore(%arg15 : memref<!tpu.dma_semaphore, #tpu.memory_space<semaphore_mem>>)
      %mul3A_170 = arith.constant 128 : i32
      %mul3A_171 = arith.muli %add3A_165, %mul3A_170 : i32
      %dma_start3A_172 = tpu.memref_slice %arg4[%mul3A_171] : memref<320000xi32, #tpu.memory_space<hbm>> -> memref<128xi32, #tpu.memory_space<hbm>>
      %dma_start3A_173 = tpu.memref_slice %arg4[%mul3A_171] : memref<320000xi32, #tpu.memory_space<hbm>> -> memref<128xi32, #tpu.memory_space<hbm>>
      tpu.enqueue_dma source(%dma_start3A_173 : memref<128xi32, #tpu.memory_space<hbm>>) target(%arg10 : memref<128xi32, #tpu.memory_space<vmem>>) target_semaphore(%arg15 : memref<!tpu.dma_semaphore, #tpu.memory_space<semaphore_mem>>)
      %mul3A_174 = arith.constant 128 : i32
      %mul3A_175 = arith.muli %add3A_165, %mul3A_174 : i32
      %dma_wait3A_176 = tpu.memref_slice %arg3[%mul3A_175] : memref<320000xi32, #tpu.memory_space<hbm>> -> memref<128xi32, #tpu.memory_space<hbm>>
      %dma_wait3A_177 = tpu.memref_slice %arg3[%mul3A_175] : memref<320000xi32, #tpu.memory_space<hbm>> -> memref<128xi32, #tpu.memory_space<hbm>>
      tpu.wait_dma2 semaphore(%arg15 : memref<!tpu.dma_semaphore, #tpu.memory_space<semaphore_mem>>) src(%dma_wait3A_177 : memref<128xi32, #tpu.memory_space<hbm>>) dst(%arg8 : memref<128xi32, #tpu.memory_space<vmem>>)
      %mul3A_178 = arith.constant 128 : i32
      %mul3A_179 = arith.muli %add3A_165, %mul3A_178 : i32
      %dma_wait3A_180 = tpu.memref_slice %arg4[%mul3A_179] : memref<320000xi32, #tpu.memory_space<hbm>> -> memref<128xi32, #tpu.memory_space<hbm>>
      %dma_wait3A_181 = tpu.memref_slice %arg4[%mul3A_179] : memref<320000xi32, #tpu.memory_space<hbm>> -> memref<128xi32, #tpu.memory_space<hbm>>
      tpu.wait_dma2 semaphore(%arg15 : memref<!tpu.dma_semaphore, #tpu.memory_space<semaphore_mem>>) src(%dma_wait3A_181 : memref<128xi32, #tpu.memory_space<hbm>>) dst(%arg10 : memref<128xi32, #tpu.memory_space<vmem>>)
      %dma_start3A_182 = arith.constant 0 : i32
      %dma_start3A_183 = arith.constant 0 : i32
      %dma_start3A_184 = tpu.memref_slice %arg2[%dma_start3A_182, %dma_start3A_183] : memref<10000x128xf32, #tpu.memory_space<hbm>> -> memref<10000x128xf32, #tpu.memory_space<hbm>>
      tpu.enqueue_indirect_dma source(%dma_start3A_184 : memref<10000x128xf32, #tpu.memory_space<hbm>>) target(%arg12 : memref<128x128xf32, #tpu.memory_space<vmem>>) offsets(%arg8 : memref<128xi32, #tpu.memory_space<vmem>>) semaphore(%arg17 : memref<!tpu.dma_semaphore, #tpu.memory_space<semaphore_mem>>)
      %dma_wait3A_185 = arith.constant 0 : i32
      %dma_wait3A_186 = arith.constant 0 : i32
      %dma_wait3A_187 = tpu.memref_slice %arg2[%dma_wait3A_185, %dma_wait3A_186] : memref<10000x128xf32, #tpu.memory_space<hbm>> -> memref<10000x128xf32, #tpu.memory_space<hbm>>
      tpu.wait_indirect_dma semaphore(%arg16 : memref<!tpu.dma_semaphore, #tpu.memory_space<semaphore_mem>>) src(%dma_wait3A_187 : memref<10000x128xf32, #tpu.memory_space<hbm>>) dst(%arg11 : memref<128x128xf32, #tpu.memory_space<vmem>>)
      %dma_start3A_188 = arith.constant 0 : i32
      %dma_start3A_189 = arith.constant 0 : i32
      %dma_start3A_190 = tpu.memref_slice %arg13[%dma_start3A_188, %dma_start3A_189] : memref<10000x128xf32, #tpu.memory_space<vmem_shared>> -> memref<10000x128xf32, #tpu.memory_space<vmem_shared>>
      tpu.enqueue_indirect_dma source(%arg11 : memref<128x128xf32, #tpu.memory_space<vmem>>) target(%dma_start3A_190 : memref<10000x128xf32, #tpu.memory_space<vmem_shared>>) offsets(%arg9 : memref<128xi32, #tpu.memory_space<vmem>>) semaphore(%arg18 : memref<!tpu.dma_semaphore, #tpu.memory_space<semaphore_mem>>) {add = true}
      %dma_start3A_191 = arith.constant 0 : i32
      %dma_start3A_192 = arith.constant 0 : i32
      %dma_start3A_193 = tpu.memref_slice %arg21[%dma_start3A_191, %dma_start3A_192] : memref<10000x16xf32, #tpu.memory_space<vmem_shared>> -> memref<10000x16xf32, #tpu.memory_space<vmem_shared>>
      tpu.enqueue_indirect_dma source(%arg20 : memref<128x16xf32, #tpu.memory_space<vmem>>) target(%dma_start3A_193 : memref<10000x16xf32, #tpu.memory_space<vmem_shared>>) offsets(%arg9 : memref<128xi32, #tpu.memory_space<vmem>>) semaphore(%arg18 : memref<!tpu.dma_semaphore, #tpu.memory_space<semaphore_mem>>) {add = true}
    }
    %scan3A_95 = arith.constant 38 : i32
    %dma_wait3A_96 = arith.constant 0 : i32
    %dma_wait3A_97 = arith.constant 0 : i32
    %dma_wait3A_98 = tpu.memref_slice %arg13[%dma_wait3A_96, %dma_wait3A_97] : memref<10000x128xf32, #tpu.memory_space<vmem_shared>> -> memref<10000x128xf32, #tpu.memory_space<vmem_shared>>
    tpu.wait_indirect_dma semaphore(%arg18 : memref<!tpu.dma_semaphore, #tpu.memory_space<semaphore_mem>>) src(%arg11 : memref<128x128xf32, #tpu.memory_space<vmem>>) dst(%dma_wait3A_98 : memref<10000x128xf32, #tpu.memory_space<vmem_shared>>)
    %dma_wait3A_99 = arith.constant 0 : i32
    %dma_wait3A_100 = arith.constant 0 : i32
    %dma_wait3A_101 = tpu.memref_slice %arg21[%dma_wait3A_99, %dma_wait3A_100] : memref<10000x16xf32, #tpu.memory_space<vmem_shared>> -> memref<10000x16xf32, #tpu.memory_space<vmem_shared>>
    tpu.wait_indirect_dma semaphore(%arg18 : memref<!tpu.dma_semaphore, #tpu.memory_space<semaphore_mem>>) src(%arg20 : memref<128x16xf32, #tpu.memory_space<vmem>>) dst(%dma_wait3A_101 : memref<10000x16xf32, #tpu.memory_space<vmem_shared>>)
    %dma_wait3A_102 = arith.constant 0 : i32
    %dma_wait3A_103 = arith.constant 0 : i32
    %dma_wait3A_104 = tpu.memref_slice %arg2[%dma_wait3A_102, %dma_wait3A_103] : memref<10000x128xf32, #tpu.memory_space<hbm>> -> memref<10000x128xf32, #tpu.memory_space<hbm>>
    tpu.wait_indirect_dma semaphore(%arg17 : memref<!tpu.dma_semaphore, #tpu.memory_space<semaphore_mem>>) src(%dma_wait3A_104 : memref<10000x128xf32, #tpu.memory_space<hbm>>) dst(%arg12 : memref<128x128xf32, #tpu.memory_space<vmem>>)
    %dma_start3A_105 = arith.constant 0 : i32
    %dma_start3A_106 = arith.constant 0 : i32
    %dma_start3A_107 = tpu.memref_slice %arg13[%dma_start3A_105, %dma_start3A_106] : memref<10000x128xf32, #tpu.memory_space<vmem_shared>> -> memref<10000x128xf32, #tpu.memory_space<vmem_shared>>
    tpu.enqueue_indirect_dma source(%arg12 : memref<128x128xf32, #tpu.memory_space<vmem>>) target(%dma_start3A_107 : memref<10000x128xf32, #tpu.memory_space<vmem_shared>>) offsets(%arg10 : memref<128xi32, #tpu.memory_space<vmem>>) semaphore(%arg19 : memref<!tpu.dma_semaphore, #tpu.memory_space<semaphore_mem>>) {add = true}
    %dma_start3A_108 = arith.constant 0 : i32
    %dma_start3A_109 = arith.constant 0 : i32
    %dma_start3A_110 = tpu.memref_slice %arg21[%dma_start3A_108, %dma_start3A_109] : memref<10000x16xf32, #tpu.memory_space<vmem_shared>> -> memref<10000x16xf32, #tpu.memory_space<vmem_shared>>
    tpu.enqueue_indirect_dma source(%arg20 : memref<128x16xf32, #tpu.memory_space<vmem>>) target(%dma_start3A_110 : memref<10000x16xf32, #tpu.memory_space<vmem_shared>>) offsets(%arg10 : memref<128xi32, #tpu.memory_space<vmem>>) semaphore(%arg19 : memref<!tpu.dma_semaphore, #tpu.memory_space<semaphore_mem>>) {add = true}
    %dma_wait3A_111 = arith.constant 0 : i32
    %dma_wait3A_112 = arith.constant 0 : i32
    %dma_wait3A_113 = tpu.memref_slice %arg13[%dma_wait3A_111, %dma_wait3A_112] : memref<10000x128xf32, #tpu.memory_space<vmem_shared>> -> memref<10000x128xf32, #tpu.memory_space<vmem_shared>>
    tpu.wait_indirect_dma semaphore(%arg19 : memref<!tpu.dma_semaphore, #tpu.memory_space<semaphore_mem>>) src(%arg12 : memref<128x128xf32, #tpu.memory_space<vmem>>) dst(%dma_wait3A_113 : memref<10000x128xf32, #tpu.memory_space<vmem_shared>>)
    %dma_wait3A_114 = arith.constant 0 : i32
    %dma_wait3A_115 = arith.constant 0 : i32
    %dma_wait3A_116 = tpu.memref_slice %arg21[%dma_wait3A_114, %dma_wait3A_115] : memref<10000x16xf32, #tpu.memory_space<vmem_shared>> -> memref<10000x16xf32, #tpu.memory_space<vmem_shared>>
    tpu.wait_indirect_dma semaphore(%arg19 : memref<!tpu.dma_semaphore, #tpu.memory_space<semaphore_mem>>) src(%arg20 : memref<128x16xf32, #tpu.memory_space<vmem>>) dst(%dma_wait3A_116 : memref<10000x16xf32, #tpu.memory_space<vmem_shared>>)
    %lt3A = arith.constant 4 : i32
    %lt3A_117 = arith.cmpi slt, %add3A, %lt3A : i32
    %convert_element_type3A = arith.extui %lt3A_117 : i1 to i32
    %cond3A = arith.constant 0 : i32
    %cond3A_118 = arith.cmpi ne, %convert_element_type3A, %cond3A : i32
    scf.if %cond3A_118 {
      %add3A_120 = arith.constant 2496 : i32
      %add3A_121 = arith.addi %add3A_120, %add3A : i32
      %mul3A_122 = arith.constant 128 : i32
      %mul3A_123 = arith.muli %add3A_121, %mul3A_122 : i32
      "tpu.region"() ({
        %run_scoped3A = tpu.sem_alloc : memref<!tpu.dma_semaphore, #tpu.memory_space<semaphore_mem>>
        %dma_start3A_132 = tpu.memref_slice %arg3[%mul3A_123] : memref<320000xi32, #tpu.memory_space<hbm>> -> memref<128xi32, #tpu.memory_space<hbm>>
        %dma_start3A_133 = tpu.memref_slice %arg3[%mul3A_123] : memref<320000xi32, #tpu.memory_space<hbm>> -> memref<128xi32, #tpu.memory_space<hbm>>
        tpu.enqueue_dma source(%dma_start3A_133 : memref<128xi32, #tpu.memory_space<hbm>>) target(%arg7 : memref<128xi32, #tpu.memory_space<vmem>>) target_semaphore(%run_scoped3A : memref<!tpu.dma_semaphore, #tpu.memory_space<semaphore_mem>>)
        %dma_wait3A_134 = tpu.memref_slice %arg3[%mul3A_123] : memref<320000xi32, #tpu.memory_space<hbm>> -> memref<128xi32, #tpu.memory_space<hbm>>
        %dma_wait3A_135 = tpu.memref_slice %arg3[%mul3A_123] : memref<320000xi32, #tpu.memory_space<hbm>> -> memref<128xi32, #tpu.memory_space<hbm>>
        tpu.wait_dma2 semaphore(%run_scoped3A : memref<!tpu.dma_semaphore, #tpu.memory_space<semaphore_mem>>) src(%dma_wait3A_135 : memref<128xi32, #tpu.memory_space<hbm>>) dst(%arg7 : memref<128xi32, #tpu.memory_space<vmem>>)
        tpu.yield
      }) : () -> ()
      %mul3A_124 = arith.constant 128 : i32
      %mul3A_125 = arith.muli %add3A_121, %mul3A_124 : i32
      "tpu.region"() ({
        %run_scoped3A = tpu.sem_alloc : memref<!tpu.dma_semaphore, #tpu.memory_space<semaphore_mem>>
        %dma_start3A_132 = tpu.memref_slice %arg4[%mul3A_125] : memref<320000xi32, #tpu.memory_space<hbm>> -> memref<128xi32, #tpu.memory_space<hbm>>
        %dma_start3A_133 = tpu.memref_slice %arg4[%mul3A_125] : memref<320000xi32, #tpu.memory_space<hbm>> -> memref<128xi32, #tpu.memory_space<hbm>>
        tpu.enqueue_dma source(%dma_start3A_133 : memref<128xi32, #tpu.memory_space<hbm>>) target(%arg9 : memref<128xi32, #tpu.memory_space<vmem>>) target_semaphore(%run_scoped3A : memref<!tpu.dma_semaphore, #tpu.memory_space<semaphore_mem>>)
        %dma_wait3A_134 = tpu.memref_slice %arg4[%mul3A_125] : memref<320000xi32, #tpu.memory_space<hbm>> -> memref<128xi32, #tpu.memory_space<hbm>>
        %dma_wait3A_135 = tpu.memref_slice %arg4[%mul3A_125] : memref<320000xi32, #tpu.memory_space<hbm>> -> memref<128xi32, #tpu.memory_space<hbm>>
        tpu.wait_dma2 semaphore(%run_scoped3A : memref<!tpu.dma_semaphore, #tpu.memory_space<semaphore_mem>>) src(%dma_wait3A_135 : memref<128xi32, #tpu.memory_space<hbm>>) dst(%arg9 : memref<128xi32, #tpu.memory_space<vmem>>)
        tpu.yield
      }) : () -> ()
      %dma_start3A_126 = arith.constant 0 : i32
      %dma_start3A_127 = arith.constant 0 : i32
      %dma_start3A_128 = tpu.memref_slice %arg2[%dma_start3A_126, %dma_start3A_127] : memref<10000x128xf32, #tpu.memory_space<hbm>> -> memref<10000x128xf32, #tpu.memory_space<hbm>>
      tpu.enqueue_indirect_dma source(%dma_start3A_128 : memref<10000x128xf32, #tpu.memory_space<hbm>>) target(%arg11 : memref<128x128xf32, #tpu.memory_space<vmem>>) offsets(%arg7 : memref<128xi32, #tpu.memory_space<vmem>>) semaphore(%arg16 : memref<!tpu.dma_semaphore, #tpu.memory_space<semaphore_mem>>)
      %dma_wait3A_129 = arith.constant 0 : i32
      %dma_wait3A_130 = arith.constant 0 : i32
      %dma_wait3A_131 = tpu.memref_slice %arg2[%dma_wait3A_129, %dma_wait3A_130] : memref<10000x128xf32, #tpu.memory_space<hbm>> -> memref<10000x128xf32, #tpu.memory_space<hbm>>
      tpu.wait_indirect_dma semaphore(%arg16 : memref<!tpu.dma_semaphore, #tpu.memory_space<semaphore_mem>>) src(%dma_wait3A_131 : memref<10000x128xf32, #tpu.memory_space<hbm>>) dst(%arg11 : memref<128x128xf32, #tpu.memory_space<vmem>>)
      "tpu.region"() ({
        %run_scoped3A = tpu.sem_alloc : memref<!tpu.dma_semaphore, #tpu.memory_space<semaphore_mem>>
        %dma_start3A_132 = arith.constant 0 : i32
        %dma_start3A_133 = arith.constant 0 : i32
        %dma_start3A_134 = tpu.memref_slice %arg13[%dma_start3A_132, %dma_start3A_133] : memref<10000x128xf32, #tpu.memory_space<vmem_shared>> -> memref<10000x128xf32, #tpu.memory_space<vmem_shared>>
        tpu.enqueue_indirect_dma source(%arg11 : memref<128x128xf32, #tpu.memory_space<vmem>>) target(%dma_start3A_134 : memref<10000x128xf32, #tpu.memory_space<vmem_shared>>) offsets(%arg9 : memref<128xi32, #tpu.memory_space<vmem>>) semaphore(%run_scoped3A : memref<!tpu.dma_semaphore, #tpu.memory_space<semaphore_mem>>) {add = true}
        %dma_wait3A_135 = arith.constant 0 : i32
        %dma_wait3A_136 = arith.constant 0 : i32
        %dma_wait3A_137 = tpu.memref_slice %arg13[%dma_wait3A_135, %dma_wait3A_136] : memref<10000x128xf32, #tpu.memory_space<vmem_shared>> -> memref<10000x128xf32, #tpu.memory_space<vmem_shared>>
        tpu.wait_indirect_dma semaphore(%run_scoped3A : memref<!tpu.dma_semaphore, #tpu.memory_space<semaphore_mem>>) src(%arg11 : memref<128x128xf32, #tpu.memory_space<vmem>>) dst(%dma_wait3A_137 : memref<10000x128xf32, #tpu.memory_space<vmem_shared>>)
        tpu.yield
      }) : () -> ()
      "tpu.region"() ({
        %run_scoped3A = tpu.sem_alloc : memref<!tpu.dma_semaphore, #tpu.memory_space<semaphore_mem>>
        %dma_start3A_132 = arith.constant 0 : i32
        %dma_start3A_133 = arith.constant 0 : i32
        %dma_start3A_134 = tpu.memref_slice %arg21[%dma_start3A_132, %dma_start3A_133] : memref<10000x16xf32, #tpu.memory_space<vmem_shared>> -> memref<10000x16xf32, #tpu.memory_space<vmem_shared>>
        tpu.enqueue_indirect_dma source(%arg20 : memref<128x16xf32, #tpu.memory_space<vmem>>) target(%dma_start3A_134 : memref<10000x16xf32, #tpu.memory_space<vmem_shared>>) offsets(%arg9 : memref<128xi32, #tpu.memory_space<vmem>>) semaphore(%run_scoped3A : memref<!tpu.dma_semaphore, #tpu.memory_space<semaphore_mem>>) {add = true}
        %dma_wait3A_135 = arith.constant 0 : i32
        %dma_wait3A_136 = arith.constant 0 : i32
        %dma_wait3A_137 = tpu.memref_slice %arg21[%dma_wait3A_135, %dma_wait3A_136] : memref<10000x16xf32, #tpu.memory_space<vmem_shared>> -> memref<10000x16xf32, #tpu.memory_space<vmem_shared>>
        tpu.wait_indirect_dma semaphore(%run_scoped3A : memref<!tpu.dma_semaphore, #tpu.memory_space<semaphore_mem>>) src(%arg20 : memref<128x16xf32, #tpu.memory_space<vmem>>) dst(%dma_wait3A_137 : memref<10000x16xf32, #tpu.memory_space<vmem_shared>>)
        tpu.yield
      }) : () -> ()
    } else {
    }
    %barrier3A_119 = arith.constant 0 : index
    tpu.barrier barrier_id(%barrier3A_119)
    "tpu.region"() ({
      %run_scoped3A = tpu.sem_alloc : memref<!tpu.dma_semaphore, #tpu.memory_space<semaphore_mem>>
      %dma_start3A_120 = arith.constant 0 : i32
      %dma_start3A_121 = tpu.memref_slice %arg5[%arg0, %mul3A_2, %dma_start3A_120] : memref<2x10000x128xf32, #tpu.memory_space<hbm>> -> memref<1x640x128xf32, #tpu.memory_space<hbm>>
      %dma_start3A_122 = tpu.memref_squeeze %dma_start3A_121 : memref<1x640x128xf32, #tpu.memory_space<hbm>> -> memref<640x128xf32, #tpu.memory_space<hbm>>
      %dma_start3A_123 = arith.constant 0 : i32
      %dma_start3A_124 = tpu.memref_slice %arg13[%mul3A_2, %dma_start3A_123] : memref<10000x128xf32, #tpu.memory_space<vmem_shared>> -> memref<640x128xf32, #tpu.memory_space<vmem_shared>>
      tpu.enqueue_dma source(%dma_start3A_124 : memref<640x128xf32, #tpu.memory_space<vmem_shared>>) target(%dma_start3A_122 : memref<640x128xf32, #tpu.memory_space<hbm>>) target_semaphore(%run_scoped3A : memref<!tpu.dma_semaphore, #tpu.memory_space<semaphore_mem>>)
      %dma_wait3A_125 = arith.constant 0 : i32
      %dma_wait3A_126 = tpu.memref_slice %arg5[%arg0, %mul3A_2, %dma_wait3A_125] : memref<2x10000x128xf32, #tpu.memory_space<hbm>> -> memref<1x640x128xf32, #tpu.memory_space<hbm>>
      %dma_wait3A_127 = tpu.memref_squeeze %dma_wait3A_126 : memref<1x640x128xf32, #tpu.memory_space<hbm>> -> memref<640x128xf32, #tpu.memory_space<hbm>>
      %dma_wait3A_128 = arith.constant 0 : i32
      %dma_wait3A_129 = tpu.memref_slice %arg13[%mul3A_2, %dma_wait3A_128] : memref<10000x128xf32, #tpu.memory_space<vmem_shared>> -> memref<640x128xf32, #tpu.memory_space<vmem_shared>>
      tpu.wait_dma2 semaphore(%run_scoped3A : memref<!tpu.dma_semaphore, #tpu.memory_space<semaphore_mem>>) src(%dma_wait3A_129 : memref<640x128xf32, #tpu.memory_space<vmem_shared>>) dst(%dma_wait3A_127 : memref<640x128xf32, #tpu.memory_space<hbm>>)
      tpu.yield
    }) : () -> ()
    "tpu.region"() ({
      %run_scoped3A = tpu.sem_alloc : memref<!tpu.dma_semaphore, #tpu.memory_space<semaphore_mem>>
      %dma_start3A_120 = arith.constant 0 : i32
      %dma_start3A_121 = tpu.memref_slice %arg6[%arg0, %mul3A_2, %dma_start3A_120] : memref<2x10000x16xf32, #tpu.memory_space<hbm>> -> memref<1x640x16xf32, #tpu.memory_space<hbm>>
      %dma_start3A_122 = tpu.memref_squeeze %dma_start3A_121 : memref<1x640x16xf32, #tpu.memory_space<hbm>> -> memref<640x16xf32, #tpu.memory_space<hbm>>
      %dma_start3A_123 = arith.constant 0 : i32
      %dma_start3A_124 = tpu.memref_slice %arg21[%mul3A_2, %dma_start3A_123] : memref<10000x16xf32, #tpu.memory_space<vmem_shared>> -> memref<640x16xf32, #tpu.memory_space<vmem_shared>>
      tpu.enqueue_dma source(%dma_start3A_124 : memref<640x16xf32, #tpu.memory_space<vmem_shared>>) target(%dma_start3A_122 : memref<640x16xf32, #tpu.memory_space<hbm>>) target_semaphore(%run_scoped3A : memref<!tpu.dma_semaphore, #tpu.memory_space<semaphore_mem>>)
      %dma_wait3A_125 = arith.constant 0 : i32
      %dma_wait3A_126 = tpu.memref_slice %arg6[%arg0, %mul3A_2, %dma_wait3A_125] : memref<2x10000x16xf32, #tpu.memory_space<hbm>> -> memref<1x640x16xf32, #tpu.memory_space<hbm>>
      %dma_wait3A_127 = tpu.memref_squeeze %dma_wait3A_126 : memref<1x640x16xf32, #tpu.memory_space<hbm>> -> memref<640x16xf32, #tpu.memory_space<hbm>>
      %dma_wait3A_128 = arith.constant 0 : i32
      %dma_wait3A_129 = tpu.memref_slice %arg21[%mul3A_2, %dma_wait3A_128] : memref<10000x16xf32, #tpu.memory_space<vmem_shared>> -> memref<640x16xf32, #tpu.memory_space<vmem_shared>>
      tpu.wait_dma2 semaphore(%run_scoped3A : memref<!tpu.dma_semaphore, #tpu.memory_space<semaphore_mem>>) src(%dma_wait3A_129 : memref<640x16xf32, #tpu.memory_space<vmem_shared>>) dst(%dma_wait3A_127 : memref<640x16xf32, #tpu.memory_space<hbm>>)
      tpu.yield
    }) : () -> ()
    return
  }
}

#map = affine_map<(d0, d1) -> (0, 0)>
#map1 = affine_map<(d0, d1) -> (0)>
#map2 = affine_map<(d0, d1) -> (0, 0, 0)>
module attributes {stable_mosaic.version = 14 : i64} {
  func.func @body(%arg0: i32, %arg1: i32, %arg2: memref<10000x128xf32, #tpu.memory_space<hbm>>, %arg3: memref<320000xi32, #tpu.memory_space<hbm>>, %arg4: memref<320000xi32, #tpu.memory_space<hbm>>, %arg5: memref<2x10000x128xf32, #tpu.memory_space<hbm>>, %arg6: memref<128xi32, #tpu.memory_space<vmem>>, %arg7: memref<128xi32, #tpu.memory_space<vmem>>, %arg8: memref<128xi32, #tpu.memory_space<vmem>>, %arg9: memref<128xi32, #tpu.memory_space<vmem>>, %arg10: memref<128x128xf32, #tpu.memory_space<vmem>>, %arg11: memref<128x128xf32, #tpu.memory_space<vmem>>, %arg12: memref<10000x128xf32, #tpu.memory_space<vmem_shared>>, %arg13: memref<!tpu.dma_semaphore, #tpu.memory_space<semaphore_mem>>, %arg14: memref<!tpu.dma_semaphore, #tpu.memory_space<semaphore_mem>>, %arg15: memref<!tpu.dma_semaphore, #tpu.memory_space<semaphore_mem>>, %arg16: memref<!tpu.dma_semaphore, #tpu.memory_space<semaphore_mem>>, %arg17: memref<!tpu.dma_semaphore, #tpu.memory_space<semaphore_mem>>, %arg18: memref<!tpu.dma_semaphore, #tpu.memory_space<semaphore_mem>>) attributes {dimension_semantics = [#tpu.dimension_semantics<core_parallel>, #tpu.dimension_semantics<subcore_parallel>], iteration_bounds = array<i64: 2, 16>, scalar_prefetch = 0 : i64, scratch_operands = 13 : i64, tpu.core_type = #tpu.core_type<sc_vector_subcore>, window_params = [{transform_indices = #map}, {transform_indices = #map1}, {transform_indices = #map1}, {transform_indices = #map2}]} {
    %mul3A = arith.constant 16 : i32
    %mul3A_0 = arith.muli %arg0, %mul3A : i32
    %add3A = arith.addi %mul3A_0, %arg1 : i32
    %mul3A_1 = arith.constant 624 : i32
    %mul3A_2 = arith.muli %arg1, %mul3A_1 : i32
    %broadcast_in_dim3A = arith.constant 0.000000e+00 : f32
    %broadcast_in_dim3A_3 = vector.broadcast %broadcast_in_dim3A : f32 to vector<16xf32>
    %scan3A = arith.constant 0 : i32
    %scan3A_4 = arith.constant 0 : i32
    %scan3A_5 = arith.constant 128 : i32
    %scan3A_6 = arith.addi %scan3A_4, %scan3A_5 : i32
    %scan3A_7 = arith.constant 1 : i32
    scf.for %scan3A_86 = %scan3A_4 to %scan3A_6 step %scan3A_7  : i32 {
      %swap3A = arith.index_cast %scan3A_86 : i32 to index
      %swap3A_87 = arith.constant 0 : index
      %swap3A_88 = tpu.vector_load %arg10[%swap3A, %swap3A_87] {strides = array<i32>} : memref<128x128xf32, #tpu.memory_space<vmem>>, vector<1x16xf32>,
      %swap3A_89 = vector.shape_cast %swap3A_88 : vector<1x16xf32> to vector<16xf32>
      %swap3A_90 = vector.shape_cast %broadcast_in_dim3A_3 : vector<16xf32> to vector<1x16xf32>
      tpu.vector_store %arg10[%swap3A, %swap3A_87], %swap3A_90 {strides = array<i32>} : memref<128x128xf32, #tpu.memory_space<vmem>>, vector<1x16xf32>,
      %swap3A_91 = arith.index_cast %scan3A_86 : i32 to index
      %swap3A_92 = arith.constant 16 : index
      %swap3A_93 = tpu.vector_load %arg10[%swap3A_91, %swap3A_92] {strides = array<i32>} : memref<128x128xf32, #tpu.memory_space<vmem>>, vector<1x16xf32>,
      %swap3A_94 = vector.shape_cast %swap3A_93 : vector<1x16xf32> to vector<16xf32>
      %swap3A_95 = vector.shape_cast %broadcast_in_dim3A_3 : vector<16xf32> to vector<1x16xf32>
      tpu.vector_store %arg10[%swap3A_91, %swap3A_92], %swap3A_95 {strides = array<i32>} : memref<128x128xf32, #tpu.memory_space<vmem>>, vector<1x16xf32>,
      %swap3A_96 = arith.index_cast %scan3A_86 : i32 to index
      %swap3A_97 = arith.constant 32 : index
      %swap3A_98 = tpu.vector_load %arg10[%swap3A_96, %swap3A_97] {strides = array<i32>} : memref<128x128xf32, #tpu.memory_space<vmem>>, vector<1x16xf32>,
      %swap3A_99 = vector.shape_cast %swap3A_98 : vector<1x16xf32> to vector<16xf32>
      %swap3A_100 = vector.shape_cast %broadcast_in_dim3A_3 : vector<16xf32> to vector<1x16xf32>
      tpu.vector_store %arg10[%swap3A_96, %swap3A_97], %swap3A_100 {strides = array<i32>} : memref<128x128xf32, #tpu.memory_space<vmem>>, vector<1x16xf32>,
      %swap3A_101 = arith.index_cast %scan3A_86 : i32 to index
      %swap3A_102 = arith.constant 48 : index
      %swap3A_103 = tpu.vector_load %arg10[%swap3A_101, %swap3A_102] {strides = array<i32>} : memref<128x128xf32, #tpu.memory_space<vmem>>, vector<1x16xf32>,
      %swap3A_104 = vector.shape_cast %swap3A_103 : vector<1x16xf32> to vector<16xf32>
      %swap3A_105 = vector.shape_cast %broadcast_in_dim3A_3 : vector<16xf32> to vector<1x16xf32>
      tpu.vector_store %arg10[%swap3A_101, %swap3A_102], %swap3A_105 {strides = array<i32>} : memref<128x128xf32, #tpu.memory_space<vmem>>, vector<1x16xf32>,
      %swap3A_106 = arith.index_cast %scan3A_86 : i32 to index
      %swap3A_107 = arith.constant 64 : index
      %swap3A_108 = tpu.vector_load %arg10[%swap3A_106, %swap3A_107] {strides = array<i32>} : memref<128x128xf32, #tpu.memory_space<vmem>>, vector<1x16xf32>,
      %swap3A_109 = vector.shape_cast %swap3A_108 : vector<1x16xf32> to vector<16xf32>
      %swap3A_110 = vector.shape_cast %broadcast_in_dim3A_3 : vector<16xf32> to vector<1x16xf32>
      tpu.vector_store %arg10[%swap3A_106, %swap3A_107], %swap3A_110 {strides = array<i32>} : memref<128x128xf32, #tpu.memory_space<vmem>>, vector<1x16xf32>,
      %swap3A_111 = arith.index_cast %scan3A_86 : i32 to index
      %swap3A_112 = arith.constant 80 : index
      %swap3A_113 = tpu.vector_load %arg10[%swap3A_111, %swap3A_112] {strides = array<i32>} : memref<128x128xf32, #tpu.memory_space<vmem>>, vector<1x16xf32>,
      %swap3A_114 = vector.shape_cast %swap3A_113 : vector<1x16xf32> to vector<16xf32>
      %swap3A_115 = vector.shape_cast %broadcast_in_dim3A_3 : vector<16xf32> to vector<1x16xf32>
      tpu.vector_store %arg10[%swap3A_111, %swap3A_112], %swap3A_115 {strides = array<i32>} : memref<128x128xf32, #tpu.memory_space<vmem>>, vector<1x16xf32>,
      %swap3A_116 = arith.index_cast %scan3A_86 : i32 to index
      %swap3A_117 = arith.constant 96 : index
      %swap3A_118 = tpu.vector_load %arg10[%swap3A_116, %swap3A_117] {strides = array<i32>} : memref<128x128xf32, #tpu.memory_space<vmem>>, vector<1x16xf32>,
      %swap3A_119 = vector.shape_cast %swap3A_118 : vector<1x16xf32> to vector<16xf32>
      %swap3A_120 = vector.shape_cast %broadcast_in_dim3A_3 : vector<16xf32> to vector<1x16xf32>
      tpu.vector_store %arg10[%swap3A_116, %swap3A_117], %swap3A_120 {strides = array<i32>} : memref<128x128xf32, #tpu.memory_space<vmem>>, vector<1x16xf32>,
      %swap3A_121 = arith.index_cast %scan3A_86 : i32 to index
      %swap3A_122 = arith.constant 112 : index
      %swap3A_123 = tpu.vector_load %arg10[%swap3A_121, %swap3A_122] {strides = array<i32>} : memref<128x128xf32, #tpu.memory_space<vmem>>, vector<1x16xf32>,
      %swap3A_124 = vector.shape_cast %swap3A_123 : vector<1x16xf32> to vector<16xf32>
      %swap3A_125 = vector.shape_cast %broadcast_in_dim3A_3 : vector<16xf32> to vector<1x16xf32>
      tpu.vector_store %arg10[%swap3A_121, %swap3A_122], %swap3A_125 {strides = array<i32>} : memref<128x128xf32, #tpu.memory_space<vmem>>, vector<1x16xf32>,
    }
    %scan3A_8 = arith.constant 128 : i32
    %add3A_9 = arith.constant 0 : i32
    %add3A_10 = arith.addi %mul3A_2, %add3A_9 : i32
    "tpu.region"() ({
      %run_scoped3A = tpu.sem_alloc : memref<!tpu.dma_semaphore, #tpu.memory_space<semaphore_mem>>
      %dma_start3A_86 = arith.constant 0 : i32
      %dma_start3A_87 = arith.constant 0 : i32
      %dma_start3A_88 = tpu.memref_slice %arg10[%dma_start3A_86, %dma_start3A_87] : memref<128x128xf32, #tpu.memory_space<vmem>> -> memref<128x128xf32, #tpu.memory_space<vmem>>
      %dma_start3A_89 = arith.constant 0 : i32
      %dma_start3A_90 = tpu.memref_slice %arg12[%add3A_10, %dma_start3A_89] : memref<10000x128xf32, #tpu.memory_space<vmem_shared>> -> memref<128x128xf32, #tpu.memory_space<vmem_shared>>
      %dma_start3A_91 = arith.constant 0 : i32
      %dma_start3A_92 = tpu.memref_slice %arg12[%add3A_10, %dma_start3A_91] : memref<10000x128xf32, #tpu.memory_space<vmem_shared>> -> memref<128x128xf32, #tpu.memory_space<vmem_shared>>
      %dma_start3A_93 = arith.constant 0 : i32
      %dma_start3A_94 = arith.constant 0 : i32
      %dma_start3A_95 = tpu.memref_slice %arg10[%dma_start3A_93, %dma_start3A_94] : memref<128x128xf32, #tpu.memory_space<vmem>> -> memref<128x128xf32, #tpu.memory_space<vmem>>
      tpu.enqueue_dma source(%dma_start3A_95 : memref<128x128xf32, #tpu.memory_space<vmem>>) target(%dma_start3A_92 : memref<128x128xf32, #tpu.memory_space<vmem_shared>>) target_semaphore(%run_scoped3A : memref<!tpu.dma_semaphore, #tpu.memory_space<semaphore_mem>>)
      %dma_wait3A_96 = arith.constant 0 : i32
      %dma_wait3A_97 = arith.constant 0 : i32
      %dma_wait3A_98 = tpu.memref_slice %arg10[%dma_wait3A_96, %dma_wait3A_97] : memref<128x128xf32, #tpu.memory_space<vmem>> -> memref<128x128xf32, #tpu.memory_space<vmem>>
      %dma_wait3A_99 = arith.constant 0 : i32
      %dma_wait3A_100 = tpu.memref_slice %arg12[%add3A_10, %dma_wait3A_99] : memref<10000x128xf32, #tpu.memory_space<vmem_shared>> -> memref<128x128xf32, #tpu.memory_space<vmem_shared>>
      %dma_wait3A_101 = arith.constant 0 : i32
      %dma_wait3A_102 = tpu.memref_slice %arg12[%add3A_10, %dma_wait3A_101] : memref<10000x128xf32, #tpu.memory_space<vmem_shared>> -> memref<128x128xf32, #tpu.memory_space<vmem_shared>>
      %dma_wait3A_103 = arith.constant 0 : i32
      %dma_wait3A_104 = arith.constant 0 : i32
      %dma_wait3A_105 = tpu.memref_slice %arg10[%dma_wait3A_103, %dma_wait3A_104] : memref<128x128xf32, #tpu.memory_space<vmem>> -> memref<128x128xf32, #tpu.memory_space<vmem>>
      tpu.wait_dma2 semaphore(%run_scoped3A : memref<!tpu.dma_semaphore, #tpu.memory_space<semaphore_mem>>) src(%dma_wait3A_105 : memref<128x128xf32, #tpu.memory_space<vmem>>) dst(%dma_wait3A_102 : memref<128x128xf32, #tpu.memory_space<vmem_shared>>)
      tpu.yield
    }) : () -> ()
    %add3A_11 = arith.constant 128 : i32
    %add3A_12 = arith.addi %mul3A_2, %add3A_11 : i32
    "tpu.region"() ({
      %run_scoped3A = tpu.sem_alloc : memref<!tpu.dma_semaphore, #tpu.memory_space<semaphore_mem>>
      %dma_start3A_86 = arith.constant 0 : i32
      %dma_start3A_87 = arith.constant 0 : i32
      %dma_start3A_88 = tpu.memref_slice %arg10[%dma_start3A_86, %dma_start3A_87] : memref<128x128xf32, #tpu.memory_space<vmem>> -> memref<128x128xf32, #tpu.memory_space<vmem>>
      %dma_start3A_89 = arith.constant 0 : i32
      %dma_start3A_90 = tpu.memref_slice %arg12[%add3A_12, %dma_start3A_89] : memref<10000x128xf32, #tpu.memory_space<vmem_shared>> -> memref<128x128xf32, #tpu.memory_space<vmem_shared>>
      %dma_start3A_91 = arith.constant 0 : i32
      %dma_start3A_92 = tpu.memref_slice %arg12[%add3A_12, %dma_start3A_91] : memref<10000x128xf32, #tpu.memory_space<vmem_shared>> -> memref<128x128xf32, #tpu.memory_space<vmem_shared>>
      %dma_start3A_93 = arith.constant 0 : i32
      %dma_start3A_94 = arith.constant 0 : i32
      %dma_start3A_95 = tpu.memref_slice %arg10[%dma_start3A_93, %dma_start3A_94] : memref<128x128xf32, #tpu.memory_space<vmem>> -> memref<128x128xf32, #tpu.memory_space<vmem>>
      tpu.enqueue_dma source(%dma_start3A_95 : memref<128x128xf32, #tpu.memory_space<vmem>>) target(%dma_start3A_92 : memref<128x128xf32, #tpu.memory_space<vmem_shared>>) target_semaphore(%run_scoped3A : memref<!tpu.dma_semaphore, #tpu.memory_space<semaphore_mem>>)
      %dma_wait3A_96 = arith.constant 0 : i32
      %dma_wait3A_97 = arith.constant 0 : i32
      %dma_wait3A_98 = tpu.memref_slice %arg10[%dma_wait3A_96, %dma_wait3A_97] : memref<128x128xf32, #tpu.memory_space<vmem>> -> memref<128x128xf32, #tpu.memory_space<vmem>>
      %dma_wait3A_99 = arith.constant 0 : i32
      %dma_wait3A_100 = tpu.memref_slice %arg12[%add3A_12, %dma_wait3A_99] : memref<10000x128xf32, #tpu.memory_space<vmem_shared>> -> memref<128x128xf32, #tpu.memory_space<vmem_shared>>
      %dma_wait3A_101 = arith.constant 0 : i32
      %dma_wait3A_102 = tpu.memref_slice %arg12[%add3A_12, %dma_wait3A_101] : memref<10000x128xf32, #tpu.memory_space<vmem_shared>> -> memref<128x128xf32, #tpu.memory_space<vmem_shared>>
      %dma_wait3A_103 = arith.constant 0 : i32
      %dma_wait3A_104 = arith.constant 0 : i32
      %dma_wait3A_105 = tpu.memref_slice %arg10[%dma_wait3A_103, %dma_wait3A_104] : memref<128x128xf32, #tpu.memory_space<vmem>> -> memref<128x128xf32, #tpu.memory_space<vmem>>
      tpu.wait_dma2 semaphore(%run_scoped3A : memref<!tpu.dma_semaphore, #tpu.memory_space<semaphore_mem>>) src(%dma_wait3A_105 : memref<128x128xf32, #tpu.memory_space<vmem>>) dst(%dma_wait3A_102 : memref<128x128xf32, #tpu.memory_space<vmem_shared>>)
      tpu.yield
    }) : () -> ()
    %add3A_13 = arith.constant 256 : i32
    %add3A_14 = arith.addi %mul3A_2, %add3A_13 : i32
    "tpu.region"() ({
      %run_scoped3A = tpu.sem_alloc : memref<!tpu.dma_semaphore, #tpu.memory_space<semaphore_mem>>
      %dma_start3A_86 = arith.constant 0 : i32
      %dma_start3A_87 = arith.constant 0 : i32
      %dma_start3A_88 = tpu.memref_slice %arg10[%dma_start3A_86, %dma_start3A_87] : memref<128x128xf32, #tpu.memory_space<vmem>> -> memref<128x128xf32, #tpu.memory_space<vmem>>
      %dma_start3A_89 = arith.constant 0 : i32
      %dma_start3A_90 = tpu.memref_slice %arg12[%add3A_14, %dma_start3A_89] : memref<10000x128xf32, #tpu.memory_space<vmem_shared>> -> memref<128x128xf32, #tpu.memory_space<vmem_shared>>
      %dma_start3A_91 = arith.constant 0 : i32
      %dma_start3A_92 = tpu.memref_slice %arg12[%add3A_14, %dma_start3A_91] : memref<10000x128xf32, #tpu.memory_space<vmem_shared>> -> memref<128x128xf32, #tpu.memory_space<vmem_shared>>
      %dma_start3A_93 = arith.constant 0 : i32
      %dma_start3A_94 = arith.constant 0 : i32
      %dma_start3A_95 = tpu.memref_slice %arg10[%dma_start3A_93, %dma_start3A_94] : memref<128x128xf32, #tpu.memory_space<vmem>> -> memref<128x128xf32, #tpu.memory_space<vmem>>
      tpu.enqueue_dma source(%dma_start3A_95 : memref<128x128xf32, #tpu.memory_space<vmem>>) target(%dma_start3A_92 : memref<128x128xf32, #tpu.memory_space<vmem_shared>>) target_semaphore(%run_scoped3A : memref<!tpu.dma_semaphore, #tpu.memory_space<semaphore_mem>>)
      %dma_wait3A_96 = arith.constant 0 : i32
      %dma_wait3A_97 = arith.constant 0 : i32
      %dma_wait3A_98 = tpu.memref_slice %arg10[%dma_wait3A_96, %dma_wait3A_97] : memref<128x128xf32, #tpu.memory_space<vmem>> -> memref<128x128xf32, #tpu.memory_space<vmem>>
      %dma_wait3A_99 = arith.constant 0 : i32
      %dma_wait3A_100 = tpu.memref_slice %arg12[%add3A_14, %dma_wait3A_99] : memref<10000x128xf32, #tpu.memory_space<vmem_shared>> -> memref<128x128xf32, #tpu.memory_space<vmem_shared>>
      %dma_wait3A_101 = arith.constant 0 : i32
      %dma_wait3A_102 = tpu.memref_slice %arg12[%add3A_14, %dma_wait3A_101] : memref<10000x128xf32, #tpu.memory_space<vmem_shared>> -> memref<128x128xf32, #tpu.memory_space<vmem_shared>>
      %dma_wait3A_103 = arith.constant 0 : i32
      %dma_wait3A_104 = arith.constant 0 : i32
      %dma_wait3A_105 = tpu.memref_slice %arg10[%dma_wait3A_103, %dma_wait3A_104] : memref<128x128xf32, #tpu.memory_space<vmem>> -> memref<128x128xf32, #tpu.memory_space<vmem>>
      tpu.wait_dma2 semaphore(%run_scoped3A : memref<!tpu.dma_semaphore, #tpu.memory_space<semaphore_mem>>) src(%dma_wait3A_105 : memref<128x128xf32, #tpu.memory_space<vmem>>) dst(%dma_wait3A_102 : memref<128x128xf32, #tpu.memory_space<vmem_shared>>)
      tpu.yield
    }) : () -> ()
    %add3A_15 = arith.constant 384 : i32
    %add3A_16 = arith.addi %mul3A_2, %add3A_15 : i32
    "tpu.region"() ({
      %run_scoped3A = tpu.sem_alloc : memref<!tpu.dma_semaphore, #tpu.memory_space<semaphore_mem>>
      %dma_start3A_86 = arith.constant 0 : i32
      %dma_start3A_87 = arith.constant 0 : i32
      %dma_start3A_88 = tpu.memref_slice %arg10[%dma_start3A_86, %dma_start3A_87] : memref<128x128xf32, #tpu.memory_space<vmem>> -> memref<128x128xf32, #tpu.memory_space<vmem>>
      %dma_start3A_89 = arith.constant 0 : i32
      %dma_start3A_90 = tpu.memref_slice %arg12[%add3A_16, %dma_start3A_89] : memref<10000x128xf32, #tpu.memory_space<vmem_shared>> -> memref<128x128xf32, #tpu.memory_space<vmem_shared>>
      %dma_start3A_91 = arith.constant 0 : i32
      %dma_start3A_92 = tpu.memref_slice %arg12[%add3A_16, %dma_start3A_91] : memref<10000x128xf32, #tpu.memory_space<vmem_shared>> -> memref<128x128xf32, #tpu.memory_space<vmem_shared>>
      %dma_start3A_93 = arith.constant 0 : i32
      %dma_start3A_94 = arith.constant 0 : i32
      %dma_start3A_95 = tpu.memref_slice %arg10[%dma_start3A_93, %dma_start3A_94] : memref<128x128xf32, #tpu.memory_space<vmem>> -> memref<128x128xf32, #tpu.memory_space<vmem>>
      tpu.enqueue_dma source(%dma_start3A_95 : memref<128x128xf32, #tpu.memory_space<vmem>>) target(%dma_start3A_92 : memref<128x128xf32, #tpu.memory_space<vmem_shared>>) target_semaphore(%run_scoped3A : memref<!tpu.dma_semaphore, #tpu.memory_space<semaphore_mem>>)
      %dma_wait3A_96 = arith.constant 0 : i32
      %dma_wait3A_97 = arith.constant 0 : i32
      %dma_wait3A_98 = tpu.memref_slice %arg10[%dma_wait3A_96, %dma_wait3A_97] : memref<128x128xf32, #tpu.memory_space<vmem>> -> memref<128x128xf32, #tpu.memory_space<vmem>>
      %dma_wait3A_99 = arith.constant 0 : i32
      %dma_wait3A_100 = tpu.memref_slice %arg12[%add3A_16, %dma_wait3A_99] : memref<10000x128xf32, #tpu.memory_space<vmem_shared>> -> memref<128x128xf32, #tpu.memory_space<vmem_shared>>
      %dma_wait3A_101 = arith.constant 0 : i32
      %dma_wait3A_102 = tpu.memref_slice %arg12[%add3A_16, %dma_wait3A_101] : memref<10000x128xf32, #tpu.memory_space<vmem_shared>> -> memref<128x128xf32, #tpu.memory_space<vmem_shared>>
      %dma_wait3A_103 = arith.constant 0 : i32
      %dma_wait3A_104 = arith.constant 0 : i32
      %dma_wait3A_105 = tpu.memref_slice %arg10[%dma_wait3A_103, %dma_wait3A_104] : memref<128x128xf32, #tpu.memory_space<vmem>> -> memref<128x128xf32, #tpu.memory_space<vmem>>
      tpu.wait_dma2 semaphore(%run_scoped3A : memref<!tpu.dma_semaphore, #tpu.memory_space<semaphore_mem>>) src(%dma_wait3A_105 : memref<128x128xf32, #tpu.memory_space<vmem>>) dst(%dma_wait3A_102 : memref<128x128xf32, #tpu.memory_space<vmem_shared>>)
      tpu.yield
    }) : () -> ()
    %add3A_17 = arith.constant 512 : i32
    %add3A_18 = arith.addi %mul3A_2, %add3A_17 : i32
    "tpu.region"() ({
      %run_scoped3A = tpu.sem_alloc : memref<!tpu.dma_semaphore, #tpu.memory_space<semaphore_mem>>
      %dma_start3A_86 = arith.constant 0 : i32
      %dma_start3A_87 = arith.constant 0 : i32
      %dma_start3A_88 = tpu.memref_slice %arg10[%dma_start3A_86, %dma_start3A_87] : memref<128x128xf32, #tpu.memory_space<vmem>> -> memref<128x128xf32, #tpu.memory_space<vmem>>
      %dma_start3A_89 = arith.constant 0 : i32
      %dma_start3A_90 = tpu.memref_slice %arg12[%add3A_18, %dma_start3A_89] : memref<10000x128xf32, #tpu.memory_space<vmem_shared>> -> memref<128x128xf32, #tpu.memory_space<vmem_shared>>
      %dma_start3A_91 = arith.constant 0 : i32
      %dma_start3A_92 = tpu.memref_slice %arg12[%add3A_18, %dma_start3A_91] : memref<10000x128xf32, #tpu.memory_space<vmem_shared>> -> memref<128x128xf32, #tpu.memory_space<vmem_shared>>
      %dma_start3A_93 = arith.constant 0 : i32
      %dma_start3A_94 = arith.constant 0 : i32
      %dma_start3A_95 = tpu.memref_slice %arg10[%dma_start3A_93, %dma_start3A_94] : memref<128x128xf32, #tpu.memory_space<vmem>> -> memref<128x128xf32, #tpu.memory_space<vmem>>
      tpu.enqueue_dma source(%dma_start3A_95 : memref<128x128xf32, #tpu.memory_space<vmem>>) target(%dma_start3A_92 : memref<128x128xf32, #tpu.memory_space<vmem_shared>>) target_semaphore(%run_scoped3A : memref<!tpu.dma_semaphore, #tpu.memory_space<semaphore_mem>>)
      %dma_wait3A_96 = arith.constant 0 : i32
      %dma_wait3A_97 = arith.constant 0 : i32
      %dma_wait3A_98 = tpu.memref_slice %arg10[%dma_wait3A_96, %dma_wait3A_97] : memref<128x128xf32, #tpu.memory_space<vmem>> -> memref<128x128xf32, #tpu.memory_space<vmem>>
      %dma_wait3A_99 = arith.constant 0 : i32
      %dma_wait3A_100 = tpu.memref_slice %arg12[%add3A_18, %dma_wait3A_99] : memref<10000x128xf32, #tpu.memory_space<vmem_shared>> -> memref<128x128xf32, #tpu.memory_space<vmem_shared>>
      %dma_wait3A_101 = arith.constant 0 : i32
      %dma_wait3A_102 = tpu.memref_slice %arg12[%add3A_18, %dma_wait3A_101] : memref<10000x128xf32, #tpu.memory_space<vmem_shared>> -> memref<128x128xf32, #tpu.memory_space<vmem_shared>>
      %dma_wait3A_103 = arith.constant 0 : i32
      %dma_wait3A_104 = arith.constant 0 : i32
      %dma_wait3A_105 = tpu.memref_slice %arg10[%dma_wait3A_103, %dma_wait3A_104] : memref<128x128xf32, #tpu.memory_space<vmem>> -> memref<128x128xf32, #tpu.memory_space<vmem>>
      tpu.wait_dma2 semaphore(%run_scoped3A : memref<!tpu.dma_semaphore, #tpu.memory_space<semaphore_mem>>) src(%dma_wait3A_105 : memref<128x128xf32, #tpu.memory_space<vmem>>) dst(%dma_wait3A_102 : memref<128x128xf32, #tpu.memory_space<vmem_shared>>)
      tpu.yield
    }) : () -> ()
    %barrier3A = arith.constant 0 : index
    tpu.barrier barrier_id(%barrier3A)
    %mul3A_19 = arith.constant 78 : i32
    %mul3A_20 = arith.muli %add3A, %mul3A_19 : i32
    %mul3A_21 = arith.constant 128 : i32
    %mul3A_22 = arith.muli %mul3A_20, %mul3A_21 : i32
    %dma_start3A = tpu.memref_slice %arg3[%mul3A_22] : memref<320000xi32, #tpu.memory_space<hbm>> -> memref<128xi32, #tpu.memory_space<hbm>>
    %dma_start3A_23 = tpu.memref_slice %arg3[%mul3A_22] : memref<320000xi32, #tpu.memory_space<hbm>> -> memref<128xi32, #tpu.memory_space<hbm>>
    tpu.enqueue_dma source(%dma_start3A_23 : memref<128xi32, #tpu.memory_space<hbm>>) target(%arg6 : memref<128xi32, #tpu.memory_space<vmem>>) target_semaphore(%arg13 : memref<!tpu.dma_semaphore, #tpu.memory_space<semaphore_mem>>)
    %mul3A_24 = arith.constant 128 : i32
    %mul3A_25 = arith.muli %mul3A_20, %mul3A_24 : i32
    %dma_start3A_26 = tpu.memref_slice %arg4[%mul3A_25] : memref<320000xi32, #tpu.memory_space<hbm>> -> memref<128xi32, #tpu.memory_space<hbm>>
    %dma_start3A_27 = tpu.memref_slice %arg4[%mul3A_25] : memref<320000xi32, #tpu.memory_space<hbm>> -> memref<128xi32, #tpu.memory_space<hbm>>
    tpu.enqueue_dma source(%dma_start3A_27 : memref<128xi32, #tpu.memory_space<hbm>>) target(%arg8 : memref<128xi32, #tpu.memory_space<vmem>>) target_semaphore(%arg13 : memref<!tpu.dma_semaphore, #tpu.memory_space<semaphore_mem>>)
    %mul3A_28 = arith.constant 128 : i32
    %mul3A_29 = arith.muli %mul3A_20, %mul3A_28 : i32
    %dma_wait3A = tpu.memref_slice %arg3[%mul3A_29] : memref<320000xi32, #tpu.memory_space<hbm>> -> memref<128xi32, #tpu.memory_space<hbm>>
    %dma_wait3A_30 = tpu.memref_slice %arg3[%mul3A_29] : memref<320000xi32, #tpu.memory_space<hbm>> -> memref<128xi32, #tpu.memory_space<hbm>>
    tpu.wait_dma2 semaphore(%arg13 : memref<!tpu.dma_semaphore, #tpu.memory_space<semaphore_mem>>) src(%dma_wait3A_30 : memref<128xi32, #tpu.memory_space<hbm>>) dst(%arg6 : memref<128xi32, #tpu.memory_space<vmem>>)
    %mul3A_31 = arith.constant 128 : i32
    %mul3A_32 = arith.muli %mul3A_20, %mul3A_31 : i32
    %dma_wait3A_33 = tpu.memref_slice %arg4[%mul3A_32] : memref<320000xi32, #tpu.memory_space<hbm>> -> memref<128xi32, #tpu.memory_space<hbm>>
    %dma_wait3A_34 = tpu.memref_slice %arg4[%mul3A_32] : memref<320000xi32, #tpu.memory_space<hbm>> -> memref<128xi32, #tpu.memory_space<hbm>>
    tpu.wait_dma2 semaphore(%arg13 : memref<!tpu.dma_semaphore, #tpu.memory_space<semaphore_mem>>) src(%dma_wait3A_34 : memref<128xi32, #tpu.memory_space<hbm>>) dst(%arg8 : memref<128xi32, #tpu.memory_space<vmem>>)
    %dma_start3A_35 = arith.constant 0 : i32
    %dma_start3A_36 = arith.constant 0 : i32
    %dma_start3A_37 = tpu.memref_slice %arg2[%dma_start3A_35, %dma_start3A_36] : memref<10000x128xf32, #tpu.memory_space<hbm>> -> memref<10000x128xf32, #tpu.memory_space<hbm>>
    tpu.enqueue_indirect_dma source(%dma_start3A_37 : memref<10000x128xf32, #tpu.memory_space<hbm>>) target(%arg10 : memref<128x128xf32, #tpu.memory_space<vmem>>) offsets(%arg6 : memref<128xi32, #tpu.memory_space<vmem>>) semaphore(%arg15 : memref<!tpu.dma_semaphore, #tpu.memory_space<semaphore_mem>>)
    %add3A_38 = arith.constant 1 : i32
    %add3A_39 = arith.addi %mul3A_20, %add3A_38 : i32
    %mul3A_40 = arith.constant 128 : i32
    %mul3A_41 = arith.muli %add3A_39, %mul3A_40 : i32
    %dma_start3A_42 = tpu.memref_slice %arg3[%mul3A_41] : memref<320000xi32, #tpu.memory_space<hbm>> -> memref<128xi32, #tpu.memory_space<hbm>>
    %dma_start3A_43 = tpu.memref_slice %arg3[%mul3A_41] : memref<320000xi32, #tpu.memory_space<hbm>> -> memref<128xi32, #tpu.memory_space<hbm>>
    tpu.enqueue_dma source(%dma_start3A_43 : memref<128xi32, #tpu.memory_space<hbm>>) target(%arg7 : memref<128xi32, #tpu.memory_space<vmem>>) target_semaphore(%arg14 : memref<!tpu.dma_semaphore, #tpu.memory_space<semaphore_mem>>)
    %mul3A_44 = arith.constant 128 : i32
    %mul3A_45 = arith.muli %add3A_39, %mul3A_44 : i32
    %dma_start3A_46 = tpu.memref_slice %arg4[%mul3A_45] : memref<320000xi32, #tpu.memory_space<hbm>> -> memref<128xi32, #tpu.memory_space<hbm>>
    %dma_start3A_47 = tpu.memref_slice %arg4[%mul3A_45] : memref<320000xi32, #tpu.memory_space<hbm>> -> memref<128xi32, #tpu.memory_space<hbm>>
    tpu.enqueue_dma source(%dma_start3A_47 : memref<128xi32, #tpu.memory_space<hbm>>) target(%arg9 : memref<128xi32, #tpu.memory_space<vmem>>) target_semaphore(%arg14 : memref<!tpu.dma_semaphore, #tpu.memory_space<semaphore_mem>>)
    %mul3A_48 = arith.constant 128 : i32
    %mul3A_49 = arith.muli %add3A_39, %mul3A_48 : i32
    %dma_wait3A_50 = tpu.memref_slice %arg3[%mul3A_49] : memref<320000xi32, #tpu.memory_space<hbm>> -> memref<128xi32, #tpu.memory_space<hbm>>
    %dma_wait3A_51 = tpu.memref_slice %arg3[%mul3A_49] : memref<320000xi32, #tpu.memory_space<hbm>> -> memref<128xi32, #tpu.memory_space<hbm>>
    tpu.wait_dma2 semaphore(%arg14 : memref<!tpu.dma_semaphore, #tpu.memory_space<semaphore_mem>>) src(%dma_wait3A_51 : memref<128xi32, #tpu.memory_space<hbm>>) dst(%arg7 : memref<128xi32, #tpu.memory_space<vmem>>)
    %mul3A_52 = arith.constant 128 : i32
    %mul3A_53 = arith.muli %add3A_39, %mul3A_52 : i32
    %dma_wait3A_54 = tpu.memref_slice %arg4[%mul3A_53] : memref<320000xi32, #tpu.memory_space<hbm>> -> memref<128xi32, #tpu.memory_space<hbm>>
    %dma_wait3A_55 = tpu.memref_slice %arg4[%mul3A_53] : memref<320000xi32, #tpu.memory_space<hbm>> -> memref<128xi32, #tpu.memory_space<hbm>>
    tpu.wait_dma2 semaphore(%arg14 : memref<!tpu.dma_semaphore, #tpu.memory_space<semaphore_mem>>) src(%dma_wait3A_55 : memref<128xi32, #tpu.memory_space<hbm>>) dst(%arg9 : memref<128xi32, #tpu.memory_space<vmem>>)
    %dma_start3A_56 = arith.constant 0 : i32
    %dma_start3A_57 = arith.constant 0 : i32
    %dma_start3A_58 = tpu.memref_slice %arg2[%dma_start3A_56, %dma_start3A_57] : memref<10000x128xf32, #tpu.memory_space<hbm>> -> memref<10000x128xf32, #tpu.memory_space<hbm>>
    tpu.enqueue_indirect_dma source(%dma_start3A_58 : memref<10000x128xf32, #tpu.memory_space<hbm>>) target(%arg11 : memref<128x128xf32, #tpu.memory_space<vmem>>) offsets(%arg7 : memref<128xi32, #tpu.memory_space<vmem>>) semaphore(%arg16 : memref<!tpu.dma_semaphore, #tpu.memory_space<semaphore_mem>>)
    %dma_wait3A_59 = arith.constant 0 : i32
    %dma_wait3A_60 = arith.constant 0 : i32
    %dma_wait3A_61 = tpu.memref_slice %arg2[%dma_wait3A_59, %dma_wait3A_60] : memref<10000x128xf32, #tpu.memory_space<hbm>> -> memref<10000x128xf32, #tpu.memory_space<hbm>>
    tpu.wait_indirect_dma semaphore(%arg15 : memref<!tpu.dma_semaphore, #tpu.memory_space<semaphore_mem>>) src(%dma_wait3A_61 : memref<10000x128xf32, #tpu.memory_space<hbm>>) dst(%arg10 : memref<128x128xf32, #tpu.memory_space<vmem>>)
    %dma_start3A_62 = arith.constant 0 : i32
    %dma_start3A_63 = arith.constant 0 : i32
    %dma_start3A_64 = tpu.memref_slice %arg12[%dma_start3A_62, %dma_start3A_63] : memref<10000x128xf32, #tpu.memory_space<vmem_shared>> -> memref<10000x128xf32, #tpu.memory_space<vmem_shared>>
    tpu.enqueue_indirect_dma source(%arg10 : memref<128x128xf32, #tpu.memory_space<vmem>>) target(%dma_start3A_64 : memref<10000x128xf32, #tpu.memory_space<vmem_shared>>) offsets(%arg8 : memref<128xi32, #tpu.memory_space<vmem>>) semaphore(%arg17 : memref<!tpu.dma_semaphore, #tpu.memory_space<semaphore_mem>>) {add = true}
    %scan3A_65 = arith.constant 0 : i32
    %scan3A_66 = arith.constant 1 : i32
    %scan3A_67 = arith.constant 38 : i32
    %scan3A_68 = arith.addi %scan3A_66, %scan3A_67 : i32
    %scan3A_69 = arith.constant 1 : i32
    scf.for %scan3A_86 = %scan3A_66 to %scan3A_68 step %scan3A_69  : i32 {
      %mul3A_87 = arith.constant 2 : i32
      %mul3A_88 = arith.muli %mul3A_87, %scan3A_86 : i32
      %add3A_89 = arith.addi %mul3A_20, %mul3A_88 : i32
      %dma_wait3A_90 = arith.constant 0 : i32
      %dma_wait3A_91 = arith.constant 0 : i32
      %dma_wait3A_92 = tpu.memref_slice %arg12[%dma_wait3A_90, %dma_wait3A_91] : memref<10000x128xf32, #tpu.memory_space<vmem_shared>> -> memref<10000x128xf32, #tpu.memory_space<vmem_shared>>
      tpu.wait_indirect_dma semaphore(%arg17 : memref<!tpu.dma_semaphore, #tpu.memory_space<semaphore_mem>>) src(%arg10 : memref<128x128xf32, #tpu.memory_space<vmem>>) dst(%dma_wait3A_92 : memref<10000x128xf32, #tpu.memory_space<vmem_shared>>)
      %mul3A_93 = arith.constant 128 : i32
      %mul3A_94 = arith.muli %add3A_89, %mul3A_93 : i32
      %dma_start3A_95 = tpu.memref_slice %arg3[%mul3A_94] : memref<320000xi32, #tpu.memory_space<hbm>> -> memref<128xi32, #tpu.memory_space<hbm>>
      %dma_start3A_96 = tpu.memref_slice %arg3[%mul3A_94] : memref<320000xi32, #tpu.memory_space<hbm>> -> memref<128xi32, #tpu.memory_space<hbm>>
      tpu.enqueue_dma source(%dma_start3A_96 : memref<128xi32, #tpu.memory_space<hbm>>) target(%arg6 : memref<128xi32, #tpu.memory_space<vmem>>) target_semaphore(%arg13 : memref<!tpu.dma_semaphore, #tpu.memory_space<semaphore_mem>>)
      %mul3A_97 = arith.constant 128 : i32
      %mul3A_98 = arith.muli %add3A_89, %mul3A_97 : i32
      %dma_start3A_99 = tpu.memref_slice %arg4[%mul3A_98] : memref<320000xi32, #tpu.memory_space<hbm>> -> memref<128xi32, #tpu.memory_space<hbm>>
      %dma_start3A_100 = tpu.memref_slice %arg4[%mul3A_98] : memref<320000xi32, #tpu.memory_space<hbm>> -> memref<128xi32, #tpu.memory_space<hbm>>
      tpu.enqueue_dma source(%dma_start3A_100 : memref<128xi32, #tpu.memory_space<hbm>>) target(%arg8 : memref<128xi32, #tpu.memory_space<vmem>>) target_semaphore(%arg13 : memref<!tpu.dma_semaphore, #tpu.memory_space<semaphore_mem>>)
      %mul3A_101 = arith.constant 128 : i32
      %mul3A_102 = arith.muli %add3A_89, %mul3A_101 : i32
      %dma_wait3A_103 = tpu.memref_slice %arg3[%mul3A_102] : memref<320000xi32, #tpu.memory_space<hbm>> -> memref<128xi32, #tpu.memory_space<hbm>>
      %dma_wait3A_104 = tpu.memref_slice %arg3[%mul3A_102] : memref<320000xi32, #tpu.memory_space<hbm>> -> memref<128xi32, #tpu.memory_space<hbm>>
      tpu.wait_dma2 semaphore(%arg13 : memref<!tpu.dma_semaphore, #tpu.memory_space<semaphore_mem>>) src(%dma_wait3A_104 : memref<128xi32, #tpu.memory_space<hbm>>) dst(%arg6 : memref<128xi32, #tpu.memory_space<vmem>>)
      %mul3A_105 = arith.constant 128 : i32
      %mul3A_106 = arith.muli %add3A_89, %mul3A_105 : i32
      %dma_wait3A_107 = tpu.memref_slice %arg4[%mul3A_106] : memref<320000xi32, #tpu.memory_space<hbm>> -> memref<128xi32, #tpu.memory_space<hbm>>
      %dma_wait3A_108 = tpu.memref_slice %arg4[%mul3A_106] : memref<320000xi32, #tpu.memory_space<hbm>> -> memref<128xi32, #tpu.memory_space<hbm>>
      tpu.wait_dma2 semaphore(%arg13 : memref<!tpu.dma_semaphore, #tpu.memory_space<semaphore_mem>>) src(%dma_wait3A_108 : memref<128xi32, #tpu.memory_space<hbm>>) dst(%arg8 : memref<128xi32, #tpu.memory_space<vmem>>)
      %dma_start3A_109 = arith.constant 0 : i32
      %dma_start3A_110 = arith.constant 0 : i32
      %dma_start3A_111 = tpu.memref_slice %arg2[%dma_start3A_109, %dma_start3A_110] : memref<10000x128xf32, #tpu.memory_space<hbm>> -> memref<10000x128xf32, #tpu.memory_space<hbm>>
      tpu.enqueue_indirect_dma source(%dma_start3A_111 : memref<10000x128xf32, #tpu.memory_space<hbm>>) target(%arg10 : memref<128x128xf32, #tpu.memory_space<vmem>>) offsets(%arg6 : memref<128xi32, #tpu.memory_space<vmem>>) semaphore(%arg15 : memref<!tpu.dma_semaphore, #tpu.memory_space<semaphore_mem>>)
      %dma_wait3A_112 = arith.constant 0 : i32
      %dma_wait3A_113 = arith.constant 0 : i32
      %dma_wait3A_114 = tpu.memref_slice %arg2[%dma_wait3A_112, %dma_wait3A_113] : memref<10000x128xf32, #tpu.memory_space<hbm>> -> memref<10000x128xf32, #tpu.memory_space<hbm>>
      tpu.wait_indirect_dma semaphore(%arg16 : memref<!tpu.dma_semaphore, #tpu.memory_space<semaphore_mem>>) src(%dma_wait3A_114 : memref<10000x128xf32, #tpu.memory_space<hbm>>) dst(%arg11 : memref<128x128xf32, #tpu.memory_space<vmem>>)
      %dma_start3A_115 = arith.constant 0 : i32
      %dma_start3A_116 = arith.constant 0 : i32
      %dma_start3A_117 = tpu.memref_slice %arg12[%dma_start3A_115, %dma_start3A_116] : memref<10000x128xf32, #tpu.memory_space<vmem_shared>> -> memref<10000x128xf32, #tpu.memory_space<vmem_shared>>
      tpu.enqueue_indirect_dma source(%arg11 : memref<128x128xf32, #tpu.memory_space<vmem>>) target(%dma_start3A_117 : memref<10000x128xf32, #tpu.memory_space<vmem_shared>>) offsets(%arg9 : memref<128xi32, #tpu.memory_space<vmem>>) semaphore(%arg18 : memref<!tpu.dma_semaphore, #tpu.memory_space<semaphore_mem>>) {add = true}
      %dma_wait3A_118 = arith.constant 0 : i32
      %dma_wait3A_119 = arith.constant 0 : i32
      %dma_wait3A_120 = tpu.memref_slice %arg12[%dma_wait3A_118, %dma_wait3A_119] : memref<10000x128xf32, #tpu.memory_space<vmem_shared>> -> memref<10000x128xf32, #tpu.memory_space<vmem_shared>>
      tpu.wait_indirect_dma semaphore(%arg18 : memref<!tpu.dma_semaphore, #tpu.memory_space<semaphore_mem>>) src(%arg11 : memref<128x128xf32, #tpu.memory_space<vmem>>) dst(%dma_wait3A_120 : memref<10000x128xf32, #tpu.memory_space<vmem_shared>>)
      %add3A_121 = arith.constant 1 : i32
      %add3A_122 = arith.addi %add3A_89, %add3A_121 : i32
      %mul3A_123 = arith.constant 128 : i32
      %mul3A_124 = arith.muli %add3A_122, %mul3A_123 : i32
      %dma_start3A_125 = tpu.memref_slice %arg3[%mul3A_124] : memref<320000xi32, #tpu.memory_space<hbm>> -> memref<128xi32, #tpu.memory_space<hbm>>
      %dma_start3A_126 = tpu.memref_slice %arg3[%mul3A_124] : memref<320000xi32, #tpu.memory_space<hbm>> -> memref<128xi32, #tpu.memory_space<hbm>>
      tpu.enqueue_dma source(%dma_start3A_126 : memref<128xi32, #tpu.memory_space<hbm>>) target(%arg7 : memref<128xi32, #tpu.memory_space<vmem>>) target_semaphore(%arg14 : memref<!tpu.dma_semaphore, #tpu.memory_space<semaphore_mem>>)
      %mul3A_127 = arith.constant 128 : i32
      %mul3A_128 = arith.muli %add3A_122, %mul3A_127 : i32
      %dma_start3A_129 = tpu.memref_slice %arg4[%mul3A_128] : memref<320000xi32, #tpu.memory_space<hbm>> -> memref<128xi32, #tpu.memory_space<hbm>>
      %dma_start3A_130 = tpu.memref_slice %arg4[%mul3A_128] : memref<320000xi32, #tpu.memory_space<hbm>> -> memref<128xi32, #tpu.memory_space<hbm>>
      tpu.enqueue_dma source(%dma_start3A_130 : memref<128xi32, #tpu.memory_space<hbm>>) target(%arg9 : memref<128xi32, #tpu.memory_space<vmem>>) target_semaphore(%arg14 : memref<!tpu.dma_semaphore, #tpu.memory_space<semaphore_mem>>)
      %mul3A_131 = arith.constant 128 : i32
      %mul3A_132 = arith.muli %add3A_122, %mul3A_131 : i32
      %dma_wait3A_133 = tpu.memref_slice %arg3[%mul3A_132] : memref<320000xi32, #tpu.memory_space<hbm>> -> memref<128xi32, #tpu.memory_space<hbm>>
      %dma_wait3A_134 = tpu.memref_slice %arg3[%mul3A_132] : memref<320000xi32, #tpu.memory_space<hbm>> -> memref<128xi32, #tpu.memory_space<hbm>>
      tpu.wait_dma2 semaphore(%arg14 : memref<!tpu.dma_semaphore, #tpu.memory_space<semaphore_mem>>) src(%dma_wait3A_134 : memref<128xi32, #tpu.memory_space<hbm>>) dst(%arg7 : memref<128xi32, #tpu.memory_space<vmem>>)
      %mul3A_135 = arith.constant 128 : i32
      %mul3A_136 = arith.muli %add3A_122, %mul3A_135 : i32
      %dma_wait3A_137 = tpu.memref_slice %arg4[%mul3A_136] : memref<320000xi32, #tpu.memory_space<hbm>> -> memref<128xi32, #tpu.memory_space<hbm>>
      %dma_wait3A_138 = tpu.memref_slice %arg4[%mul3A_136] : memref<320000xi32, #tpu.memory_space<hbm>> -> memref<128xi32, #tpu.memory_space<hbm>>
      tpu.wait_dma2 semaphore(%arg14 : memref<!tpu.dma_semaphore, #tpu.memory_space<semaphore_mem>>) src(%dma_wait3A_138 : memref<128xi32, #tpu.memory_space<hbm>>) dst(%arg9 : memref<128xi32, #tpu.memory_space<vmem>>)
      %dma_start3A_139 = arith.constant 0 : i32
      %dma_start3A_140 = arith.constant 0 : i32
      %dma_start3A_141 = tpu.memref_slice %arg2[%dma_start3A_139, %dma_start3A_140] : memref<10000x128xf32, #tpu.memory_space<hbm>> -> memref<10000x128xf32, #tpu.memory_space<hbm>>
      tpu.enqueue_indirect_dma source(%dma_start3A_141 : memref<10000x128xf32, #tpu.memory_space<hbm>>) target(%arg11 : memref<128x128xf32, #tpu.memory_space<vmem>>) offsets(%arg7 : memref<128xi32, #tpu.memory_space<vmem>>) semaphore(%arg16 : memref<!tpu.dma_semaphore, #tpu.memory_space<semaphore_mem>>)
      %dma_wait3A_142 = arith.constant 0 : i32
      %dma_wait3A_143 = arith.constant 0 : i32
      %dma_wait3A_144 = tpu.memref_slice %arg2[%dma_wait3A_142, %dma_wait3A_143] : memref<10000x128xf32, #tpu.memory_space<hbm>> -> memref<10000x128xf32, #tpu.memory_space<hbm>>
      tpu.wait_indirect_dma semaphore(%arg15 : memref<!tpu.dma_semaphore, #tpu.memory_space<semaphore_mem>>) src(%dma_wait3A_144 : memref<10000x128xf32, #tpu.memory_space<hbm>>) dst(%arg10 : memref<128x128xf32, #tpu.memory_space<vmem>>)
      %dma_start3A_145 = arith.constant 0 : i32
      %dma_start3A_146 = arith.constant 0 : i32
      %dma_start3A_147 = tpu.memref_slice %arg12[%dma_start3A_145, %dma_start3A_146] : memref<10000x128xf32, #tpu.memory_space<vmem_shared>> -> memref<10000x128xf32, #tpu.memory_space<vmem_shared>>
      tpu.enqueue_indirect_dma source(%arg10 : memref<128x128xf32, #tpu.memory_space<vmem>>) target(%dma_start3A_147 : memref<10000x128xf32, #tpu.memory_space<vmem_shared>>) offsets(%arg8 : memref<128xi32, #tpu.memory_space<vmem>>) semaphore(%arg17 : memref<!tpu.dma_semaphore, #tpu.memory_space<semaphore_mem>>) {add = true}
    }
    %scan3A_70 = arith.constant 38 : i32
    %dma_wait3A_71 = arith.constant 0 : i32
    %dma_wait3A_72 = arith.constant 0 : i32
    %dma_wait3A_73 = tpu.memref_slice %arg12[%dma_wait3A_71, %dma_wait3A_72] : memref<10000x128xf32, #tpu.memory_space<vmem_shared>> -> memref<10000x128xf32, #tpu.memory_space<vmem_shared>>
    tpu.wait_indirect_dma semaphore(%arg17 : memref<!tpu.dma_semaphore, #tpu.memory_space<semaphore_mem>>) src(%arg10 : memref<128x128xf32, #tpu.memory_space<vmem>>) dst(%dma_wait3A_73 : memref<10000x128xf32, #tpu.memory_space<vmem_shared>>)
    %dma_wait3A_74 = arith.constant 0 : i32
    %dma_wait3A_75 = arith.constant 0 : i32
    %dma_wait3A_76 = tpu.memref_slice %arg2[%dma_wait3A_74, %dma_wait3A_75] : memref<10000x128xf32, #tpu.memory_space<hbm>> -> memref<10000x128xf32, #tpu.memory_space<hbm>>
    tpu.wait_indirect_dma semaphore(%arg16 : memref<!tpu.dma_semaphore, #tpu.memory_space<semaphore_mem>>) src(%dma_wait3A_76 : memref<10000x128xf32, #tpu.memory_space<hbm>>) dst(%arg11 : memref<128x128xf32, #tpu.memory_space<vmem>>)
    %dma_start3A_77 = arith.constant 0 : i32
    %dma_start3A_78 = arith.constant 0 : i32
    %dma_start3A_79 = tpu.memref_slice %arg12[%dma_start3A_77, %dma_start3A_78] : memref<10000x128xf32, #tpu.memory_space<vmem_shared>> -> memref<10000x128xf32, #tpu.memory_space<vmem_shared>>
    tpu.enqueue_indirect_dma source(%arg11 : memref<128x128xf32, #tpu.memory_space<vmem>>) target(%dma_start3A_79 : memref<10000x128xf32, #tpu.memory_space<vmem_shared>>) offsets(%arg9 : memref<128xi32, #tpu.memory_space<vmem>>) semaphore(%arg18 : memref<!tpu.dma_semaphore, #tpu.memory_space<semaphore_mem>>) {add = true}
    %dma_wait3A_80 = arith.constant 0 : i32
    %dma_wait3A_81 = arith.constant 0 : i32
    %dma_wait3A_82 = tpu.memref_slice %arg12[%dma_wait3A_80, %dma_wait3A_81] : memref<10000x128xf32, #tpu.memory_space<vmem_shared>> -> memref<10000x128xf32, #tpu.memory_space<vmem_shared>>
    tpu.wait_indirect_dma semaphore(%arg18 : memref<!tpu.dma_semaphore, #tpu.memory_space<semaphore_mem>>) src(%arg11 : memref<128x128xf32, #tpu.memory_space<vmem>>) dst(%dma_wait3A_82 : memref<10000x128xf32, #tpu.memory_space<vmem_shared>>)
    %lt3A = arith.constant 4 : i32
    %lt3A_83 = arith.cmpi slt, %add3A, %lt3A : i32
    %convert_element_type3A = arith.extui %lt3A_83 : i1 to i32
    %cond3A = arith.constant 0 : i32
    %cond3A_84 = arith.cmpi ne, %convert_element_type3A, %cond3A : i32
    scf.if %cond3A_84 {
      %add3A_86 = arith.constant 2496 : i32
      %add3A_87 = arith.addi %add3A_86, %add3A : i32
      %mul3A_88 = arith.constant 128 : i32
      %mul3A_89 = arith.muli %add3A_87, %mul3A_88 : i32
      "tpu.region"() ({
        %run_scoped3A = tpu.sem_alloc : memref<!tpu.dma_semaphore, #tpu.memory_space<semaphore_mem>>
        %dma_start3A_98 = tpu.memref_slice %arg3[%mul3A_89] : memref<320000xi32, #tpu.memory_space<hbm>> -> memref<128xi32, #tpu.memory_space<hbm>>
        %dma_start3A_99 = tpu.memref_slice %arg3[%mul3A_89] : memref<320000xi32, #tpu.memory_space<hbm>> -> memref<128xi32, #tpu.memory_space<hbm>>
        tpu.enqueue_dma source(%dma_start3A_99 : memref<128xi32, #tpu.memory_space<hbm>>) target(%arg6 : memref<128xi32, #tpu.memory_space<vmem>>) target_semaphore(%run_scoped3A : memref<!tpu.dma_semaphore, #tpu.memory_space<semaphore_mem>>)
        %dma_wait3A_100 = tpu.memref_slice %arg3[%mul3A_89] : memref<320000xi32, #tpu.memory_space<hbm>> -> memref<128xi32, #tpu.memory_space<hbm>>
        %dma_wait3A_101 = tpu.memref_slice %arg3[%mul3A_89] : memref<320000xi32, #tpu.memory_space<hbm>> -> memref<128xi32, #tpu.memory_space<hbm>>
        tpu.wait_dma2 semaphore(%run_scoped3A : memref<!tpu.dma_semaphore, #tpu.memory_space<semaphore_mem>>) src(%dma_wait3A_101 : memref<128xi32, #tpu.memory_space<hbm>>) dst(%arg6 : memref<128xi32, #tpu.memory_space<vmem>>)
        tpu.yield
      }) : () -> ()
      %mul3A_90 = arith.constant 128 : i32
      %mul3A_91 = arith.muli %add3A_87, %mul3A_90 : i32
      "tpu.region"() ({
        %run_scoped3A = tpu.sem_alloc : memref<!tpu.dma_semaphore, #tpu.memory_space<semaphore_mem>>
        %dma_start3A_98 = tpu.memref_slice %arg4[%mul3A_91] : memref<320000xi32, #tpu.memory_space<hbm>> -> memref<128xi32, #tpu.memory_space<hbm>>
        %dma_start3A_99 = tpu.memref_slice %arg4[%mul3A_91] : memref<320000xi32, #tpu.memory_space<hbm>> -> memref<128xi32, #tpu.memory_space<hbm>>
        tpu.enqueue_dma source(%dma_start3A_99 : memref<128xi32, #tpu.memory_space<hbm>>) target(%arg8 : memref<128xi32, #tpu.memory_space<vmem>>) target_semaphore(%run_scoped3A : memref<!tpu.dma_semaphore, #tpu.memory_space<semaphore_mem>>)
        %dma_wait3A_100 = tpu.memref_slice %arg4[%mul3A_91] : memref<320000xi32, #tpu.memory_space<hbm>> -> memref<128xi32, #tpu.memory_space<hbm>>
        %dma_wait3A_101 = tpu.memref_slice %arg4[%mul3A_91] : memref<320000xi32, #tpu.memory_space<hbm>> -> memref<128xi32, #tpu.memory_space<hbm>>
        tpu.wait_dma2 semaphore(%run_scoped3A : memref<!tpu.dma_semaphore, #tpu.memory_space<semaphore_mem>>) src(%dma_wait3A_101 : memref<128xi32, #tpu.memory_space<hbm>>) dst(%arg8 : memref<128xi32, #tpu.memory_space<vmem>>)
        tpu.yield
      }) : () -> ()
      %dma_start3A_92 = arith.constant 0 : i32
      %dma_start3A_93 = arith.constant 0 : i32
      %dma_start3A_94 = tpu.memref_slice %arg2[%dma_start3A_92, %dma_start3A_93] : memref<10000x128xf32, #tpu.memory_space<hbm>> -> memref<10000x128xf32, #tpu.memory_space<hbm>>
      tpu.enqueue_indirect_dma source(%dma_start3A_94 : memref<10000x128xf32, #tpu.memory_space<hbm>>) target(%arg10 : memref<128x128xf32, #tpu.memory_space<vmem>>) offsets(%arg6 : memref<128xi32, #tpu.memory_space<vmem>>) semaphore(%arg15 : memref<!tpu.dma_semaphore, #tpu.memory_space<semaphore_mem>>)
      %dma_wait3A_95 = arith.constant 0 : i32
      %dma_wait3A_96 = arith.constant 0 : i32
      %dma_wait3A_97 = tpu.memref_slice %arg2[%dma_wait3A_95, %dma_wait3A_96] : memref<10000x128xf32, #tpu.memory_space<hbm>> -> memref<10000x128xf32, #tpu.memory_space<hbm>>
      tpu.wait_indirect_dma semaphore(%arg15 : memref<!tpu.dma_semaphore, #tpu.memory_space<semaphore_mem>>) src(%dma_wait3A_97 : memref<10000x128xf32, #tpu.memory_space<hbm>>) dst(%arg10 : memref<128x128xf32, #tpu.memory_space<vmem>>)
      "tpu.region"() ({
        %run_scoped3A = tpu.sem_alloc : memref<!tpu.dma_semaphore, #tpu.memory_space<semaphore_mem>>
        %dma_start3A_98 = arith.constant 0 : i32
        %dma_start3A_99 = arith.constant 0 : i32
        %dma_start3A_100 = tpu.memref_slice %arg12[%dma_start3A_98, %dma_start3A_99] : memref<10000x128xf32, #tpu.memory_space<vmem_shared>> -> memref<10000x128xf32, #tpu.memory_space<vmem_shared>>
        tpu.enqueue_indirect_dma source(%arg10 : memref<128x128xf32, #tpu.memory_space<vmem>>) target(%dma_start3A_100 : memref<10000x128xf32, #tpu.memory_space<vmem_shared>>) offsets(%arg8 : memref<128xi32, #tpu.memory_space<vmem>>) semaphore(%run_scoped3A : memref<!tpu.dma_semaphore, #tpu.memory_space<semaphore_mem>>) {add = true}
        %dma_wait3A_101 = arith.constant 0 : i32
        %dma_wait3A_102 = arith.constant 0 : i32
        %dma_wait3A_103 = tpu.memref_slice %arg12[%dma_wait3A_101, %dma_wait3A_102] : memref<10000x128xf32, #tpu.memory_space<vmem_shared>> -> memref<10000x128xf32, #tpu.memory_space<vmem_shared>>
        tpu.wait_indirect_dma semaphore(%run_scoped3A : memref<!tpu.dma_semaphore, #tpu.memory_space<semaphore_mem>>) src(%arg10 : memref<128x128xf32, #tpu.memory_space<vmem>>) dst(%dma_wait3A_103 : memref<10000x128xf32, #tpu.memory_space<vmem_shared>>)
        tpu.yield
      }) : () -> ()
    } else {
    }
    %barrier3A_85 = arith.constant 0 : index
    tpu.barrier barrier_id(%barrier3A_85)
    "tpu.region"() ({
      %run_scoped3A = tpu.sem_alloc : memref<!tpu.dma_semaphore, #tpu.memory_space<semaphore_mem>>
      %dma_start3A_86 = arith.constant 0 : i32
      %dma_start3A_87 = tpu.memref_slice %arg5[%arg0, %mul3A_2, %dma_start3A_86] : memref<2x10000x128xf32, #tpu.memory_space<hbm>> -> memref<1x640x128xf32, #tpu.memory_space<hbm>>
      %dma_start3A_88 = tpu.memref_squeeze %dma_start3A_87 : memref<1x640x128xf32, #tpu.memory_space<hbm>> -> memref<640x128xf32, #tpu.memory_space<hbm>>
      %dma_start3A_89 = arith.constant 0 : i32
      %dma_start3A_90 = tpu.memref_slice %arg12[%mul3A_2, %dma_start3A_89] : memref<10000x128xf32, #tpu.memory_space<vmem_shared>> -> memref<640x128xf32, #tpu.memory_space<vmem_shared>>
      tpu.enqueue_dma source(%dma_start3A_90 : memref<640x128xf32, #tpu.memory_space<vmem_shared>>) target(%dma_start3A_88 : memref<640x128xf32, #tpu.memory_space<hbm>>) target_semaphore(%run_scoped3A : memref<!tpu.dma_semaphore, #tpu.memory_space<semaphore_mem>>)
      %dma_wait3A_91 = arith.constant 0 : i32
      %dma_wait3A_92 = tpu.memref_slice %arg5[%arg0, %mul3A_2, %dma_wait3A_91] : memref<2x10000x128xf32, #tpu.memory_space<hbm>> -> memref<1x640x128xf32, #tpu.memory_space<hbm>>
      %dma_wait3A_93 = tpu.memref_squeeze %dma_wait3A_92 : memref<1x640x128xf32, #tpu.memory_space<hbm>> -> memref<640x128xf32, #tpu.memory_space<hbm>>
      %dma_wait3A_94 = arith.constant 0 : i32
      %dma_wait3A_95 = tpu.memref_slice %arg12[%mul3A_2, %dma_wait3A_94] : memref<10000x128xf32, #tpu.memory_space<vmem_shared>> -> memref<640x128xf32, #tpu.memory_space<vmem_shared>>
      tpu.wait_dma2 semaphore(%run_scoped3A : memref<!tpu.dma_semaphore, #tpu.memory_space<semaphore_mem>>) src(%dma_wait3A_95 : memref<640x128xf32, #tpu.memory_space<vmem_shared>>) dst(%dma_wait3A_93 : memref<640x128xf32, #tpu.memory_space<hbm>>)
      tpu.yield
    }) : () -> ()
    return
  }
}

module attributes {stable_mosaic.version = 14 : i64} {
  func.func @_mm_body(%arg0: i32, %arg1: memref<2000x128xf32, #tpu.memory_space<vmem>>, %arg2: memref<128x128xf32, #tpu.memory_space<vmem>>, %arg3: memref<2000x128xf32, #tpu.memory_space<vmem>>) attributes {dimension_semantics = [#tpu.dimension_semantics<arbitrary>], iteration_bounds = array<i64: 5>, scalar_prefetch = 0 : i64, scratch_operands = 0 : i64, tpu.core_type = #tpu.core_type<tc>, window_params = [{transform_indices = @transform_0, window_bounds = array<i64: 2000, 128>}, {pipeline_mode = #tpu.pipeline_mode<synchronous>, transform_indices = @transform_1, window_bounds = array<i64: 128, 128>}, {transform_indices = @transform_2, window_bounds = array<i64: 2000, 128>}]} {
    %get3A = arith.constant 0 : index
    %get3A_0 = arith.constant 0 : index
    %get3A_1 = vector.load %arg1[%get3A, %get3A_0] : memref<2000x128xf32, #tpu.memory_space<vmem>>, vector<2000x128xf32>
    %get3A_2 = arith.constant 0 : index
    %get3A_3 = arith.constant 0 : index
    %get3A_4 = vector.load %arg2[%get3A_2, %get3A_3] : memref<128x128xf32, #tpu.memory_space<vmem>>, vector<128x128xf32>
    %dot_general3A = arith.constant dense<0.000000e+00> : vector<2000x128xf32>
    %dot_general3A_5 = tpu.matmul %get3A_1, %get3A_4, %dot_general3A {dimension_numbers = #tpu.dot_dimension_numbers<[1], [0], [0], [1], [0, 0, 1, 1], [], []>, transpose_lhs_hint = false} : vector<2000x128xf32>, vector<128x128xf32>, vector<2000x128xf32> -> vector<2000x128xf32>
    %swap3A = arith.constant 0 : index
    %swap3A_6 = arith.constant 0 : index
    %swap3A_7 = vector.load %arg3[%swap3A, %swap3A_6] : memref<2000x128xf32, #tpu.memory_space<vmem>>, vector<2000x128xf32>
    tpu.vector_store %arg3[%swap3A, %swap3A_6], %dot_general3A_5 {strides = array<i32>} : memref<2000x128xf32, #tpu.memory_space<vmem>>, vector<2000x128xf32>,
    return
  }
  func.func @transform_0(%arg0: i32) -> (i32, i32) {
    %c0_i32 = arith.constant 0 : i32
    %c0_i32_0 = arith.constant 0 : i32
    return %arg0, %c0_i32 : i32, i32
  }
  func.func @transform_1(%arg0: i32) -> (i32, i32) {
    %c0_i32 = arith.constant 0 : i32
    %c0_i32_0 = arith.constant 0 : i32
    %c0_i32_1 = arith.constant 0 : i32
    return %c0_i32, %c0_i32_0 : i32, i32
  }
  func.func @transform_2(%arg0: i32) -> (i32, i32) {
    %c0_i32 = arith.constant 0 : i32
    %c0_i32_0 = arith.constant 0 : i32
    return %arg0, %c0_i32 : i32, i32
  }
}

module attributes {stable_mosaic.version = 14 : i64} {
  func.func @_fuse_body(%arg0: i32, %arg1: memref<2x2000x128xf32, #tpu.memory_space<vmem>>, %arg2: memref<2x2000x16xf32, #tpu.memory_space<vmem>>, %arg3: memref<1x128xf32, #tpu.memory_space<vmem>>, %arg4: memref<128x128xf32, #tpu.memory_space<vmem>>, %arg5: memref<2000x128xf32, #tpu.memory_space<vmem>>) attributes {dimension_semantics = [#tpu.dimension_semantics<arbitrary>], iteration_bounds = array<i64: 5>, scalar_prefetch = 0 : i64, scratch_operands = 0 : i64, tpu.core_type = #tpu.core_type<tc>, window_params = [{transform_indices = @transform_0, window_bounds = array<i64: 2, 2000, 128>}, {transform_indices = @transform_1, window_bounds = array<i64: 2, 2000, 16>}, {pipeline_mode = #tpu.pipeline_mode<synchronous>, transform_indices = @transform_2, window_bounds = array<i64: 1, 128>}, {pipeline_mode = #tpu.pipeline_mode<synchronous>, transform_indices = @transform_3, window_bounds = array<i64: 128, 128>}, {transform_indices = @transform_4, window_bounds = array<i64: 2000, 128>}]} {
    %get3A = arith.constant 0 : index
    %get3A_0 = arith.constant 0 : index
    %get3A_1 = arith.constant 0 : index
    %get3A_2 = vector.load %arg1[%get3A, %get3A_0, %get3A_1] : memref<2x2000x128xf32, #tpu.memory_space<vmem>>, vector<1x2000x128xf32>
    %get3A_3 = vector.shape_cast %get3A_2 : vector<1x2000x128xf32> to vector<2000x128xf32>
    %get3A_4 = arith.constant 1 : index
    %get3A_5 = arith.constant 0 : index
    %get3A_6 = arith.constant 0 : index
    %get3A_7 = vector.load %arg1[%get3A_4, %get3A_5, %get3A_6] : memref<2x2000x128xf32, #tpu.memory_space<vmem>>, vector<1x2000x128xf32>
    %get3A_8 = vector.shape_cast %get3A_7 : vector<1x2000x128xf32> to vector<2000x128xf32>
    %add3A = arith.addf %get3A_3, %get3A_8 : vector<2000x128xf32>
    %get3A_9 = arith.constant 0 : index
    %get3A_10 = arith.constant 0 : index
    %get3A_11 = arith.constant 0 : index
    %get3A_12 = vector.load %arg2[%get3A_9, %get3A_10, %get3A_11] : memref<2x2000x16xf32, #tpu.memory_space<vmem>>, vector<1x2000x16xf32>
    %get3A_13 = vector.shape_cast %get3A_12 : vector<1x2000x16xf32> to vector<2000x16xf32>
    %get3A_14 = arith.constant 1 : index
    %get3A_15 = arith.constant 0 : index
    %get3A_16 = arith.constant 0 : index
    %get3A_17 = vector.load %arg2[%get3A_14, %get3A_15, %get3A_16] : memref<2x2000x16xf32, #tpu.memory_space<vmem>>, vector<1x2000x16xf32>
    %get3A_18 = vector.shape_cast %get3A_17 : vector<1x2000x16xf32> to vector<2000x16xf32>
    %add3A_19 = arith.addf %get3A_13, %get3A_18 : vector<2000x16xf32>
    %slice3A = vector.extract_strided_slice %add3A_19 {offsets = [0, 0], sizes = [2000, 1], strides = [1, 1]} : vector<2000x16xf32> to vector<2000x1xf32>
    %max3A = arith.constant 1.000000e+00 : f32
    %max3A_20 = vector.broadcast %max3A : f32 to vector<2000x1xf32>
    %max3A_21 = arith.maximumf %slice3A, %max3A_20 : vector<2000x1xf32>
    %div3A = arith.constant 1.000000e+00 : f32
    %div3A_22 = vector.broadcast %div3A : f32 to vector<2000x1xf32>
    %div3A_23 = arith.divf %div3A_22, %max3A_21 : vector<2000x1xf32>
    %mul3A = vector.broadcast %div3A_23 : vector<2000x1xf32> to vector<2000x128xf32>
    %mul3A_24 = arith.mulf %add3A, %mul3A : vector<2000x128xf32>
    %get3A_25 = arith.constant 0 : index
    %get3A_26 = arith.constant 0 : index
    %get3A_27 = vector.load %arg3[%get3A_25, %get3A_26] : memref<1x128xf32, #tpu.memory_space<vmem>>, vector<1x128xf32>
    %add3A_28 = vector.broadcast %get3A_27 : vector<1x128xf32> to vector<2000x128xf32>
    %add3A_29 = arith.addf %mul3A_24, %add3A_28 : vector<2000x128xf32>
    %max3A_30 = arith.constant 0.000000e+00 : f32
    %max3A_31 = vector.broadcast %max3A_30 : f32 to vector<2000x128xf32>
    %max3A_32 = arith.maximumf %add3A_29, %max3A_31 : vector<2000x128xf32>
    %get3A_33 = arith.constant 0 : index
    %get3A_34 = arith.constant 0 : index
    %get3A_35 = vector.load %arg4[%get3A_33, %get3A_34] : memref<128x128xf32, #tpu.memory_space<vmem>>, vector<128x128xf32>
    %dot_general3A = arith.constant dense<0.000000e+00> : vector<2000x128xf32>
    %dot_general3A_36 = tpu.matmul %max3A_32, %get3A_35, %dot_general3A {dimension_numbers = #tpu.dot_dimension_numbers<[1], [0], [0], [1], [0, 0, 1, 1], [], []>, transpose_lhs_hint = false} : vector<2000x128xf32>, vector<128x128xf32>, vector<2000x128xf32> -> vector<2000x128xf32>
    %swap3A = arith.constant 0 : index
    %swap3A_37 = arith.constant 0 : index
    %swap3A_38 = vector.load %arg5[%swap3A, %swap3A_37] : memref<2000x128xf32, #tpu.memory_space<vmem>>, vector<2000x128xf32>
    tpu.vector_store %arg5[%swap3A, %swap3A_37], %dot_general3A_36 {strides = array<i32>} : memref<2000x128xf32, #tpu.memory_space<vmem>>, vector<2000x128xf32>,
    return
  }
  func.func @transform_0(%arg0: i32) -> (i32, i32, i32) {
    %c0_i32 = arith.constant 0 : i32
    %c0_i32_0 = arith.constant 0 : i32
    %c0_i32_1 = arith.constant 0 : i32
    return %c0_i32, %arg0, %c0_i32_0 : i32, i32, i32
  }
  func.func @transform_1(%arg0: i32) -> (i32, i32, i32) {
    %c0_i32 = arith.constant 0 : i32
    %c0_i32_0 = arith.constant 0 : i32
    %c0_i32_1 = arith.constant 0 : i32
    return %c0_i32, %arg0, %c0_i32_0 : i32, i32, i32
  }
  func.func @transform_2(%arg0: i32) -> (i32, i32) {
    %c0_i32 = arith.constant 0 : i32
    %c0_i32_0 = arith.constant 0 : i32
    %c0_i32_1 = arith.constant 0 : i32
    return %c0_i32, %c0_i32_0 : i32, i32
  }
  func.func @transform_3(%arg0: i32) -> (i32, i32) {
    %c0_i32 = arith.constant 0 : i32
    %c0_i32_0 = arith.constant 0 : i32
    %c0_i32_1 = arith.constant 0 : i32
    return %c0_i32, %c0_i32_0 : i32, i32
  }
  func.func @transform_4(%arg0: i32) -> (i32, i32) {
    %c0_i32 = arith.constant 0 : i32
    %c0_i32_0 = arith.constant 0 : i32
    return %arg0, %c0_i32 : i32, i32
  }
}

module attributes {stable_mosaic.version = 14 : i64} {
  func.func @_act_body(%arg0: i32, %arg1: memref<2x2000x128xf32, #tpu.memory_space<vmem>>, %arg2: memref<2x2000x16xf32, #tpu.memory_space<vmem>>, %arg3: memref<1x128xf32, #tpu.memory_space<vmem>>, %arg4: memref<2000x128xf32, #tpu.memory_space<vmem>>) attributes {dimension_semantics = [#tpu.dimension_semantics<arbitrary>], iteration_bounds = array<i64: 5>, scalar_prefetch = 0 : i64, scratch_operands = 0 : i64, tpu.core_type = #tpu.core_type<tc>, window_params = [{transform_indices = @transform_0, window_bounds = array<i64: 2, 2000, 128>}, {transform_indices = @transform_1, window_bounds = array<i64: 2, 2000, 16>}, {pipeline_mode = #tpu.pipeline_mode<synchronous>, transform_indices = @transform_2, window_bounds = array<i64: 1, 128>}, {transform_indices = @transform_3, window_bounds = array<i64: 2000, 128>}]} {
    %get3A = arith.constant 0 : index
    %get3A_0 = arith.constant 0 : index
    %get3A_1 = arith.constant 0 : index
    %get3A_2 = vector.load %arg1[%get3A, %get3A_0, %get3A_1] : memref<2x2000x128xf32, #tpu.memory_space<vmem>>, vector<1x2000x128xf32>
    %get3A_3 = vector.shape_cast %get3A_2 : vector<1x2000x128xf32> to vector<2000x128xf32>
    %get3A_4 = arith.constant 1 : index
    %get3A_5 = arith.constant 0 : index
    %get3A_6 = arith.constant 0 : index
    %get3A_7 = vector.load %arg1[%get3A_4, %get3A_5, %get3A_6] : memref<2x2000x128xf32, #tpu.memory_space<vmem>>, vector<1x2000x128xf32>
    %get3A_8 = vector.shape_cast %get3A_7 : vector<1x2000x128xf32> to vector<2000x128xf32>
    %add3A = arith.addf %get3A_3, %get3A_8 : vector<2000x128xf32>
    %get3A_9 = arith.constant 0 : index
    %get3A_10 = arith.constant 0 : index
    %get3A_11 = arith.constant 0 : index
    %get3A_12 = vector.load %arg2[%get3A_9, %get3A_10, %get3A_11] : memref<2x2000x16xf32, #tpu.memory_space<vmem>>, vector<1x2000x16xf32>
    %get3A_13 = vector.shape_cast %get3A_12 : vector<1x2000x16xf32> to vector<2000x16xf32>
    %get3A_14 = arith.constant 1 : index
    %get3A_15 = arith.constant 0 : index
    %get3A_16 = arith.constant 0 : index
    %get3A_17 = vector.load %arg2[%get3A_14, %get3A_15, %get3A_16] : memref<2x2000x16xf32, #tpu.memory_space<vmem>>, vector<1x2000x16xf32>
    %get3A_18 = vector.shape_cast %get3A_17 : vector<1x2000x16xf32> to vector<2000x16xf32>
    %add3A_19 = arith.addf %get3A_13, %get3A_18 : vector<2000x16xf32>
    %slice3A = vector.extract_strided_slice %add3A_19 {offsets = [0, 0], sizes = [2000, 1], strides = [1, 1]} : vector<2000x16xf32> to vector<2000x1xf32>
    %max3A = arith.constant 1.000000e+00 : f32
    %max3A_20 = vector.broadcast %max3A : f32 to vector<2000x1xf32>
    %max3A_21 = arith.maximumf %slice3A, %max3A_20 : vector<2000x1xf32>
    %div3A = arith.constant 1.000000e+00 : f32
    %div3A_22 = vector.broadcast %div3A : f32 to vector<2000x1xf32>
    %div3A_23 = arith.divf %div3A_22, %max3A_21 : vector<2000x1xf32>
    %mul3A = vector.broadcast %div3A_23 : vector<2000x1xf32> to vector<2000x128xf32>
    %mul3A_24 = arith.mulf %add3A, %mul3A : vector<2000x128xf32>
    %get3A_25 = arith.constant 0 : index
    %get3A_26 = arith.constant 0 : index
    %get3A_27 = vector.load %arg3[%get3A_25, %get3A_26] : memref<1x128xf32, #tpu.memory_space<vmem>>, vector<1x128xf32>
    %add3A_28 = vector.broadcast %get3A_27 : vector<1x128xf32> to vector<2000x128xf32>
    %add3A_29 = arith.addf %mul3A_24, %add3A_28 : vector<2000x128xf32>
    %max3A_30 = arith.constant 0.000000e+00 : f32
    %max3A_31 = vector.broadcast %max3A_30 : f32 to vector<2000x128xf32>
    %max3A_32 = arith.maximumf %add3A_29, %max3A_31 : vector<2000x128xf32>
    %swap3A = arith.constant 0 : index
    %swap3A_33 = arith.constant 0 : index
    %swap3A_34 = vector.load %arg4[%swap3A, %swap3A_33] : memref<2000x128xf32, #tpu.memory_space<vmem>>, vector<2000x128xf32>
    tpu.vector_store %arg4[%swap3A, %swap3A_33], %max3A_32 {strides = array<i32>} : memref<2000x128xf32, #tpu.memory_space<vmem>>, vector<2000x128xf32>,
    return
  }
  func.func @transform_0(%arg0: i32) -> (i32, i32, i32) {
    %c0_i32 = arith.constant 0 : i32
    %c0_i32_0 = arith.constant 0 : i32
    %c0_i32_1 = arith.constant 0 : i32
    return %c0_i32, %arg0, %c0_i32_0 : i32, i32, i32
  }
  func.func @transform_1(%arg0: i32) -> (i32, i32, i32) {
    %c0_i32 = arith.constant 0 : i32
    %c0_i32_0 = arith.constant 0 : i32
    %c0_i32_1 = arith.constant 0 : i32
    return %c0_i32, %arg0, %c0_i32_0 : i32, i32, i32
  }
  func.func @transform_2(%arg0: i32) -> (i32, i32) {
    %c0_i32 = arith.constant 0 : i32
    %c0_i32_0 = arith.constant 0 : i32
    %c0_i32_1 = arith.constant 0 : i32
    return %c0_i32, %c0_i32_0 : i32, i32
  }
  func.func @transform_3(%arg0: i32) -> (i32, i32) {
    %c0_i32 = arith.constant 0 : i32
    %c0_i32_0 = arith.constant 0 : i32
    return %arg0, %c0_i32 : i32, i32
  }
}

module attributes {stable_mosaic.version = 14 : i64} {
  func.func @_final_body(%arg0: i32, %arg1: memref<2x2000x128xf32, #tpu.memory_space<vmem>>, %arg2: memref<2x2000x16xf32, #tpu.memory_space<vmem>>, %arg3: memref<1x64xf32, #tpu.memory_space<vmem>>, %arg4: memref<128x64xf32, #tpu.memory_space<vmem>>, %arg5: memref<2000x64xf32, #tpu.memory_space<vmem>>) attributes {dimension_semantics = [#tpu.dimension_semantics<arbitrary>], iteration_bounds = array<i64: 5>, scalar_prefetch = 0 : i64, scratch_operands = 0 : i64, tpu.core_type = #tpu.core_type<tc>, window_params = [{transform_indices = @transform_0, window_bounds = array<i64: 2, 2000, 128>}, {transform_indices = @transform_1, window_bounds = array<i64: 2, 2000, 16>}, {pipeline_mode = #tpu.pipeline_mode<synchronous>, transform_indices = @transform_2, window_bounds = array<i64: 1, 64>}, {pipeline_mode = #tpu.pipeline_mode<synchronous>, transform_indices = @transform_3, window_bounds = array<i64: 128, 64>}, {transform_indices = @transform_4, window_bounds = array<i64: 2000, 64>}]} {
    %get3A = arith.constant 0 : index
    %get3A_0 = arith.constant 0 : index
    %get3A_1 = arith.constant 0 : index
    %get3A_2 = vector.load %arg1[%get3A, %get3A_0, %get3A_1] : memref<2x2000x128xf32, #tpu.memory_space<vmem>>, vector<1x2000x128xf32>
    %get3A_3 = vector.shape_cast %get3A_2 : vector<1x2000x128xf32> to vector<2000x128xf32>
    %get3A_4 = arith.constant 1 : index
    %get3A_5 = arith.constant 0 : index
    %get3A_6 = arith.constant 0 : index
    %get3A_7 = vector.load %arg1[%get3A_4, %get3A_5, %get3A_6] : memref<2x2000x128xf32, #tpu.memory_space<vmem>>, vector<1x2000x128xf32>
    %get3A_8 = vector.shape_cast %get3A_7 : vector<1x2000x128xf32> to vector<2000x128xf32>
    %add3A = arith.addf %get3A_3, %get3A_8 : vector<2000x128xf32>
    %get3A_9 = arith.constant 0 : index
    %get3A_10 = arith.constant 0 : index
    %get3A_11 = arith.constant 0 : index
    %get3A_12 = vector.load %arg2[%get3A_9, %get3A_10, %get3A_11] : memref<2x2000x16xf32, #tpu.memory_space<vmem>>, vector<1x2000x16xf32>
    %get3A_13 = vector.shape_cast %get3A_12 : vector<1x2000x16xf32> to vector<2000x16xf32>
    %get3A_14 = arith.constant 1 : index
    %get3A_15 = arith.constant 0 : index
    %get3A_16 = arith.constant 0 : index
    %get3A_17 = vector.load %arg2[%get3A_14, %get3A_15, %get3A_16] : memref<2x2000x16xf32, #tpu.memory_space<vmem>>, vector<1x2000x16xf32>
    %get3A_18 = vector.shape_cast %get3A_17 : vector<1x2000x16xf32> to vector<2000x16xf32>
    %add3A_19 = arith.addf %get3A_13, %get3A_18 : vector<2000x16xf32>
    %slice3A = vector.extract_strided_slice %add3A_19 {offsets = [0, 0], sizes = [2000, 1], strides = [1, 1]} : vector<2000x16xf32> to vector<2000x1xf32>
    %max3A = arith.constant 1.000000e+00 : f32
    %max3A_20 = vector.broadcast %max3A : f32 to vector<2000x1xf32>
    %max3A_21 = arith.maximumf %slice3A, %max3A_20 : vector<2000x1xf32>
    %div3A = arith.constant 1.000000e+00 : f32
    %div3A_22 = vector.broadcast %div3A : f32 to vector<2000x1xf32>
    %div3A_23 = arith.divf %div3A_22, %max3A_21 : vector<2000x1xf32>
    %mul3A = vector.broadcast %div3A_23 : vector<2000x1xf32> to vector<2000x128xf32>
    %mul3A_24 = arith.mulf %add3A, %mul3A : vector<2000x128xf32>
    %get3A_25 = arith.constant 0 : index
    %get3A_26 = arith.constant 0 : index
    %get3A_27 = vector.load %arg4[%get3A_25, %get3A_26] : memref<128x64xf32, #tpu.memory_space<vmem>>, vector<128x64xf32>
    %dot_general3A = arith.constant dense<0.000000e+00> : vector<2000x64xf32>
    %dot_general3A_28 = tpu.matmul %mul3A_24, %get3A_27, %dot_general3A {dimension_numbers = #tpu.dot_dimension_numbers<[1], [0], [0], [1], [0, 0, 1, 1], [], []>, transpose_lhs_hint = false} : vector<2000x128xf32>, vector<128x64xf32>, vector<2000x64xf32> -> vector<2000x64xf32>
    %get3A_29 = arith.constant 0 : index
    %get3A_30 = arith.constant 0 : index
    %get3A_31 = vector.load %arg3[%get3A_29, %get3A_30] : memref<1x64xf32, #tpu.memory_space<vmem>>, vector<1x64xf32>
    %add3A_32 = vector.broadcast %get3A_31 : vector<1x64xf32> to vector<2000x64xf32>
    %add3A_33 = arith.addf %dot_general3A_28, %add3A_32 : vector<2000x64xf32>
    %swap3A = arith.constant 0 : index
    %swap3A_34 = arith.constant 0 : index
    %swap3A_35 = vector.load %arg5[%swap3A, %swap3A_34] : memref<2000x64xf32, #tpu.memory_space<vmem>>, vector<2000x64xf32>
    tpu.vector_store %arg5[%swap3A, %swap3A_34], %add3A_33 {strides = array<i32>} : memref<2000x64xf32, #tpu.memory_space<vmem>>, vector<2000x64xf32>,
    return
  }
  func.func @transform_0(%arg0: i32) -> (i32, i32, i32) {
    %c0_i32 = arith.constant 0 : i32
    %c0_i32_0 = arith.constant 0 : i32
    %c0_i32_1 = arith.constant 0 : i32
    return %c0_i32, %arg0, %c0_i32_0 : i32, i32, i32
  }
  func.func @transform_1(%arg0: i32) -> (i32, i32, i32) {
    %c0_i32 = arith.constant 0 : i32
    %c0_i32_0 = arith.constant 0 : i32
    %c0_i32_1 = arith.constant 0 : i32
    return %c0_i32, %arg0, %c0_i32_0 : i32, i32, i32
  }
  func.func @transform_2(%arg0: i32) -> (i32, i32) {
    %c0_i32 = arith.constant 0 : i32
    %c0_i32_0 = arith.constant 0 : i32
    %c0_i32_1 = arith.constant 0 : i32
    return %c0_i32, %c0_i32_0 : i32, i32
  }
  func.func @transform_3(%arg0: i32) -> (i32, i32) {
    %c0_i32 = arith.constant 0 : i32
    %c0_i32_0 = arith.constant 0 : i32
    %c0_i32_1 = arith.constant 0 : i32
    return %c0_i32, %c0_i32_0 : i32, i32
  }
  func.func @transform_4(%arg0: i32) -> (i32, i32) {
    %c0_i32 = arith.constant 0 : i32
    %c0_i32_0 = arith.constant 0 : i32
    return %arg0, %c0_i32 : i32, i32
  }
}

</mosaic_0001>

<sc_bundles>
// kernel: kernel.12.cloned.1.call-start
scs
__scs_entry_jumppad:
0x0: {  	(pc) =	sbr.rel $0x88, $3  }
0x1: {  	(tag) =	ssettag $0x0;
	lr =	simm.s32 $0x1  }
0x2: {  	[smem:$0x3F99] =	sst lr;
	_ =	strace $0xD0000000  }
0x3: {  	_ = 	snop  }
0x4: {  	_ = 	snop  }
0x5: {  	_ = 	snop  }
0x6: {  	_ = 	snop  }
0x7: {  	_ = 	snop  }
__scs_overlays_trampoline_lowered:
0x8: {  	[smem:$0x3FA8] =	sst s0  }
0x9: {  	[smem:$0x3FA9] =	sst s1  }
0xa: {  	[smem:$0x3FAA] =	sst s2  }
0xb: {  	[smem:$0x3FAB] =	sst s3  }
0xc: {  	[smem:$0x3FAC] =	sst s4  }
0xd: {  	[smem:$0x3FAD] =	sst s5  }
0xe: {  	[smem:$0x3FAE] =	sst s6  }
0xf: {  	[smem:$0x3FAF] =	sst s7  }
0x10: {  	[smem:$0x3FB0] =	sst s8  }
0x11: {  	[smem:$0x3FB1] =	sst s9;
	s0 =	simm.s32 @!p0 $0x0  }
0x12: {  	s1 =	sld [smem:$0x3F97];
	s0 =	simm.s32 @p0 $0x1  }
0x13: {  	[smem:$0x3FB2] =	sst s0;
	s0 =	simm.s32 @!p1 $0x0  }
0x14: {  	s2 =	sld [smem:$0x3F96];
	s0 =	simm.s32 @p1 $0x1  }
0x15: {  	[smem:$0x3FB3] =	sst s0;
	s0 =	simm.s32 @!p2 $0x0  }
0x16: {  	s3 =	sld [smem:$0x3FDB];
	s0 =	simm.s32 @p2 $0x1  }
0x17: {  	s4 =	simm.s32 $0x1BF5;
	[smem:$0x3FB5] =	sst s0  }
0x18: {  	s0 =	sld [smem:$0x3F98];
	_ =	swait.ge [sflag:s4], $0x0  }
0x19: {  	s7 =	sld [smem:$0x3F99]  }
0x1a: {  	s8 =	sadd.s32 $0xFFFFE003, lr  }
0x1b: {  	s9 =	sadd.s32 $0xFFFFFEF7, lr;
	s5 =	simm.s32 $0xFFFFFFFF;
	p2 =	slt.u32 s8, $0xFFFFF086  }
0x1c: {  	p1 =	slt.u32 s9, $0xF7A;
	s5 =	simm.s32 @!p2 $0x0  }
0x1d: {  	s5 =	simm.s32 @p1 $0x1;
	p0 =	seq.s32 s7, s2  }
0x1e: {  	s7 =	smul.u32 @!p0 $0xF7A, s2;
	p2 =	seq.s32 @!p0 s5, $0x0  }
0x1f: {  	s9 =	smul.u32 $0xF7A, s1;
	s8 =	simm.s32 @!p0 $0x1BF5;
	p2 =	por !p2, p0  }
0x20: {  	[sflag:s8] =	ssyncset.s32 @!p0 $0xFFFFF086;
	s6 =	sadd.s32 @!p0 s3, s7;
	s7 =	simm.s32 @!p0 $0x108  }
0x21: {  	s3 =	sadd.s32 s3, s9;
	s6 =	sadd.s32 @!p0 $0x88, s6;
	s7 =	simm.s32 @p2 $0x1082  }
0x22: {  	[simem:s7], [sflag:s8] =	dma.local @!p0 [hbm:s6], $0xF7A  }
0x23: {  	s9 =	sor.u32 $0xD0000000, s2;
	s6 =	simm.s32 $0x108;
	_ =	swait.ge @!p0 [sflag:s8], $0x0  }
0x24: {  	s3 =	sadd.s32 $0x88, s3;
	s6 =	simm.s32 @!p1 $0x1082;
	[sflag:s4] =	ssyncset.s32 $0xFFFFF086  }
0x25: {  	[simem:s6], [sflag:s4] =	dma.local [hbm:s3], $0xF7A  }
0x26: {  	[smem:$0x3F99] =	sst s1;
	(tag) =	ssettag s2;
	_ =	strace s9  }
0x27: {  	s1 =	sld [smem:$0x3FA9]  }
0x28: {  	s2 =	sld [smem:$0x3FAA]  }
0x29: {  	s4 =	sld [smem:$0x3FAC]  }
0x2a: {  	p0 =	seq.s32 s5, $0x0;
	s5 =	sld [smem:$0x3FAD]  }
0x2b: {  	s6 =	sld [smem:$0x3FAE]  }
0x2c: {  	s7 =	sld [smem:$0x3FAF]  }
0x2d: {  	s3 =	simm.s32 $0x108;
	s8 =	sld [smem:$0x3FB0]  }
0x2e: {  	s3 =	simm.s32 @!p0 $0x1082;
	s9 =	sld [smem:$0x3FB1]  }
0x2f: {  	lr =	sadd.s32 s0, s3;
	s0 =	sld [smem:$0x3FA8]  }
0x30: {  	s3 =	sld [smem:$0x3FAB]  }
0x31: {  	[smem:$0x3FB4] =	sst s10  }
0x32: {  	s10 =	sld [smem:$0x3FB2];
	_ =	sdelay $0x3  }
0x33: {  	p0 =	seq.s32 s10, $0x1;
	s10 =	sld [smem:$0x3FB4];
	_ =	sdelay $0x3  }
0x34: {  	[smem:$0x3FB4] =	sst s10  }
0x35: {  	s10 =	sld [smem:$0x3FB3];
	_ =	sdelay $0x3  }
0x36: {  	p1 =	seq.s32 s10, $0x1;
	s10 =	sld [smem:$0x3FB4];
	_ =	sdelay $0x3  }
0x37: {  	[smem:$0x3FB4] =	sst s10  }
0x38: {  	s10 =	sld [smem:$0x3FB5]  }
0x39: {  	_ = 	snop;
	(pc) =	sbr.ind lr, $3  }
0x3a: {  	_ = 	snop  }
0x3b: {  	_ = 	snop  }
0x3c: {  	p2 =	seq.s32 s10, $0x1;
	s10 =	sld [smem:$0x3FB4]  }
0x3d: {  	_ =	shalt  }
0x3e: {  	_ =	shalt  }
0x3f: {  	_ =	shalt  }
0x40: {  	_ =	shalt  }
0x41: {  	_ =	shalt  }
0x42: {  	_ =	shalt  }
0x43: {  	_ =	shalt  }
0x44: {  	_ =	shalt  }
0x45: {  	_ =	shalt  }
0x46: {  	_ =	shalt  }
0x47: {  	_ =	shalt  }
0x48: {  	_ =	shalt  }
0x49: {  	_ =	shalt  }
0x4a: {  	_ =	shalt  }
0x4b: {  	_ =	shalt  }
0x4c: {  	_ =	shalt  }
0x4d: {  	_ =	shalt  }
0x4e: {  	_ =	shalt  }
0x4f: {  	_ =	shalt  }
0x50: {  	_ =	shalt  }
0x51: {  	_ =	shalt  }
0x52: {  	_ =	shalt  }
0x53: {  	_ =	shalt  }
0x54: {  	_ =	shalt  }
0x55: {  	_ =	shalt  }
0x56: {  	_ =	shalt  }
0x57: {  	_ =	shalt  }
0x58: {  	_ =	shalt  }
0x59: {  	_ =	shalt  }
0x5a: {  	_ =	shalt  }
0x5b: {  	_ =	shalt  }
0x5c: {  	_ =	shalt  }
0x5d: {  	_ =	shalt  }
0x5e: {  	_ =	shalt  }
0x5f: {  	_ =	shalt  }
0x60: {  	_ =	shalt  }
0x61: {  	_ =	shalt  }
0x62: {  	_ =	shalt  }
0x63: {  	_ =	shalt  }
0x64: {  	_ =	shalt  }
0x65: {  	_ =	shalt  }
0x66: {  	_ =	shalt  }
0x67: {  	_ =	shalt  }
0x68: {  	_ =	shalt  }
0x69: {  	_ =	shalt  }
0x6a: {  	_ =	shalt  }
0x6b: {  	_ =	shalt  }
0x6c: {  	_ =	shalt  }
0x6d: {  	_ =	shalt  }
0x6e: {  	_ =	shalt  }
0x6f: {  	_ =	shalt  }
0x70: {  	_ =	shalt  }
0x71: {  	_ =	shalt  }
0x72: {  	_ =	shalt  }
0x73: {  	_ =	shalt  }
0x74: {  	_ =	shalt  }
0x75: {  	_ =	shalt  }
0x76: {  	_ =	shalt  }
0x77: {  	_ =	shalt  }
0x78: {  	_ =	shalt  }
0x79: {  	_ =	shalt  }
0x7a: {  	_ =	shalt  }
0x7b: {  	_ =	shalt  }
0x7c: {  	_ =	shalt  }
0x7d: {  	_ =	shalt  }
0x7e: {  	_ =	shalt  }
0x7f: {  	_ =	shalt  }
0x80: {  	_ =	shalt  }
0x81: {  	_ =	shalt  }
0x82: {  	_ =	shalt  }
0x83: {  	_ =	shalt  }
0x84: {  	_ =	shalt  }
0x85: {  	_ =	shalt  }
0x86: {  	_ =	shalt  }
0x87: {  	_ =	shalt  }
.Lfunc_end0:
.L_simem_size_0:
called_computation.1_lowered:
.L_overlay_start_0:
0x88: {  	s2 =	sld [smem:$0x3FD9]  }
0x89: {  	s3 =	sld [smem:$0x3FFE];
	_ =	sdelay $0x1  }
0x8a: {  	s1 =	srdreg.scid  }
0x8b: {  	s0 =	sand.u32 $0x1, s1  }
0x8c: {  	s17 =	sshll.u32 s0, $0xA;
	s2 =	sadd.s32 s3, s2  }
0x8d: {  	s2 =	sadd.s32 s2, s17  }
0x8e: {  	[smem:$0x3FC0] =	sst s2  }
0x8f: {  	_ = 	snop  }
0x90: {  	s2 =	sld [smem:$0x3FD0];
	(tm) =	ssettm $0x1  }
0x91: {  	s18 =	sld [smem:$0x3FFB];
	_ =	sdelay $0x3  }
0x92: {  	_ =	strace s18  }
0x93: {  	s3 =	sld [smem:$0x3FFC];
	_ =	sdelay $0x3  }
0x94: {  	_ =	strace s3  }
0x95: {  	s3 =	sld [smem:$0x3FFD];
	_ =	sdelay $0x3  }
0x96: {  	_ =	strace s3  }
0x97: {  	_ =	strace $0x8FFFFFFF  }
0x98: {  	s19 =	sld [smem:$0x3FDB];
	_ =	sdelay $0x1  }
0x99: {  	s4 =	simm.s32 $_scs_section_size  }
0x9a: {  	s5 =	simm.s32 $_size__tile_overlayer_lowered;
	s6 =	simm.s32 $_tile_overlayer_lowered  }
0x9b: {  	s22 =	simm.s32 $0x1BFF;
	s21 =	sshll.u32 s6, $0x1;
	s3 =	sadd.s32 s4, s19  }
0x9c: {  	s7 =	simm.s32 $0x0;
	s20 =	sshll.u32 s5, $0x1;
	s5 =	sadd.s32 s21, s3  }
0x9d: {  	[timem:s7], [sflag:s22] =	dma.local [hbm:s5], s20  }
0x9e: {  	_ =	swait.ge [sflag:s22], s20  }
0x9f: {  	s4 =	ssub.s32 $0x0, s20;
	[sflag:s22] =	ssyncset.done $0x0  }
0xa0: {  	[sflag:s22] =	ssyncadd.s32 s4;
	_ =	sdelay $0x1  }
0xa1: {  	s23 =	simm.s32 $0x1B8B  }
0xa2: {  	_ =	swait.ge [sflag:s23], $0x1  }
0xa3: {  	[sflag:s23] =	ssyncset.done $0x0  }
0xa4: {  	s25 =	simm.s32 $0x1B8E;
	s24 =	sld [smem:$0x3FFE];
	[sflag:s23] =	ssyncadd.s32 $0xFFFFFFFF  }
0xa5: {  	s26 =	simm.s32 $execute0_lowered;
	[smem:$0x3FD2] =	sst s25  }
0xa6: {  	s5 =	sshll.u32 s26, $0x1;
	_ =	strace $0x80000049;
	[dreg:$0x1] =	wrdreg $0xFFFFFFFF  }
0xa7: {  	s28 =	simm.s32 $_size_execute0_lowered;
	s3 =	sadd.s32 s3, s5;
	[dreg:$0x0] =	wrdreg $0x0  }
0xa8: {  	s5 =	sshll.u32 s28, $0x1;
	[dreg:$0x2] =	wrdreg s3  }
0xa9: {  	[dreg:$0x3] =	wrdreg s5  }
0xaa: {  	[dreg:$0x4] =	wrdreg $0xC0  }
0xab: {  	_ =	task [dreg:s7], $0x5FFFF  }
0xac: {  	[dreg:$0x1] =	wrdreg $0xFFFFFFFF  }
0xad: {  	[dreg:$0x0] =	wrdreg $0x60  }
0xae: {  	[dreg:$0x2] =	wrdreg s24  }
0xaf: {  	[dreg:$0x3] =	wrdreg s2  }
0xb0: {  	[dreg:$0x4] =	wrdreg $0x82000  }
0xb1: {  	[dreg:$0x5] =	wrdreg $0x9  }
0xb2: {  	_ =	task.clear_ibuf [dreg:s7], $0x6FFFF;
	_ =	strace $0x90000049  }
0xb3: {  	s29 =	simm.s32 $0x9;
	_ =	strace $0x8000004B  }
0xb4: {  	_ =	swait.ge [sflag:s29], $0x1  }
0xb5: {  	[sflag:s29] =	ssyncadd.s32 $0xFFFFFFFF  }
0xb6: {  	_ =	strace $0x9000004B  }
0xb7: {  	_ =	sfence  }
0xb8: {  	s30 =	sld [smem:$0x0];
	_ =	sdelay $0x2  }
0xb9: {  	s31 =	sshll.u32 s1, $0xD;
	s1 =	sshrl.u32 s1, $0x2  }
0xba: {  	s3 =	sand.u32 $0x4000, s31;
	s1 =	sadd.s32 s1, s30  }
0xbb: {  	s0 =	sor.u32 s3, s0;
	s1 =	sshll.u32 s1, $0x11  }
0xbc: {  	s0 =	sor.u32 s1, s0  }
0xbd: {  	s0 =	sadd.s32 $0x8F2B, s0  }
0xbe: {  	[sflag:s0] =	ssyncadd.remote.s32 $0x1  }
0xbf: {  	_ =	sfence.sel $0xFFFF  }
0xc0: {  	[dreg:$0x0] =	wrdreg $0xFFFFFFFF;
	(pc) =	sbr.abs _section_cstart, $3  }
0xc1: {  	[dreg:$0x1] =	wrdreg $0xFFFFFFFF  }
0xc2: {  	_ =	task.clear_ibuf [dreg:s7], $0x2FFFF;
	_ =	strace $0x9FFFFFFF  }
0xc3: {  	(tm) =	ssettm $0x7FFFFFFF  }
tec
execute0_lowered:
.L_overlay_start_1:
0x0: {  	(tag) =	ssettag $0x1  }
0x1: {  	s0 =	rddreg [dreg:$0x0]  }
0x2: {  	s1 =	rddreg [dreg:$0x1];
	s3 =	srdreg.scid  }
0x3: {  	s16 =	stileid.u32;
	s2 =	rddreg [dreg:$0x2];
	s28 =	simm.s32 $0x4200  }
0x4: {  	s29 =	simm.s32 $0x3;
	s30 =	simm.s32 $0x5;
	s31 =	simm.s32 $0x4  }
0x5: {  	s6 =	sand.u32 $0x1, s3;
	s5 =	smul.u32 $0x13800, s16;
	s3 =	simm.s32 $0x0  }
0x6: {  	s4 =	sadd.s32 $0xC000, s0;
	s19 =	sadd.s32 $0x2200, s0;
	s8 =	smul.u32 $0x4E000, s16  }
0x7: {  	s14 =	sshll.u32 s16, $0x4;
	s7 =	smul.u32 $0x138800, s6;
	[smem:$0x7FF] =	sst s3  }
0x8: {  	s17 =	ssub.s32 $0x2, s6;
	s9 =	sshll.u32 s6, $0x4;
	s15 =	sor.u32 $0x9C00, s14  }
0x9: {  	s6 =	smul.u32 $0x4E00, s6;
	_ =	strace $0x8000004A;
	s10 =	sshrl.u32 s17, $0x1  }
0xa: {  	s25 =	sor.u32 s16, s9;
	s8 =	sshrl.u32 s8, $0x2;
	s14 =	sadd.s32 s19, s15  }
0xb: {  	s15 =	sadd.s32 s1, s15;
	s7 =	sadd.s32 s5, s7;
	s18 =	sadd.s32 s8, s2  }
0xc: {  	s12 =	smul.u32 $0x4E0, s25;
	s5 =	sadd.s32 s5, s2;
	s24 =	sadd.s32 s6, s1  }
0xd: {  	s26 =	sadd.s32 s6, s19;
	p0 =	sgt.u32 s25, $0x3;
	s8 =	sadd.s32 $0x4000, s18  }
0xe: {  	s25 =	simm.s32 $0x180;
	s20 =	sadd.s32 $0x8000, s18;
	[dreg:$0x4] =	wrdreg s8  }
0xf: {  	s7 =	sshrl.u32 s7, $0x3;
	s21 =	sadd.s32 $0xC000, s18;
	[dreg:$0x5] =	wrdreg s20  }
0x10: {  	s22 =	sadd.s32 $0x10000, s18;
	s0 =	sadd.s32 s7, s0;
	[dreg:$0x6] =	wrdreg s21  }
0x11: {  	s7 =	ssub.s32 s17, s10;
	[dreg:$0x7] =	wrdreg s22;
	s23 =	sadd.s32 s19, s12  }
0x12: {  	s11 =	sadd.s32 s1, s12;
	s13 =	sor.u32 $0x10, s12;
	s20 =	smul.u32 $0x4E0, s16  }
0x13: {  	s21 =	simm.s32 $0x7;
	s22 =	simm.s32 $0x100;
	[dreg:$0x8] =	wrdreg s23  }
0x14: {  	s12 =	sadd.s32 s19, s13;
	s13 =	sadd.s32 s1, s13;
	s16 =	sadd.s32 $0x33200, s0  }
0x15: {  	s17 =	smax.u32 s7, $0x1;
	s23 =	simm.s32 $0x1;
	s1 =	simm.s32 $0x6  }
0x16: {  	s0 =	simm.s32 $0x0;
	s18 =	sadd.s32 s20, s24;
	s19 =	sadd.s32 s20, s26  }
0x17: {  	v0 =	vimm.f32 $0.0e+00;
	s20 =	simm.s32 $0x200;
	s24 =	simm.s32 $0x80;
	s26 =	simm.s32 $0x2  }
.LBB2_1:
0x18: {  	s6 =	simm.s32 $0x0;
	s7 =	simm.s32 $0x200  }
.LBB2_2:
0x19: {  	p1 =	sne.s32 s7, $0xFE00;
	[tilespmem:s6+$0x270] =	vst v0  }
0x1a: {  	[tilespmem:s6+$0x200] =	vst v0  }
0x1b: {  	[tilespmem:s6+$0x210] =	vst v0  }
.Ltmp0:
0x1c: {  	[tilespmem:s6+$0x220] =	vst v0;
	(pc) =	sbr.rel @p1 .LBB2_2-.Ltmp0, $4  }
0x1d: {  	[tilespmem:s6+$0x230] =	vst v0  }
0x1e: {  	[tilespmem:s6+$0x240] =	vst v0  }
0x1f: {  	[tilespmem:s6+$0x250] =	vst v0  }
0x20: {  	[tilespmem:s6+$0x260] =	vst v0;
	s6 =	sshra.s32 s7, $0x2;
	s7 =	sadd.s32 $0x200, s7  }
0x21: {  	[tilespmem:s6+$0x270] =	vst v0  }
0x22: {  	[tilespmem:s6+$0x200] =	vst v0  }
0x23: {  	[tilespmem:s6+$0x210] =	vst v0  }
0x24: {  	[tilespmem:s6+$0x220] =	vst v0  }
0x25: {  	[tilespmem:s6+$0x230] =	vst v0  }
0x26: {  	[tilespmem:s6+$0x240] =	vst v0  }
0x27: {  	[tilespmem:s6+$0x250] =	vst v0  }
0x28: {  	[tilespmem:s6+$0x260] =	vst v0  }
0x29: {  	[spmem:s5] =	stream.linear.scatter [tilespmem:s20], [sflag:$0x7], $0x4000, $0x38;
	[tilespmem:$0x1BA80] =	vst v63  }
0x2a: {  	_ =	swait.ge [sflag:s21], $0x4000  }
0x2b: {  	[sflag:s21] =	ssyncset.done $0x0  }
0x2c: {  	s9 =	rddreg [dreg:$0x4];
	[sflag:s21] =	ssyncadd.s32 $0xFFFFC000  }
0x2d: {  	[spmem:s9] =	stream.linear.scatter [tilespmem:s20], [sflag:$0x7], $0x4000, $0x38;
	[tilespmem:$0x1BA80] =	vst v63  }
0x2e: {  	_ =	swait.ge [sflag:s21], $0x4000  }
0x2f: {  	[sflag:s21] =	ssyncset.done $0x0  }
0x30: {  	s10 =	rddreg [dreg:$0x5];
	[sflag:s21] =	ssyncadd.s32 $0xFFFFC000  }
0x31: {  	[spmem:s10] =	stream.linear.scatter [tilespmem:s20], [sflag:$0x7], $0x4000, $0x38;
	[tilespmem:$0x1BA80] =	vst v63  }
0x32: {  	_ =	swait.ge [sflag:s21], $0x4000  }
0x33: {  	[sflag:s21] =	ssyncset.done $0x0  }
0x34: {  	s7 =	rddreg [dreg:$0x6];
	[sflag:s21] =	ssyncadd.s32 $0xFFFFC000  }
0x35: {  	[spmem:s7] =	stream.linear.scatter [tilespmem:s20], [sflag:$0x7], $0x4000, $0x38;
	[tilespmem:$0x1BA80] =	vst v63  }
0x36: {  	_ =	swait.ge [sflag:s21], $0x4000  }
0x37: {  	[sflag:s21] =	ssyncset.done $0x0  }
0x38: {  	s8 =	rddreg [dreg:$0x7];
	[sflag:s21] =	ssyncadd.s32 $0xFFFFC000  }
0x39: {  	[spmem:s8] =	stream.linear.scatter [tilespmem:s20], [sflag:$0x7], $0x4000, $0x38;
	[tilespmem:$0x1BA80] =	vst v63  }
0x3a: {  	_ =	swait.ge [sflag:s21], $0x4000  }
0x3b: {  	[sflag:s21] =	ssyncset.done $0x0  }
0x3c: {  	[sflag:s21] =	ssyncadd.s32 $0xFFFFC000  }
0x3d: {  	[bflag:$0x0] =	sbarrier.arrive $0xFFFF  }
0x3e: {  	s9 =	simm.s32 $0x0;
	s7 =	rddreg [dreg:$0x8]  }
0x3f: {  	[tilespmem:s9], [sflag:$0x1] =	stream.linear.gather [hbm4b:s7+s9], $0x80, $0x38;
	[tilespmem:$0x1BA80] =	vst v63  }
0x40: {  	_ = 	snop  }
0x41: {  	[tilespmem:s22], [sflag:$0x1] =	stream.linear.gather [hbm4b:s11+s9], $0x80, $0x38;
	[tilespmem:$0x1BA80] =	vst v63  }
0x42: {  	_ =	swait.ge [sflag:s23], $0x80  }
0x43: {  	[sflag:s23] =	ssyncset.done $0x0  }
0x44: {  	[sflag:s23] =	ssyncadd.s32 $0xFFFFFF80  }
0x45: {  	_ =	swait.ge [sflag:s23], $0x80  }
0x46: {  	[sflag:s23] =	ssyncset.done $0x0  }
0x47: {  	[sflag:s23] =	ssyncadd.s32 $0xFFFFFF80  }
0x48: {  	[tilespmem:s20], [sflag:$0x3] =	stream.indirect.gather [hbm4b:s4+s24], $0x80, s9, s24, $0xb8;
	[tilespmem:$0x1BA80] =	vst v63  }
0x49: {  	_ = 	snop  }
0x4a: {  	[tilespmem:s24], [sflag:$0x2] =	stream.linear.gather [hbm4b:s12+s9], $0x80, $0x38;
	[tilespmem:$0x1BA80] =	vst v63  }
0x4b: {  	_ = 	snop  }
0x4c: {  	[tilespmem:s25], [sflag:$0x2] =	stream.linear.gather [hbm4b:s13+s9], $0x80, $0x38;
	[tilespmem:$0x1BA80] =	vst v63  }
0x4d: {  	_ =	swait.ge [sflag:s26], $0x80  }
0x4e: {  	[sflag:s26] =	ssyncset.done $0x0  }
0x4f: {  	[sflag:s26] =	ssyncadd.s32 $0xFFFFFF80  }
0x50: {  	_ =	swait.ge [sflag:s26], $0x80  }
0x51: {  	[sflag:s26] =	ssyncset.done $0x0  }
0x52: {  	[sflag:s26] =	ssyncadd.s32 $0xFFFFFF80  }
0x53: {  	[tilespmem:s28], [sflag:$0x4] =	stream.indirect.gather [hbm4b:s4+s24], $0x80, s24, s24, $0xb8;
	[tilespmem:$0x1BA80] =	vst v63  }
0x54: {  	_ =	swait.ge [sflag:s29], $0x4000  }
0x55: {  	[sflag:s29] =	ssyncset.done $0x0  }
0x56: {  	[sflag:s29] =	ssyncadd.s32 $0xFFFFC000  }
0x57: {  	[spmem:s2] =	stream.indirect.scatter.add.f32 [tilespmem:s20], [sflag:$0x5], $0x80, s22, s24, $0xb8;
	[tilespmem:$0x1BA80] =	vst v63  }
0x58: {  	_ =	swait.ge [sflag:s30], $0x4000  }
0x59: {  	s6 =	sadd.s32 $0x0, s19;
	[sflag:s30] =	ssyncset.done $0x0  }
0x5a: {  	s10 =	sadd.s32 $0x20, s6;
	s8 =	sadd.s32 $0x0, s18;
	[sflag:s30] =	ssyncadd.s32 $0xFFFFC000  }
0x5b: {  	[tilespmem:s3], [sflag:$0x1] =	stream.linear.gather [hbm4b:s10+s3], $0x80, $0x38;
	[tilespmem:$0x1BA80] =	vst v63  }
0x5c: {  	s9 =	sadd.s32 $0x20, s8  }
0x5d: {  	[tilespmem:s22], [sflag:$0x1] =	stream.linear.gather [hbm4b:s9+s3], $0x80, $0x38;
	[tilespmem:$0x1BA80] =	vst v63  }
0x5e: {  	_ =	swait.ge [sflag:s23], $0x80  }
0x5f: {  	[sflag:s23] =	ssyncset.done $0x0  }
0x60: {  	[sflag:s23] =	ssyncadd.s32 $0xFFFFFF80  }
0x61: {  	_ =	swait.ge [sflag:s23], $0x80  }
0x62: {  	[sflag:s23] =	ssyncset.done $0x0  }
0x63: {  	[sflag:s23] =	ssyncadd.s32 $0xFFFFFF80  }
0x64: {  	[tilespmem:s20], [sflag:$0x3] =	stream.indirect.gather [hbm4b:s4+s24], $0x80, s3, s24, $0xb8;
	[tilespmem:$0x1BA80] =	vst v63  }
0x65: {  	_ =	swait.ge [sflag:s31], $0x4000  }
0x66: {  	[sflag:s31] =	ssyncset.done $0x0  }
0x67: {  	[sflag:s31] =	ssyncadd.s32 $0xFFFFC000  }
0x68: {  	[spmem:s2] =	stream.indirect.scatter.add.f32 [tilespmem:s28], [sflag:$0x6], $0x80, s25, s24, $0xb8;
	[tilespmem:$0x1BA80] =	vst v63  }
0x69: {  	_ =	swait.ge [sflag:s1], $0x4000  }
0x6a: {  	[sflag:s1] =	ssyncset.done $0x0  }
0x6b: {  	s6 =	sadd.s32 $0x30, s6;
	[sflag:s1] =	ssyncadd.s32 $0xFFFFC000  }
0x6c: {  	[tilespmem:s24], [sflag:$0x2] =	stream.linear.gather [hbm4b:s6+s3], $0x80, $0x38;
	[tilespmem:$0x1BA80] =	vst v63  }
0x6d: {  	s10 =	sadd.s32 $0x30, s8  }
0x6e: {  	[tilespmem:s25], [sflag:$0x2] =	stream.linear.gather [hbm4b:s10+s3], $0x80, $0x38;
	[tilespmem:$0x1BA80] =	vst v63  }
0x6f: {  	_ =	swait.ge [sflag:s26], $0x80  }
0x70: {  	[sflag:s26] =	ssyncset.done $0x0  }
0x71: {  	[sflag:s26] =	ssyncadd.s32 $0xFFFFFF80  }
0x72: {  	_ =	swait.ge [sflag:s26], $0x80  }
0x73: {  	[sflag:s26] =	ssyncset.done $0x0  }
0x74: {  	[sflag:s26] =	ssyncadd.s32 $0xFFFFFF80  }
0x75: {  	[tilespmem:s28], [sflag:$0x4] =	stream.indirect.gather [hbm4b:s4+s24], $0x80, s24, s24, $0xb8;
	[tilespmem:$0x1BA80] =	vst v63  }
0x76: {  	_ =	swait.ge [sflag:s29], $0x4000  }
0x77: {  	[sflag:s29] =	ssyncset.done $0x0  }
0x78: {  	s6 =	simm.s32 $0x20;
	[sflag:s29] =	ssyncadd.s32 $0xFFFFC000  }
.LBB2_4:
0x79: {  	[spmem:s2] =	stream.indirect.scatter.add.f32 [tilespmem:s20], [sflag:$0x5], $0x80, s22, s24, $0xb8;
	[tilespmem:$0x1BA80] =	vst v63  }
0x7a: {  	s7 =	smov.u32 s6  }
0x7b: {  	p1 =	sne.s32 s6, $0x4A0;
	s6 =	sadd.s32 $0x20, s6;
	_ =	swait.ge [sflag:s30], $0x4000  }
0x7c: {  	s8 =	sadd.s32 s7, s19;
	[sflag:s30] =	ssyncset.done $0x0  }
0x7d: {  	s7 =	sadd.s32 s7, s18;
	s9 =	sadd.s32 $0x20, s8;
	[sflag:s30] =	ssyncadd.s32 $0xFFFFC000  }
0x7e: {  	[tilespmem:s3], [sflag:$0x1] =	stream.linear.gather [hbm4b:s9+s3], $0x80, $0x38;
	[tilespmem:$0x1BA80] =	vst v63  }
0x7f: {  	s9 =	sadd.s32 $0x20, s7  }
0x80: {  	[tilespmem:s22], [sflag:$0x1] =	stream.linear.gather [hbm4b:s9+s3], $0x80, $0x38;
	[tilespmem:$0x1BA80] =	vst v63  }
0x81: {  	_ =	swait.ge [sflag:s23], $0x80  }
0x82: {  	[sflag:s23] =	ssyncset.done $0x0  }
0x83: {  	[sflag:s23] =	ssyncadd.s32 $0xFFFFFF80  }
0x84: {  	_ =	swait.ge [sflag:s23], $0x80  }
0x85: {  	[sflag:s23] =	ssyncset.done $0x0  }
0x86: {  	[sflag:s23] =	ssyncadd.s32 $0xFFFFFF80  }
0x87: {  	[tilespmem:s20], [sflag:$0x3] =	stream.indirect.gather [hbm4b:s4+s24], $0x80, s3, s24, $0xb8;
	[tilespmem:$0x1BA80] =	vst v63  }
0x88: {  	_ =	swait.ge [sflag:s31], $0x4000  }
0x89: {  	[sflag:s31] =	ssyncset.done $0x0  }
0x8a: {  	[sflag:s31] =	ssyncadd.s32 $0xFFFFC000  }
0x8b: {  	[spmem:s2] =	stream.indirect.scatter.add.f32 [tilespmem:s28], [sflag:$0x6], $0x80, s25, s24, $0xb8;
	[tilespmem:$0x1BA80] =	vst v63  }
0x8c: {  	_ =	swait.ge [sflag:s1], $0x4000  }
0x8d: {  	[sflag:s1] =	ssyncset.done $0x0  }
0x8e: {  	s8 =	sadd.s32 $0x30, s8;
	[sflag:s1] =	ssyncadd.s32 $0xFFFFC000  }
0x8f: {  	[tilespmem:s24], [sflag:$0x2] =	stream.linear.gather [hbm4b:s8+s3], $0x80, $0x38;
	[tilespmem:$0x1BA80] =	vst v63  }
0x90: {  	s7 =	sadd.s32 $0x30, s7  }
0x91: {  	[tilespmem:s25], [sflag:$0x2] =	stream.linear.gather [hbm4b:s7+s3], $0x80, $0x38;
	[tilespmem:$0x1BA80] =	vst v63  }
0x92: {  	_ =	swait.ge [sflag:s26], $0x80  }
0x93: {  	[sflag:s26] =	ssyncset.done $0x0  }
0x94: {  	[sflag:s26] =	ssyncadd.s32 $0xFFFFFF80  }
0x95: {  	_ =	swait.ge [sflag:s26], $0x80  }
0x96: {  	[sflag:s26] =	ssyncset.done $0x0  }
.Ltmp1:
0x97: {  	[sflag:s26] =	ssyncadd.s32 $0xFFFFFF80;
	(pc) =	sbr.rel @p1 .LBB2_4-.Ltmp1, $4  }
0x98: {  	[tilespmem:s28], [sflag:$0x4] =	stream.indirect.gather [hbm4b:s4+s24], $0x80, s24, s24, $0xb8;
	[tilespmem:$0x1BA80] =	vst v63  }
0x99: {  	_ =	swait.ge [sflag:s29], $0x4000  }
0x9a: {  	[sflag:s29] =	ssyncset.done $0x0  }
0x9b: {  	[sflag:s29] =	ssyncadd.s32 $0xFFFFC000  }
0x9c: {  	[spmem:s2] =	stream.indirect.scatter.add.f32 [tilespmem:s20], [sflag:$0x5], $0x80, s22, s24, $0xb8;
	[tilespmem:$0x1BA80] =	vst v63  }
0x9d: {  	_ =	swait.ge [sflag:s30], $0x4000  }
0x9e: {  	[sflag:s30] =	ssyncset.done $0x0  }
0x9f: {  	[sflag:s30] =	ssyncadd.s32 $0xFFFFC000  }
0xa0: {  	_ =	swait.ge [sflag:s31], $0x4000  }
0xa1: {  	[sflag:s31] =	ssyncset.done $0x0  }
0xa2: {  	[sflag:s31] =	ssyncadd.s32 $0xFFFFC000  }
0xa3: {  	[spmem:s2] =	stream.indirect.scatter.add.f32 [tilespmem:s28], [sflag:$0x6], $0x80, s25, s24, $0xb8;
	[tilespmem:$0x1BA80] =	vst v63  }
0xa4: {  	_ =	swait.ge [sflag:s1], $0x4000  }
0xa5: {  	[sflag:s1] =	ssyncset.done $0x0  }
0xa6: {  	s6 =	simm.s32 @!p0 $0x0;
	s7 =	simm.s32 @!p0 $0x7;
	[sflag:s1] =	ssyncadd.s32 $0xFFFFC000  }
0xa7: {  	[tilespmem:s6], [sflag:$0x7] =	stream.linear.gather @!p0 [hbm4b:s14+s6], $0x80, $0x38;
	[tilespmem:$0x1BA80] =	vst v63  }
0xa8: {  	_ =	swait.ge @!p0 [sflag:s7], $0x80  }
0xa9: {  	[sflag:s7] =	ssyncset.done @!p0 $0x0  }
0xaa: {  	s8 =	simm.s32 @!p0 $0x100;
	[sflag:s7] =	ssyncadd.s32 @!p0 $0xFFFFFF80  }
0xab: {  	[tilespmem:s8], [sflag:$0x7] =	stream.linear.gather @!p0 [hbm4b:s15+s6], $0x80, $0x38;
	[tilespmem:$0x1BA80] =	vst v63  }
0xac: {  	_ =	swait.ge @!p0 [sflag:s7], $0x80  }
0xad: {  	[sflag:s7] =	ssyncset.done @!p0 $0x0  }
0xae: {  	s9 =	simm.s32 @!p0 $0x80;
	s10 =	simm.s32 @!p0 $0x200;
	[sflag:s7] =	ssyncadd.s32 @!p0 $0xFFFFFF80  }
0xaf: {  	[tilespmem:s10], [sflag:$0x3] =	stream.indirect.gather @!p0 [hbm4b:s4+s9], $0x80, s6, s9, $0xb8;
	[tilespmem:$0x1BA80] =	vst v63  }
0xb0: {  	s6 =	simm.s32 @!p0 $0x3  }
0xb1: {  	_ =	swait.ge @!p0 [sflag:s6], $0x4000  }
0xb2: {  	[sflag:s6] =	ssyncset.done @!p0 $0x0  }
0xb3: {  	[sflag:s6] =	ssyncadd.s32 @!p0 $0xFFFFC000  }
0xb4: {  	[spmem:s2] =	stream.indirect.scatter.add.f32 @!p0 [tilespmem:s10], [sflag:$0x7], $0x80, s8, s9, $0xb8;
	[tilespmem:$0x1BA80] =	vst v63  }
0xb5: {  	s0 =	sadd.s32 $0x1, s0;
	_ =	swait.ge @!p0 [sflag:s7], $0x4000  }
0xb6: {  	p1 =	sne.s32 s0, s17;
	s9 =	stileid.u32;
	[sflag:s7] =	ssyncset.done @!p0 $0x0  }
0xb7: {  	s10 =	sshrl.u32 s5, $0x3;
	s6 =	sshll.u32 s9, $0x6;
	[sflag:s7] =	ssyncadd.s32 @!p0 $0xFFFFC000  }
.Ltmp2:
0xb8: {  	s6 =	sor.u32 $0x1C07, s6;
	[bflag:$0x0] =	sbarrier.arrive $0xFFFF;
	(pc) =	sbr.rel @p1 .LBB2_1-.Ltmp2, $4  }
0xb9: {  	[hbm:s16], [sflag:s6] =	dma.local [spmem:s10], $0x2800  }
0xba: {  	_ =	swait.ge [sflag:s21], $0x2800  }
0xbb: {  	[sflag:s21] =	ssyncset.done $0x0  }
0xbc: {  	[sflag:s21] =	ssyncadd.s32 $0xFFFFD800  }
0xbd: {  	_ =	sfence.sel $0x180000  }
0xbe: {  	[bflag:$0x0] =	sbarrier.arrive $0xFFFF  }
0xbf: {  	_ =	strace $0x9000004A  }
0xc0: {  	s0 =	stileid.u32;
	[bflag:$0x2] =	sbarrier.arrive $0xFFFF  }
0xc1: {  	p0 =	sne.s32 s0, $0x0;
	s0 =	rddreg [dreg:$0x3]  }
0xc2: {  	s0 =	sadd.s32 @!p0 $0x100000, s0  }
0xc3: {  	[sflag:s0] =	ssyncadd.tile.s32 @!p0 $0x1;
	_ =	shalt  }
.Lfunc_end2:
_tile_overlayer_lowered:
.L_overlay_start_2:
0xc4: {  	(tag) =	ssettag $0x2  }
0xc5: {  	s0 =	rddreg [dreg:$0x0];
	s2 =	stileid.u32  }
0xc6: {  	s1 =	rddreg [dreg:$0x1];
	p0 =	sne.s32 s2, $0x0  }
0xc7: {  	s3 =	rddreg [dreg:$0x2];
	[bflag:$0x3] =	sbarrier.arrive $0xFFFF;
	s2 =	simm.s32 @!p0 $0x1C07  }
0xc8: {  	[timem:s3], [sflag:s2] =	dma.local @!p0 [hbm:s0], s1  }
0xc9: {  	s0 =	simm.s32 @!p0 $0x7  }
0xca: {  	_ =	swait.ge @!p0 [sflag:s0], s1  }
0xcb: {  	s1 =	ssub.s32 @!p0 $0x0, s1;
	[sflag:s0] =	ssyncset.done @!p0 $0x0  }
0xcc: {  	[sflag:s0] =	ssyncadd.s32 @!p0 s1  }
0xcd: {  	[bflag:$0x3] =	sbarrier.arrive $0xFFFF  }
0xce: {  	_ =	shalt  }

// kernel: kernel.15.cloned.1.call-start
scs
__scs_entry_jumppad:
0x0: {  	(pc) =	sbr.rel $0x88, $3  }
0x1: {  	(tag) =	ssettag $0x0;
	lr =	simm.s32 $0x1  }
0x2: {  	[smem:$0x3F99] =	sst lr;
	_ =	strace $0xD0000000  }
0x3: {  	_ = 	snop  }
0x4: {  	_ = 	snop  }
0x5: {  	_ = 	snop  }
0x6: {  	_ = 	snop  }
0x7: {  	_ = 	snop  }
__scs_overlays_trampoline_lowered:
0x8: {  	[smem:$0x3FA8] =	sst s0  }
0x9: {  	[smem:$0x3FA9] =	sst s1  }
0xa: {  	[smem:$0x3FAA] =	sst s2  }
0xb: {  	[smem:$0x3FAB] =	sst s3  }
0xc: {  	[smem:$0x3FAC] =	sst s4  }
0xd: {  	[smem:$0x3FAD] =	sst s5  }
0xe: {  	[smem:$0x3FAE] =	sst s6  }
0xf: {  	[smem:$0x3FAF] =	sst s7  }
0x10: {  	[smem:$0x3FB0] =	sst s8  }
0x11: {  	[smem:$0x3FB1] =	sst s9;
	s0 =	simm.s32 @!p0 $0x0  }
0x12: {  	s1 =	sld [smem:$0x3F97];
	s0 =	simm.s32 @p0 $0x1  }
0x13: {  	[smem:$0x3FB2] =	sst s0;
	s0 =	simm.s32 @!p1 $0x0  }
0x14: {  	s2 =	sld [smem:$0x3F96];
	s0 =	simm.s32 @p1 $0x1  }
0x15: {  	[smem:$0x3FB3] =	sst s0;
	s0 =	simm.s32 @!p2 $0x0  }
0x16: {  	s3 =	sld [smem:$0x3FDB];
	s0 =	simm.s32 @p2 $0x1  }
0x17: {  	s4 =	simm.s32 $0x1BF5;
	[smem:$0x3FB5] =	sst s0  }
0x18: {  	s0 =	sld [smem:$0x3F98];
	_ =	swait.ge [sflag:s4], $0x0  }
0x19: {  	s7 =	sld [smem:$0x3F99]  }
0x1a: {  	s8 =	sadd.s32 $0xFFFFE003, lr  }
0x1b: {  	s9 =	sadd.s32 $0xFFFFFEF7, lr;
	s5 =	simm.s32 $0xFFFFFFFF;
	p2 =	slt.u32 s8, $0xFFFFF086  }
0x1c: {  	p1 =	slt.u32 s9, $0xF7A;
	s5 =	simm.s32 @!p2 $0x0  }
0x1d: {  	s5 =	simm.s32 @p1 $0x1;
	p0 =	seq.s32 s7, s2  }
0x1e: {  	s7 =	smul.u32 @!p0 $0xF7A, s2;
	p2 =	seq.s32 @!p0 s5, $0x0  }
0x1f: {  	s9 =	smul.u32 $0xF7A, s1;
	s8 =	simm.s32 @!p0 $0x1BF5;
	p2 =	por !p2, p0  }
0x20: {  	[sflag:s8] =	ssyncset.s32 @!p0 $0xFFFFF086;
	s6 =	sadd.s32 @!p0 s3, s7;
	s7 =	simm.s32 @!p0 $0x108  }
0x21: {  	s3 =	sadd.s32 s3, s9;
	s6 =	sadd.s32 @!p0 $0x88, s6;
	s7 =	simm.s32 @p2 $0x1082  }
0x22: {  	[simem:s7], [sflag:s8] =	dma.local @!p0 [hbm:s6], $0xF7A  }
0x23: {  	s9 =	sor.u32 $0xD0000000, s2;
	s6 =	simm.s32 $0x108;
	_ =	swait.ge @!p0 [sflag:s8], $0x0  }
0x24: {  	s3 =	sadd.s32 $0x88, s3;
	s6 =	simm.s32 @!p1 $0x1082;
	[sflag:s4] =	ssyncset.s32 $0xFFFFF086  }
0x25: {  	[simem:s6], [sflag:s4] =	dma.local [hbm:s3], $0xF7A  }
0x26: {  	[smem:$0x3F99] =	sst s1;
	(tag) =	ssettag s2;
	_ =	strace s9  }
0x27: {  	s1 =	sld [smem:$0x3FA9]  }
0x28: {  	s2 =	sld [smem:$0x3FAA]  }
0x29: {  	s4 =	sld [smem:$0x3FAC]  }
0x2a: {  	p0 =	seq.s32 s5, $0x0;
	s5 =	sld [smem:$0x3FAD]  }
0x2b: {  	s6 =	sld [smem:$0x3FAE]  }
0x2c: {  	s7 =	sld [smem:$0x3FAF]  }
0x2d: {  	s3 =	simm.s32 $0x108;
	s8 =	sld [smem:$0x3FB0]  }
0x2e: {  	s3 =	simm.s32 @!p0 $0x1082;
	s9 =	sld [smem:$0x3FB1]  }
0x2f: {  	lr =	sadd.s32 s0, s3;
	s0 =	sld [smem:$0x3FA8]  }
0x30: {  	s3 =	sld [smem:$0x3FAB]  }
0x31: {  	[smem:$0x3FB4] =	sst s10  }
0x32: {  	s10 =	sld [smem:$0x3FB2];
	_ =	sdelay $0x3  }
0x33: {  	p0 =	seq.s32 s10, $0x1;
	s10 =	sld [smem:$0x3FB4];
	_ =	sdelay $0x3  }
0x34: {  	[smem:$0x3FB4] =	sst s10  }
0x35: {  	s10 =	sld [smem:$0x3FB3];
	_ =	sdelay $0x3  }
0x36: {  	p1 =	seq.s32 s10, $0x1;
	s10 =	sld [smem:$0x3FB4];
	_ =	sdelay $0x3  }
0x37: {  	[smem:$0x3FB4] =	sst s10  }
0x38: {  	s10 =	sld [smem:$0x3FB5]  }
0x39: {  	_ = 	snop;
	(pc) =	sbr.ind lr, $3  }
0x3a: {  	_ = 	snop  }
0x3b: {  	_ = 	snop  }
0x3c: {  	p2 =	seq.s32 s10, $0x1;
	s10 =	sld [smem:$0x3FB4]  }
0x3d: {  	_ =	shalt  }
0x3e: {  	_ =	shalt  }
0x3f: {  	_ =	shalt  }
0x40: {  	_ =	shalt  }
0x41: {  	_ =	shalt  }
0x42: {  	_ =	shalt  }
0x43: {  	_ =	shalt  }
0x44: {  	_ =	shalt  }
0x45: {  	_ =	shalt  }
0x46: {  	_ =	shalt  }
0x47: {  	_ =	shalt  }
0x48: {  	_ =	shalt  }
0x49: {  	_ =	shalt  }
0x4a: {  	_ =	shalt  }
0x4b: {  	_ =	shalt  }
0x4c: {  	_ =	shalt  }
0x4d: {  	_ =	shalt  }
0x4e: {  	_ =	shalt  }
0x4f: {  	_ =	shalt  }
0x50: {  	_ =	shalt  }
0x51: {  	_ =	shalt  }
0x52: {  	_ =	shalt  }
0x53: {  	_ =	shalt  }
0x54: {  	_ =	shalt  }
0x55: {  	_ =	shalt  }
0x56: {  	_ =	shalt  }
0x57: {  	_ =	shalt  }
0x58: {  	_ =	shalt  }
0x59: {  	_ =	shalt  }
0x5a: {  	_ =	shalt  }
0x5b: {  	_ =	shalt  }
0x5c: {  	_ =	shalt  }
0x5d: {  	_ =	shalt  }
0x5e: {  	_ =	shalt  }
0x5f: {  	_ =	shalt  }
0x60: {  	_ =	shalt  }
0x61: {  	_ =	shalt  }
0x62: {  	_ =	shalt  }
0x63: {  	_ =	shalt  }
0x64: {  	_ =	shalt  }
0x65: {  	_ =	shalt  }
0x66: {  	_ =	shalt  }
0x67: {  	_ =	shalt  }
0x68: {  	_ =	shalt  }
0x69: {  	_ =	shalt  }
0x6a: {  	_ =	shalt  }
0x6b: {  	_ =	shalt  }
0x6c: {  	_ =	shalt  }
0x6d: {  	_ =	shalt  }
0x6e: {  	_ =	shalt  }
0x6f: {  	_ =	shalt  }
0x70: {  	_ =	shalt  }
0x71: {  	_ =	shalt  }
0x72: {  	_ =	shalt  }
0x73: {  	_ =	shalt  }
0x74: {  	_ =	shalt  }
0x75: {  	_ =	shalt  }
0x76: {  	_ =	shalt  }
0x77: {  	_ =	shalt  }
0x78: {  	_ =	shalt  }
0x79: {  	_ =	shalt  }
0x7a: {  	_ =	shalt  }
0x7b: {  	_ =	shalt  }
0x7c: {  	_ =	shalt  }
0x7d: {  	_ =	shalt  }
0x7e: {  	_ =	shalt  }
0x7f: {  	_ =	shalt  }
0x80: {  	_ =	shalt  }
0x81: {  	_ =	shalt  }
0x82: {  	_ =	shalt  }
0x83: {  	_ =	shalt  }
0x84: {  	_ =	shalt  }
0x85: {  	_ =	shalt  }
0x86: {  	_ =	shalt  }
0x87: {  	_ =	shalt  }
.Lfunc_end0:
.L_simem_size_0:
called_computation.2_lowered:
.L_overlay_start_0:
0x88: {  	s2 =	sld [smem:$0x3FD9]  }
0x89: {  	s3 =	sld [smem:$0x3FFE];
	_ =	sdelay $0x1  }
0x8a: {  	s1 =	srdreg.scid  }
0x8b: {  	s0 =	sand.u32 $0x1, s1  }
0x8c: {  	s17 =	sshll.u32 s0, $0xA;
	s2 =	sadd.s32 s3, s2  }
0x8d: {  	s2 =	sadd.s32 s2, s17  }
0x8e: {  	[smem:$0x3FC0] =	sst s2  }
0x8f: {  	_ = 	snop  }
0x90: {  	s2 =	sld [smem:$0x3FD0];
	(tm) =	ssettm $0x1  }
0x91: {  	s18 =	sld [smem:$0x3FFB];
	_ =	sdelay $0x3  }
0x92: {  	_ =	strace s18  }
0x93: {  	s3 =	sld [smem:$0x3FFC];
	_ =	sdelay $0x3  }
0x94: {  	_ =	strace s3  }
0x95: {  	s3 =	sld [smem:$0x3FFD];
	_ =	sdelay $0x3  }
0x96: {  	_ =	strace s3  }
0x97: {  	_ =	strace $0x8FFFFFFF  }
0x98: {  	s19 =	sld [smem:$0x3FDB];
	_ =	sdelay $0x1  }
0x99: {  	s4 =	simm.s32 $_scs_section_size  }
0x9a: {  	s5 =	simm.s32 $_size__tile_overlayer_lowered;
	s6 =	simm.s32 $_tile_overlayer_lowered  }
0x9b: {  	s22 =	simm.s32 $0x1BFF;
	s21 =	sshll.u32 s6, $0x1;
	s3 =	sadd.s32 s4, s19  }
0x9c: {  	s7 =	simm.s32 $0x0;
	s20 =	sshll.u32 s5, $0x1;
	s5 =	sadd.s32 s21, s3  }
0x9d: {  	[timem:s7], [sflag:s22] =	dma.local [hbm:s5], s20  }
0x9e: {  	_ =	swait.ge [sflag:s22], s20  }
0x9f: {  	s4 =	ssub.s32 $0x0, s20;
	[sflag:s22] =	ssyncset.done $0x0  }
0xa0: {  	[sflag:s22] =	ssyncadd.s32 s4;
	_ =	sdelay $0x1  }
0xa1: {  	s23 =	simm.s32 $0x1B8B  }
0xa2: {  	_ =	swait.ge [sflag:s23], $0x1  }
0xa3: {  	[sflag:s23] =	ssyncset.done $0x0  }
0xa4: {  	s25 =	simm.s32 $0x1B8E;
	s24 =	sld [smem:$0x3FFE];
	[sflag:s23] =	ssyncadd.s32 $0xFFFFFFFF  }
0xa5: {  	s26 =	simm.s32 $execute0_lowered;
	[smem:$0x3FD2] =	sst s25  }
0xa6: {  	s5 =	sshll.u32 s26, $0x1;
	_ =	strace $0x8000004C;
	[dreg:$0x1] =	wrdreg $0xFFFFFFFF  }
0xa7: {  	s28 =	simm.s32 $_size_execute0_lowered;
	s3 =	sadd.s32 s3, s5;
	[dreg:$0x0] =	wrdreg $0x0  }
0xa8: {  	s5 =	sshll.u32 s28, $0x1;
	[dreg:$0x2] =	wrdreg s3  }
0xa9: {  	[dreg:$0x3] =	wrdreg s5  }
0xaa: {  	[dreg:$0x4] =	wrdreg $0xC0  }
0xab: {  	_ =	task [dreg:s7], $0x5FFFF  }
0xac: {  	[dreg:$0x1] =	wrdreg $0xFFFFFFFF  }
0xad: {  	[dreg:$0x0] =	wrdreg $0x60  }
0xae: {  	[dreg:$0x2] =	wrdreg s24  }
0xaf: {  	[dreg:$0x3] =	wrdreg s2  }
0xb0: {  	[dreg:$0x4] =	wrdreg $0x82000  }
0xb1: {  	[dreg:$0x5] =	wrdreg $0x9  }
0xb2: {  	_ =	task.clear_ibuf [dreg:s7], $0x6FFFF;
	_ =	strace $0x9000004C  }
0xb3: {  	s29 =	simm.s32 $0x9;
	_ =	strace $0x8000004E  }
0xb4: {  	_ =	swait.ge [sflag:s29], $0x1  }
0xb5: {  	[sflag:s29] =	ssyncadd.s32 $0xFFFFFFFF  }
0xb6: {  	_ =	strace $0x9000004E  }
0xb7: {  	_ =	sfence  }
0xb8: {  	s30 =	sld [smem:$0x0];
	_ =	sdelay $0x2  }
0xb9: {  	s31 =	sshll.u32 s1, $0xD;
	s1 =	sshrl.u32 s1, $0x2  }
0xba: {  	s3 =	sand.u32 $0x4000, s31;
	s1 =	sadd.s32 s1, s30  }
0xbb: {  	s0 =	sor.u32 s3, s0;
	s1 =	sshll.u32 s1, $0x11  }
0xbc: {  	s0 =	sor.u32 s1, s0  }
0xbd: {  	s0 =	sadd.s32 $0x8F2B, s0  }
0xbe: {  	[sflag:s0] =	ssyncadd.remote.s32 $0x1  }
0xbf: {  	_ =	sfence.sel $0xFFFF  }
0xc0: {  	[dreg:$0x0] =	wrdreg $0xFFFFFFFF;
	(pc) =	sbr.abs _section_cstart, $3  }
0xc1: {  	[dreg:$0x1] =	wrdreg $0xFFFFFFFF  }
0xc2: {  	_ =	task.clear_ibuf [dreg:s7], $0x2FFFF;
	_ =	strace $0x9FFFFFFF  }
0xc3: {  	(tm) =	ssettm $0x7FFFFFFF  }
tec
execute0_lowered:
.L_overlay_start_1:
0x0: {  	(tag) =	ssettag $0x1  }
0x1: {  	s0 =	rddreg [dreg:$0x0]  }
0x2: {  	s1 =	rddreg [dreg:$0x1];
	s3 =	srdreg.scid  }
0x3: {  	s16 =	stileid.u32;
	s2 =	rddreg [dreg:$0x2];
	s28 =	simm.s32 $0x4200  }
0x4: {  	s29 =	simm.s32 $0x3;
	s30 =	simm.s32 $0x5;
	s31 =	simm.s32 $0x4  }
0x5: {  	s6 =	sand.u32 $0x1, s3;
	s5 =	smul.u32 $0x13800, s16;
	s3 =	simm.s32 $0x0  }
0x6: {  	s4 =	sadd.s32 $0xC000, s0;
	s19 =	sadd.s32 $0x2200, s0;
	s8 =	smul.u32 $0x4E000, s16  }
0x7: {  	s14 =	sshll.u32 s16, $0x4;
	s7 =	smul.u32 $0x138800, s6;
	[smem:$0x7FF] =	sst s3  }
0x8: {  	s17 =	ssub.s32 $0x2, s6;
	s9 =	sshll.u32 s6, $0x4;
	s15 =	sor.u32 $0x9C00, s14  }
0x9: {  	s6 =	smul.u32 $0x4E00, s6;
	_ =	strace $0x8000004D;
	s10 =	sshrl.u32 s17, $0x1  }
0xa: {  	s25 =	sor.u32 s16, s9;
	s8 =	sshrl.u32 s8, $0x2;
	s14 =	sadd.s32 s19, s15  }
0xb: {  	s15 =	sadd.s32 s1, s15;
	s7 =	sadd.s32 s5, s7;
	s18 =	sadd.s32 s8, s2  }
0xc: {  	s12 =	smul.u32 $0x4E0, s25;
	s5 =	sadd.s32 s5, s2;
	s24 =	sadd.s32 s6, s1  }
0xd: {  	s26 =	sadd.s32 s6, s19;
	p0 =	sgt.u32 s25, $0x3;
	s8 =	sadd.s32 $0x4000, s18  }
0xe: {  	s25 =	simm.s32 $0x180;
	s20 =	sadd.s32 $0x8000, s18;
	[dreg:$0x4] =	wrdreg s8  }
0xf: {  	s7 =	sshrl.u32 s7, $0x3;
	s21 =	sadd.s32 $0xC000, s18;
	[dreg:$0x5] =	wrdreg s20  }
0x10: {  	s22 =	sadd.s32 $0x10000, s18;
	s0 =	sadd.s32 s7, s0;
	[dreg:$0x6] =	wrdreg s21  }
0x11: {  	s7 =	ssub.s32 s17, s10;
	[dreg:$0x7] =	wrdreg s22;
	s23 =	sadd.s32 s19, s12  }
0x12: {  	s11 =	sadd.s32 s1, s12;
	s13 =	sor.u32 $0x10, s12;
	s20 =	smul.u32 $0x4E0, s16  }
0x13: {  	s21 =	simm.s32 $0x7;
	s22 =	simm.s32 $0x100;
	[dreg:$0x8] =	wrdreg s23  }
0x14: {  	s12 =	sadd.s32 s19, s13;
	s13 =	sadd.s32 s1, s13;
	s16 =	sadd.s32 $0x33200, s0  }
0x15: {  	s17 =	smax.u32 s7, $0x1;
	s23 =	simm.s32 $0x1;
	s1 =	simm.s32 $0x6  }
0x16: {  	s0 =	simm.s32 $0x0;
	s18 =	sadd.s32 s20, s24;
	s19 =	sadd.s32 s20, s26  }
0x17: {  	v0 =	vimm.f32 $0.0e+00;
	s20 =	simm.s32 $0x200;
	s24 =	simm.s32 $0x80;
	s26 =	simm.s32 $0x2  }
.LBB2_1:
0x18: {  	s6 =	simm.s32 $0x0;
	s7 =	simm.s32 $0x200  }
.LBB2_2:
0x19: {  	p1 =	sne.s32 s7, $0xFE00;
	[tilespmem:s6+$0x270] =	vst v0  }
0x1a: {  	[tilespmem:s6+$0x200] =	vst v0  }
0x1b: {  	[tilespmem:s6+$0x210] =	vst v0  }
.Ltmp0:
0x1c: {  	[tilespmem:s6+$0x220] =	vst v0;
	(pc) =	sbr.rel @p1 .LBB2_2-.Ltmp0, $4  }
0x1d: {  	[tilespmem:s6+$0x230] =	vst v0  }
0x1e: {  	[tilespmem:s6+$0x240] =	vst v0  }
0x1f: {  	[tilespmem:s6+$0x250] =	vst v0  }
0x20: {  	[tilespmem:s6+$0x260] =	vst v0;
	s6 =	sshra.s32 s7, $0x2;
	s7 =	sadd.s32 $0x200, s7  }
0x21: {  	[tilespmem:s6+$0x270] =	vst v0  }
0x22: {  	[tilespmem:s6+$0x200] =	vst v0  }
0x23: {  	[tilespmem:s6+$0x210] =	vst v0  }
0x24: {  	[tilespmem:s6+$0x220] =	vst v0  }
0x25: {  	[tilespmem:s6+$0x230] =	vst v0  }
0x26: {  	[tilespmem:s6+$0x240] =	vst v0  }
0x27: {  	[tilespmem:s6+$0x250] =	vst v0  }
0x28: {  	[tilespmem:s6+$0x260] =	vst v0  }
0x29: {  	[spmem:s5] =	stream.linear.scatter [tilespmem:s20], [sflag:$0x7], $0x4000, $0x38;
	[tilespmem:$0x1BA80] =	vst v63  }
0x2a: {  	_ =	swait.ge [sflag:s21], $0x4000  }
0x2b: {  	[sflag:s21] =	ssyncset.done $0x0  }
0x2c: {  	s9 =	rddreg [dreg:$0x4];
	[sflag:s21] =	ssyncadd.s32 $0xFFFFC000  }
0x2d: {  	[spmem:s9] =	stream.linear.scatter [tilespmem:s20], [sflag:$0x7], $0x4000, $0x38;
	[tilespmem:$0x1BA80] =	vst v63  }
0x2e: {  	_ =	swait.ge [sflag:s21], $0x4000  }
0x2f: {  	[sflag:s21] =	ssyncset.done $0x0  }
0x30: {  	s10 =	rddreg [dreg:$0x5];
	[sflag:s21] =	ssyncadd.s32 $0xFFFFC000  }
0x31: {  	[spmem:s10] =	stream.linear.scatter [tilespmem:s20], [sflag:$0x7], $0x4000, $0x38;
	[tilespmem:$0x1BA80] =	vst v63  }
0x32: {  	_ =	swait.ge [sflag:s21], $0x4000  }
0x33: {  	[sflag:s21] =	ssyncset.done $0x0  }
0x34: {  	s7 =	rddreg [dreg:$0x6];
	[sflag:s21] =	ssyncadd.s32 $0xFFFFC000  }
0x35: {  	[spmem:s7] =	stream.linear.scatter [tilespmem:s20], [sflag:$0x7], $0x4000, $0x38;
	[tilespmem:$0x1BA80] =	vst v63  }
0x36: {  	_ =	swait.ge [sflag:s21], $0x4000  }
0x37: {  	[sflag:s21] =	ssyncset.done $0x0  }
0x38: {  	s8 =	rddreg [dreg:$0x7];
	[sflag:s21] =	ssyncadd.s32 $0xFFFFC000  }
0x39: {  	[spmem:s8] =	stream.linear.scatter [tilespmem:s20], [sflag:$0x7], $0x4000, $0x38;
	[tilespmem:$0x1BA80] =	vst v63  }
0x3a: {  	_ =	swait.ge [sflag:s21], $0x4000  }
0x3b: {  	[sflag:s21] =	ssyncset.done $0x0  }
0x3c: {  	[sflag:s21] =	ssyncadd.s32 $0xFFFFC000  }
0x3d: {  	[bflag:$0x0] =	sbarrier.arrive $0xFFFF  }
0x3e: {  	s9 =	simm.s32 $0x0;
	s7 =	rddreg [dreg:$0x8]  }
0x3f: {  	[tilespmem:s9], [sflag:$0x1] =	stream.linear.gather [hbm4b:s7+s9], $0x80, $0x38;
	[tilespmem:$0x1BA80] =	vst v63  }
0x40: {  	_ = 	snop  }
0x41: {  	[tilespmem:s22], [sflag:$0x1] =	stream.linear.gather [hbm4b:s11+s9], $0x80, $0x38;
	[tilespmem:$0x1BA80] =	vst v63  }
0x42: {  	_ =	swait.ge [sflag:s23], $0x80  }
0x43: {  	[sflag:s23] =	ssyncset.done $0x0  }
0x44: {  	[sflag:s23] =	ssyncadd.s32 $0xFFFFFF80  }
0x45: {  	_ =	swait.ge [sflag:s23], $0x80  }
0x46: {  	[sflag:s23] =	ssyncset.done $0x0  }
0x47: {  	[sflag:s23] =	ssyncadd.s32 $0xFFFFFF80  }
0x48: {  	[tilespmem:s20], [sflag:$0x3] =	stream.indirect.gather [hbm4b:s4+s24], $0x80, s9, s24, $0xb8;
	[tilespmem:$0x1BA80] =	vst v63  }
0x49: {  	_ = 	snop  }
0x4a: {  	[tilespmem:s24], [sflag:$0x2] =	stream.linear.gather [hbm4b:s12+s9], $0x80, $0x38;
	[tilespmem:$0x1BA80] =	vst v63  }
0x4b: {  	_ = 	snop  }
0x4c: {  	[tilespmem:s25], [sflag:$0x2] =	stream.linear.gather [hbm4b:s13+s9], $0x80, $0x38;
	[tilespmem:$0x1BA80] =	vst v63  }
0x4d: {  	_ =	swait.ge [sflag:s26], $0x80  }
0x4e: {  	[sflag:s26] =	ssyncset.done $0x0  }
0x4f: {  	[sflag:s26] =	ssyncadd.s32 $0xFFFFFF80  }
0x50: {  	_ =	swait.ge [sflag:s26], $0x80  }
0x51: {  	[sflag:s26] =	ssyncset.done $0x0  }
0x52: {  	[sflag:s26] =	ssyncadd.s32 $0xFFFFFF80  }
0x53: {  	[tilespmem:s28], [sflag:$0x4] =	stream.indirect.gather [hbm4b:s4+s24], $0x80, s24, s24, $0xb8;
	[tilespmem:$0x1BA80] =	vst v63  }
0x54: {  	_ =	swait.ge [sflag:s29], $0x4000  }
0x55: {  	[sflag:s29] =	ssyncset.done $0x0  }
0x56: {  	[sflag:s29] =	ssyncadd.s32 $0xFFFFC000  }
0x57: {  	[spmem:s2] =	stream.indirect.scatter.add.f32 [tilespmem:s20], [sflag:$0x5], $0x80, s22, s24, $0xb8;
	[tilespmem:$0x1BA80] =	vst v63  }
0x58: {  	_ =	swait.ge [sflag:s30], $0x4000  }
0x59: {  	s6 =	sadd.s32 $0x0, s19;
	[sflag:s30] =	ssyncset.done $0x0  }
0x5a: {  	s10 =	sadd.s32 $0x20, s6;
	s8 =	sadd.s32 $0x0, s18;
	[sflag:s30] =	ssyncadd.s32 $0xFFFFC000  }
0x5b: {  	[tilespmem:s3], [sflag:$0x1] =	stream.linear.gather [hbm4b:s10+s3], $0x80, $0x38;
	[tilespmem:$0x1BA80] =	vst v63  }
0x5c: {  	s9 =	sadd.s32 $0x20, s8  }
0x5d: {  	[tilespmem:s22], [sflag:$0x1] =	stream.linear.gather [hbm4b:s9+s3], $0x80, $0x38;
	[tilespmem:$0x1BA80] =	vst v63  }
0x5e: {  	_ =	swait.ge [sflag:s23], $0x80  }
0x5f: {  	[sflag:s23] =	ssyncset.done $0x0  }
0x60: {  	[sflag:s23] =	ssyncadd.s32 $0xFFFFFF80  }
0x61: {  	_ =	swait.ge [sflag:s23], $0x80  }
0x62: {  	[sflag:s23] =	ssyncset.done $0x0  }
0x63: {  	[sflag:s23] =	ssyncadd.s32 $0xFFFFFF80  }
0x64: {  	[tilespmem:s20], [sflag:$0x3] =	stream.indirect.gather [hbm4b:s4+s24], $0x80, s3, s24, $0xb8;
	[tilespmem:$0x1BA80] =	vst v63  }
0x65: {  	_ =	swait.ge [sflag:s31], $0x4000  }
0x66: {  	[sflag:s31] =	ssyncset.done $0x0  }
0x67: {  	[sflag:s31] =	ssyncadd.s32 $0xFFFFC000  }
0x68: {  	[spmem:s2] =	stream.indirect.scatter.add.f32 [tilespmem:s28], [sflag:$0x6], $0x80, s25, s24, $0xb8;
	[tilespmem:$0x1BA80] =	vst v63  }
0x69: {  	_ =	swait.ge [sflag:s1], $0x4000  }
0x6a: {  	[sflag:s1] =	ssyncset.done $0x0  }
0x6b: {  	s6 =	sadd.s32 $0x30, s6;
	[sflag:s1] =	ssyncadd.s32 $0xFFFFC000  }
0x6c: {  	[tilespmem:s24], [sflag:$0x2] =	stream.linear.gather [hbm4b:s6+s3], $0x80, $0x38;
	[tilespmem:$0x1BA80] =	vst v63  }
0x6d: {  	s10 =	sadd.s32 $0x30, s8  }
0x6e: {  	[tilespmem:s25], [sflag:$0x2] =	stream.linear.gather [hbm4b:s10+s3], $0x80, $0x38;
	[tilespmem:$0x1BA80] =	vst v63  }
0x6f: {  	_ =	swait.ge [sflag:s26], $0x80  }
0x70: {  	[sflag:s26] =	ssyncset.done $0x0  }
0x71: {  	[sflag:s26] =	ssyncadd.s32 $0xFFFFFF80  }
0x72: {  	_ =	swait.ge [sflag:s26], $0x80  }
0x73: {  	[sflag:s26] =	ssyncset.done $0x0  }
0x74: {  	[sflag:s26] =	ssyncadd.s32 $0xFFFFFF80  }
0x75: {  	[tilespmem:s28], [sflag:$0x4] =	stream.indirect.gather [hbm4b:s4+s24], $0x80, s24, s24, $0xb8;
	[tilespmem:$0x1BA80] =	vst v63  }
0x76: {  	_ =	swait.ge [sflag:s29], $0x4000  }
0x77: {  	[sflag:s29] =	ssyncset.done $0x0  }
0x78: {  	s6 =	simm.s32 $0x20;
	[sflag:s29] =	ssyncadd.s32 $0xFFFFC000  }
.LBB2_4:
0x79: {  	[spmem:s2] =	stream.indirect.scatter.add.f32 [tilespmem:s20], [sflag:$0x5], $0x80, s22, s24, $0xb8;
	[tilespmem:$0x1BA80] =	vst v63  }
0x7a: {  	s7 =	smov.u32 s6  }
0x7b: {  	p1 =	sne.s32 s6, $0x4A0;
	s6 =	sadd.s32 $0x20, s6;
	_ =	swait.ge [sflag:s30], $0x4000  }
0x7c: {  	s8 =	sadd.s32 s7, s19;
	[sflag:s30] =	ssyncset.done $0x0  }
0x7d: {  	s7 =	sadd.s32 s7, s18;
	s9 =	sadd.s32 $0x20, s8;
	[sflag:s30] =	ssyncadd.s32 $0xFFFFC000  }
0x7e: {  	[tilespmem:s3], [sflag:$0x1] =	stream.linear.gather [hbm4b:s9+s3], $0x80, $0x38;
	[tilespmem:$0x1BA80] =	vst v63  }
0x7f: {  	s9 =	sadd.s32 $0x20, s7  }
0x80: {  	[tilespmem:s22], [sflag:$0x1] =	stream.linear.gather [hbm4b:s9+s3], $0x80, $0x38;
	[tilespmem:$0x1BA80] =	vst v63  }
0x81: {  	_ =	swait.ge [sflag:s23], $0x80  }
0x82: {  	[sflag:s23] =	ssyncset.done $0x0  }
0x83: {  	[sflag:s23] =	ssyncadd.s32 $0xFFFFFF80  }
0x84: {  	_ =	swait.ge [sflag:s23], $0x80  }
0x85: {  	[sflag:s23] =	ssyncset.done $0x0  }
0x86: {  	[sflag:s23] =	ssyncadd.s32 $0xFFFFFF80  }
0x87: {  	[tilespmem:s20], [sflag:$0x3] =	stream.indirect.gather [hbm4b:s4+s24], $0x80, s3, s24, $0xb8;
	[tilespmem:$0x1BA80] =	vst v63  }
0x88: {  	_ =	swait.ge [sflag:s31], $0x4000  }
0x89: {  	[sflag:s31] =	ssyncset.done $0x0  }
0x8a: {  	[sflag:s31] =	ssyncadd.s32 $0xFFFFC000  }
0x8b: {  	[spmem:s2] =	stream.indirect.scatter.add.f32 [tilespmem:s28], [sflag:$0x6], $0x80, s25, s24, $0xb8;
	[tilespmem:$0x1BA80] =	vst v63  }
0x8c: {  	_ =	swait.ge [sflag:s1], $0x4000  }
0x8d: {  	[sflag:s1] =	ssyncset.done $0x0  }
0x8e: {  	s8 =	sadd.s32 $0x30, s8;
	[sflag:s1] =	ssyncadd.s32 $0xFFFFC000  }
0x8f: {  	[tilespmem:s24], [sflag:$0x2] =	stream.linear.gather [hbm4b:s8+s3], $0x80, $0x38;
	[tilespmem:$0x1BA80] =	vst v63  }
0x90: {  	s7 =	sadd.s32 $0x30, s7  }
0x91: {  	[tilespmem:s25], [sflag:$0x2] =	stream.linear.gather [hbm4b:s7+s3], $0x80, $0x38;
	[tilespmem:$0x1BA80] =	vst v63  }
0x92: {  	_ =	swait.ge [sflag:s26], $0x80  }
0x93: {  	[sflag:s26] =	ssyncset.done $0x0  }
0x94: {  	[sflag:s26] =	ssyncadd.s32 $0xFFFFFF80  }
0x95: {  	_ =	swait.ge [sflag:s26], $0x80  }
0x96: {  	[sflag:s26] =	ssyncset.done $0x0  }
.Ltmp1:
0x97: {  	[sflag:s26] =	ssyncadd.s32 $0xFFFFFF80;
	(pc) =	sbr.rel @p1 .LBB2_4-.Ltmp1, $4  }
0x98: {  	[tilespmem:s28], [sflag:$0x4] =	stream.indirect.gather [hbm4b:s4+s24], $0x80, s24, s24, $0xb8;
	[tilespmem:$0x1BA80] =	vst v63  }
0x99: {  	_ =	swait.ge [sflag:s29], $0x4000  }
0x9a: {  	[sflag:s29] =	ssyncset.done $0x0  }
0x9b: {  	[sflag:s29] =	ssyncadd.s32 $0xFFFFC000  }
0x9c: {  	[spmem:s2] =	stream.indirect.scatter.add.f32 [tilespmem:s20], [sflag:$0x5], $0x80, s22, s24, $0xb8;
	[tilespmem:$0x1BA80] =	vst v63  }
0x9d: {  	_ =	swait.ge [sflag:s30], $0x4000  }
0x9e: {  	[sflag:s30] =	ssyncset.done $0x0  }
0x9f: {  	[sflag:s30] =	ssyncadd.s32 $0xFFFFC000  }
0xa0: {  	_ =	swait.ge [sflag:s31], $0x4000  }
0xa1: {  	[sflag:s31] =	ssyncset.done $0x0  }
0xa2: {  	[sflag:s31] =	ssyncadd.s32 $0xFFFFC000  }
0xa3: {  	[spmem:s2] =	stream.indirect.scatter.add.f32 [tilespmem:s28], [sflag:$0x6], $0x80, s25, s24, $0xb8;
	[tilespmem:$0x1BA80] =	vst v63  }
0xa4: {  	_ =	swait.ge [sflag:s1], $0x4000  }
0xa5: {  	[sflag:s1] =	ssyncset.done $0x0  }
0xa6: {  	s6 =	simm.s32 @!p0 $0x0;
	s7 =	simm.s32 @!p0 $0x7;
	[sflag:s1] =	ssyncadd.s32 $0xFFFFC000  }
0xa7: {  	[tilespmem:s6], [sflag:$0x7] =	stream.linear.gather @!p0 [hbm4b:s14+s6], $0x80, $0x38;
	[tilespmem:$0x1BA80] =	vst v63  }
0xa8: {  	_ =	swait.ge @!p0 [sflag:s7], $0x80  }
0xa9: {  	[sflag:s7] =	ssyncset.done @!p0 $0x0  }
0xaa: {  	s8 =	simm.s32 @!p0 $0x100;
	[sflag:s7] =	ssyncadd.s32 @!p0 $0xFFFFFF80  }
0xab: {  	[tilespmem:s8], [sflag:$0x7] =	stream.linear.gather @!p0 [hbm4b:s15+s6], $0x80, $0x38;
	[tilespmem:$0x1BA80] =	vst v63  }
0xac: {  	_ =	swait.ge @!p0 [sflag:s7], $0x80  }
0xad: {  	[sflag:s7] =	ssyncset.done @!p0 $0x0  }
0xae: {  	s9 =	simm.s32 @!p0 $0x80;
	s10 =	simm.s32 @!p0 $0x200;
	[sflag:s7] =	ssyncadd.s32 @!p0 $0xFFFFFF80  }
0xaf: {  	[tilespmem:s10], [sflag:$0x3] =	stream.indirect.gather @!p0 [hbm4b:s4+s9], $0x80, s6, s9, $0xb8;
	[tilespmem:$0x1BA80] =	vst v63  }
0xb0: {  	s6 =	simm.s32 @!p0 $0x3  }
0xb1: {  	_ =	swait.ge @!p0 [sflag:s6], $0x4000  }
0xb2: {  	[sflag:s6] =	ssyncset.done @!p0 $0x0  }
0xb3: {  	[sflag:s6] =	ssyncadd.s32 @!p0 $0xFFFFC000  }
0xb4: {  	[spmem:s2] =	stream.indirect.scatter.add.f32 @!p0 [tilespmem:s10], [sflag:$0x7], $0x80, s8, s9, $0xb8;
	[tilespmem:$0x1BA80] =	vst v63  }
0xb5: {  	s0 =	sadd.s32 $0x1, s0;
	_ =	swait.ge @!p0 [sflag:s7], $0x4000  }
0xb6: {  	p1 =	sne.s32 s0, s17;
	s9 =	stileid.u32;
	[sflag:s7] =	ssyncset.done @!p0 $0x0  }
0xb7: {  	s10 =	sshrl.u32 s5, $0x3;
	s6 =	sshll.u32 s9, $0x6;
	[sflag:s7] =	ssyncadd.s32 @!p0 $0xFFFFC000  }
.Ltmp2:
0xb8: {  	s6 =	sor.u32 $0x1C07, s6;
	[bflag:$0x0] =	sbarrier.arrive $0xFFFF;
	(pc) =	sbr.rel @p1 .LBB2_1-.Ltmp2, $4  }
0xb9: {  	[hbm:s16], [sflag:s6] =	dma.local [spmem:s10], $0x2800  }
0xba: {  	_ =	swait.ge [sflag:s21], $0x2800  }
0xbb: {  	[sflag:s21] =	ssyncset.done $0x0  }
0xbc: {  	[sflag:s21] =	ssyncadd.s32 $0xFFFFD800  }
0xbd: {  	_ =	sfence.sel $0x180000  }
0xbe: {  	[bflag:$0x0] =	sbarrier.arrive $0xFFFF  }
0xbf: {  	_ =	strace $0x9000004D  }
0xc0: {  	s0 =	stileid.u32;
	[bflag:$0x2] =	sbarrier.arrive $0xFFFF  }
0xc1: {  	p0 =	sne.s32 s0, $0x0;
	s0 =	rddreg [dreg:$0x3]  }
0xc2: {  	s0 =	sadd.s32 @!p0 $0x100000, s0  }
0xc3: {  	[sflag:s0] =	ssyncadd.tile.s32 @!p0 $0x1;
	_ =	shalt  }
.Lfunc_end2:
_tile_overlayer_lowered:
.L_overlay_start_2:
0xc4: {  	(tag) =	ssettag $0x2  }
0xc5: {  	s0 =	rddreg [dreg:$0x0];
	s2 =	stileid.u32  }
0xc6: {  	s1 =	rddreg [dreg:$0x1];
	p0 =	sne.s32 s2, $0x0  }
0xc7: {  	s3 =	rddreg [dreg:$0x2];
	[bflag:$0x3] =	sbarrier.arrive $0xFFFF;
	s2 =	simm.s32 @!p0 $0x1C07  }
0xc8: {  	[timem:s3], [sflag:s2] =	dma.local @!p0 [hbm:s0], s1  }
0xc9: {  	s0 =	simm.s32 @!p0 $0x7  }
0xca: {  	_ =	swait.ge @!p0 [sflag:s0], s1  }
0xcb: {  	s1 =	ssub.s32 @!p0 $0x0, s1;
	[sflag:s0] =	ssyncset.done @!p0 $0x0  }
0xcc: {  	[sflag:s0] =	ssyncadd.s32 @!p0 s1  }
0xcd: {  	[bflag:$0x3] =	sbarrier.arrive $0xFFFF  }
0xce: {  	_ =	shalt  }

// kernel: kernel.9.cloned.1.call-start
scs
__scs_entry_jumppad:
0x0: {  	(pc) =	sbr.rel $0x88, $3  }
0x1: {  	(tag) =	ssettag $0x0;
	lr =	simm.s32 $0x1  }
0x2: {  	[smem:$0x3F99] =	sst lr;
	_ =	strace $0xD0000000  }
0x3: {  	_ = 	snop  }
0x4: {  	_ = 	snop  }
0x5: {  	_ = 	snop  }
0x6: {  	_ = 	snop  }
0x7: {  	_ = 	snop  }
__scs_overlays_trampoline_lowered:
0x8: {  	[smem:$0x3FA8] =	sst s0  }
0x9: {  	[smem:$0x3FA9] =	sst s1  }
0xa: {  	[smem:$0x3FAA] =	sst s2  }
0xb: {  	[smem:$0x3FAB] =	sst s3  }
0xc: {  	[smem:$0x3FAC] =	sst s4  }
0xd: {  	[smem:$0x3FAD] =	sst s5  }
0xe: {  	[smem:$0x3FAE] =	sst s6  }
0xf: {  	[smem:$0x3FAF] =	sst s7  }
0x10: {  	[smem:$0x3FB0] =	sst s8  }
0x11: {  	[smem:$0x3FB1] =	sst s9;
	s0 =	simm.s32 @!p0 $0x0  }
0x12: {  	s1 =	sld [smem:$0x3F97];
	s0 =	simm.s32 @p0 $0x1  }
0x13: {  	[smem:$0x3FB2] =	sst s0;
	s0 =	simm.s32 @!p1 $0x0  }
0x14: {  	s2 =	sld [smem:$0x3F96];
	s0 =	simm.s32 @p1 $0x1  }
0x15: {  	[smem:$0x3FB3] =	sst s0;
	s0 =	simm.s32 @!p2 $0x0  }
0x16: {  	s3 =	sld [smem:$0x3FDB];
	s0 =	simm.s32 @p2 $0x1  }
0x17: {  	s4 =	simm.s32 $0x1BF5;
	[smem:$0x3FB5] =	sst s0  }
0x18: {  	s0 =	sld [smem:$0x3F98];
	_ =	swait.ge [sflag:s4], $0x0  }
0x19: {  	s7 =	sld [smem:$0x3F99]  }
0x1a: {  	s8 =	sadd.s32 $0xFFFFE003, lr  }
0x1b: {  	s9 =	sadd.s32 $0xFFFFFEF7, lr;
	s5 =	simm.s32 $0xFFFFFFFF;
	p2 =	slt.u32 s8, $0xFFFFF086  }
0x1c: {  	p1 =	slt.u32 s9, $0xF7A;
	s5 =	simm.s32 @!p2 $0x0  }
0x1d: {  	s5 =	simm.s32 @p1 $0x1;
	p0 =	seq.s32 s7, s2  }
0x1e: {  	s7 =	smul.u32 @!p0 $0xF7A, s2;
	p2 =	seq.s32 @!p0 s5, $0x0  }
0x1f: {  	s9 =	smul.u32 $0xF7A, s1;
	s8 =	simm.s32 @!p0 $0x1BF5;
	p2 =	por !p2, p0  }
0x20: {  	[sflag:s8] =	ssyncset.s32 @!p0 $0xFFFFF086;
	s6 =	sadd.s32 @!p0 s3, s7;
	s7 =	simm.s32 @!p0 $0x108  }
0x21: {  	s3 =	sadd.s32 s3, s9;
	s6 =	sadd.s32 @!p0 $0x88, s6;
	s7 =	simm.s32 @p2 $0x1082  }
0x22: {  	[simem:s7], [sflag:s8] =	dma.local @!p0 [hbm:s6], $0xF7A  }
0x23: {  	s9 =	sor.u32 $0xD0000000, s2;
	s6 =	simm.s32 $0x108;
	_ =	swait.ge @!p0 [sflag:s8], $0x0  }
0x24: {  	s3 =	sadd.s32 $0x88, s3;
	s6 =	simm.s32 @!p1 $0x1082;
	[sflag:s4] =	ssyncset.s32 $0xFFFFF086  }
0x25: {  	[simem:s6], [sflag:s4] =	dma.local [hbm:s3], $0xF7A  }
0x26: {  	[smem:$0x3F99] =	sst s1;
	(tag) =	ssettag s2;
	_ =	strace s9  }
0x27: {  	s1 =	sld [smem:$0x3FA9]  }
0x28: {  	s2 =	sld [smem:$0x3FAA]  }
0x29: {  	s4 =	sld [smem:$0x3FAC]  }
0x2a: {  	p0 =	seq.s32 s5, $0x0;
	s5 =	sld [smem:$0x3FAD]  }
0x2b: {  	s6 =	sld [smem:$0x3FAE]  }
0x2c: {  	s7 =	sld [smem:$0x3FAF]  }
0x2d: {  	s3 =	simm.s32 $0x108;
	s8 =	sld [smem:$0x3FB0]  }
0x2e: {  	s3 =	simm.s32 @!p0 $0x1082;
	s9 =	sld [smem:$0x3FB1]  }
0x2f: {  	lr =	sadd.s32 s0, s3;
	s0 =	sld [smem:$0x3FA8]  }
0x30: {  	s3 =	sld [smem:$0x3FAB]  }
0x31: {  	[smem:$0x3FB4] =	sst s10  }
0x32: {  	s10 =	sld [smem:$0x3FB2];
	_ =	sdelay $0x3  }
0x33: {  	p0 =	seq.s32 s10, $0x1;
	s10 =	sld [smem:$0x3FB4];
	_ =	sdelay $0x3  }
0x34: {  	[smem:$0x3FB4] =	sst s10  }
0x35: {  	s10 =	sld [smem:$0x3FB3];
	_ =	sdelay $0x3  }
0x36: {  	p1 =	seq.s32 s10, $0x1;
	s10 =	sld [smem:$0x3FB4];
	_ =	sdelay $0x3  }
0x37: {  	[smem:$0x3FB4] =	sst s10  }
0x38: {  	s10 =	sld [smem:$0x3FB5]  }
0x39: {  	_ = 	snop;
	(pc) =	sbr.ind lr, $3  }
0x3a: {  	_ = 	snop  }
0x3b: {  	_ = 	snop  }
0x3c: {  	p2 =	seq.s32 s10, $0x1;
	s10 =	sld [smem:$0x3FB4]  }
0x3d: {  	_ =	shalt  }
0x3e: {  	_ =	shalt  }
0x3f: {  	_ =	shalt  }
0x40: {  	_ =	shalt  }
0x41: {  	_ =	shalt  }
0x42: {  	_ =	shalt  }
0x43: {  	_ =	shalt  }
0x44: {  	_ =	shalt  }
0x45: {  	_ =	shalt  }
0x46: {  	_ =	shalt  }
0x47: {  	_ =	shalt  }
0x48: {  	_ =	shalt  }
0x49: {  	_ =	shalt  }
0x4a: {  	_ =	shalt  }
0x4b: {  	_ =	shalt  }
0x4c: {  	_ =	shalt  }
0x4d: {  	_ =	shalt  }
0x4e: {  	_ =	shalt  }
0x4f: {  	_ =	shalt  }
0x50: {  	_ =	shalt  }
0x51: {  	_ =	shalt  }
0x52: {  	_ =	shalt  }
0x53: {  	_ =	shalt  }
0x54: {  	_ =	shalt  }
0x55: {  	_ =	shalt  }
0x56: {  	_ =	shalt  }
0x57: {  	_ =	shalt  }
0x58: {  	_ =	shalt  }
0x59: {  	_ =	shalt  }
0x5a: {  	_ =	shalt  }
0x5b: {  	_ =	shalt  }
0x5c: {  	_ =	shalt  }
0x5d: {  	_ =	shalt  }
0x5e: {  	_ =	shalt  }
0x5f: {  	_ =	shalt  }
0x60: {  	_ =	shalt  }
0x61: {  	_ =	shalt  }
0x62: {  	_ =	shalt  }
0x63: {  	_ =	shalt  }
0x64: {  	_ =	shalt  }
0x65: {  	_ =	shalt  }
0x66: {  	_ =	shalt  }
0x67: {  	_ =	shalt  }
0x68: {  	_ =	shalt  }
0x69: {  	_ =	shalt  }
0x6a: {  	_ =	shalt  }
0x6b: {  	_ =	shalt  }
0x6c: {  	_ =	shalt  }
0x6d: {  	_ =	shalt  }
0x6e: {  	_ =	shalt  }
0x6f: {  	_ =	shalt  }
0x70: {  	_ =	shalt  }
0x71: {  	_ =	shalt  }
0x72: {  	_ =	shalt  }
0x73: {  	_ =	shalt  }
0x74: {  	_ =	shalt  }
0x75: {  	_ =	shalt  }
0x76: {  	_ =	shalt  }
0x77: {  	_ =	shalt  }
0x78: {  	_ =	shalt  }
0x79: {  	_ =	shalt  }
0x7a: {  	_ =	shalt  }
0x7b: {  	_ =	shalt  }
0x7c: {  	_ =	shalt  }
0x7d: {  	_ =	shalt  }
0x7e: {  	_ =	shalt  }
0x7f: {  	_ =	shalt  }
0x80: {  	_ =	shalt  }
0x81: {  	_ =	shalt  }
0x82: {  	_ =	shalt  }
0x83: {  	_ =	shalt  }
0x84: {  	_ =	shalt  }
0x85: {  	_ =	shalt  }
0x86: {  	_ =	shalt  }
0x87: {  	_ =	shalt  }
.Lfunc_end0:
.L_simem_size_0:
called_computation_lowered:
.L_overlay_start_0:
0x88: {  	s2 =	sld [smem:$0x3FD9]  }
0x89: {  	s3 =	sld [smem:$0x3FFE];
	_ =	sdelay $0x1  }
0x8a: {  	s1 =	srdreg.scid  }
0x8b: {  	s0 =	sand.u32 $0x1, s1  }
0x8c: {  	s17 =	sshll.u32 s0, $0xA;
	s2 =	sadd.s32 s3, s2  }
0x8d: {  	s2 =	sadd.s32 s2, s17  }
0x8e: {  	[smem:$0x3FC0] =	sst s2  }
0x8f: {  	_ = 	snop  }
0x90: {  	s2 =	sld [smem:$0x3FD0];
	(tm) =	ssettm $0x1  }
0x91: {  	s18 =	sld [smem:$0x3FFB];
	_ =	sdelay $0x3  }
0x92: {  	_ =	strace s18  }
0x93: {  	s3 =	sld [smem:$0x3FFC];
	_ =	sdelay $0x3  }
0x94: {  	_ =	strace s3  }
0x95: {  	s3 =	sld [smem:$0x3FFD];
	_ =	sdelay $0x3  }
0x96: {  	_ =	strace s3  }
0x97: {  	_ =	strace $0x8FFFFFFF  }
0x98: {  	s19 =	sld [smem:$0x3FDB];
	_ =	sdelay $0x1  }
0x99: {  	s4 =	simm.s32 $_scs_section_size  }
0x9a: {  	s5 =	simm.s32 $_size__tile_overlayer_lowered;
	s6 =	simm.s32 $_tile_overlayer_lowered  }
0x9b: {  	s22 =	simm.s32 $0x1BFF;
	s21 =	sshll.u32 s6, $0x1;
	s3 =	sadd.s32 s4, s19  }
0x9c: {  	s7 =	simm.s32 $0x0;
	s20 =	sshll.u32 s5, $0x1;
	s5 =	sadd.s32 s21, s3  }
0x9d: {  	[timem:s7], [sflag:s22] =	dma.local [hbm:s5], s20  }
0x9e: {  	_ =	swait.ge [sflag:s22], s20  }
0x9f: {  	s4 =	ssub.s32 $0x0, s20;
	[sflag:s22] =	ssyncset.done $0x0  }
0xa0: {  	[sflag:s22] =	ssyncadd.s32 s4;
	_ =	sdelay $0x1  }
0xa1: {  	s23 =	simm.s32 $0x1B8B  }
0xa2: {  	_ =	swait.ge [sflag:s23], $0x1  }
0xa3: {  	[sflag:s23] =	ssyncset.done $0x0  }
0xa4: {  	s25 =	simm.s32 $0x1B8E;
	s24 =	sld [smem:$0x3FFE];
	[sflag:s23] =	ssyncadd.s32 $0xFFFFFFFF  }
0xa5: {  	s26 =	simm.s32 $execute0_lowered;
	[smem:$0x3FD2] =	sst s25  }
0xa6: {  	s5 =	sshll.u32 s26, $0x1;
	_ =	strace $0x80000046;
	[dreg:$0x1] =	wrdreg $0xFFFFFFFF  }
0xa7: {  	s28 =	simm.s32 $_size_execute0_lowered;
	s3 =	sadd.s32 s3, s5;
	[dreg:$0x0] =	wrdreg $0x0  }
0xa8: {  	s5 =	sshll.u32 s28, $0x1;
	[dreg:$0x2] =	wrdreg s3  }
0xa9: {  	[dreg:$0x3] =	wrdreg s5  }
0xaa: {  	[dreg:$0x4] =	wrdreg $0xC0  }
0xab: {  	_ =	task [dreg:s7], $0x5FFFF  }
0xac: {  	[dreg:$0x1] =	wrdreg $0xFFFFFFFF  }
0xad: {  	[dreg:$0x0] =	wrdreg $0x60  }
0xae: {  	[dreg:$0x2] =	wrdreg s24  }
0xaf: {  	[dreg:$0x3] =	wrdreg s2  }
0xb0: {  	[dreg:$0x4] =	wrdreg $0x82000  }
0xb1: {  	[dreg:$0x5] =	wrdreg $0x1C2800  }
0xb2: {  	[dreg:$0x6] =	wrdreg $0x9  }
0xb3: {  	_ =	task.clear_ibuf [dreg:s7], $0x7FFFF;
	_ =	strace $0x90000046  }
0xb4: {  	s29 =	simm.s32 $0x9;
	_ =	strace $0x80000048  }
0xb5: {  	_ =	swait.ge [sflag:s29], $0x1  }
0xb6: {  	[sflag:s29] =	ssyncadd.s32 $0xFFFFFFFF  }
0xb7: {  	_ =	strace $0x90000048  }
0xb8: {  	_ =	sfence  }
0xb9: {  	s30 =	sld [smem:$0x0];
	_ =	sdelay $0x2  }
0xba: {  	s31 =	sshll.u32 s1, $0xD;
	s1 =	sshrl.u32 s1, $0x2  }
0xbb: {  	s3 =	sand.u32 $0x4000, s31;
	s1 =	sadd.s32 s1, s30  }
0xbc: {  	s0 =	sor.u32 s3, s0;
	s1 =	sshll.u32 s1, $0x11  }
0xbd: {  	s0 =	sor.u32 s1, s0  }
0xbe: {  	s0 =	sadd.s32 $0x8F2B, s0  }
0xbf: {  	[sflag:s0] =	ssyncadd.remote.s32 $0x1  }
0xc0: {  	_ =	sfence.sel $0xFFFF  }
0xc1: {  	[dreg:$0x0] =	wrdreg $0xFFFFFFFF;
	(pc) =	sbr.abs _section_cstart, $3  }
0xc2: {  	[dreg:$0x1] =	wrdreg $0xFFFFFFFF  }
0xc3: {  	_ =	task.clear_ibuf [dreg:s7], $0x2FFFF;
	_ =	strace $0x9FFFFFFF  }
0xc4: {  	(tm) =	ssettm $0x7FFFFFFF  }
0xc5: {  	_ =	shalt  }
tec
execute0_lowered:
.L_overlay_start_1:
0x0: {  	(tag) =	ssettag $0x1  }
0x1: {  	s0 =	rddreg [dreg:$0x0]  }
0x2: {  	s1 =	rddreg [dreg:$0x1]  }
0x3: {  	s3 =	srdreg.scid;
	s19 =	stileid.u32  }
0x4: {  	s2 =	rddreg [dreg:$0x2];
	s4 =	simm.s32 $0x0;
	s28 =	simm.s32 $0x200  }
0x5: {  	s29 =	simm.s32 $0x7;
	s30 =	simm.s32 $0x1BA80;
	s6 =	smul.u32 $0x13800, s19  }
0x6: {  	s7 =	sand.u32 $0x1, s3;
	s3 =	rddreg [dreg:$0x3];
	s9 =	smul.u32 $0x2700, s19  }
0x7: {  	s31 =	simm.s32 $0x100;
	[smem:$0x7FF] =	sst s4;
	s12 =	smul.u32 $0x270, s19  }
0x8: {  	s5 =	sadd.s32 $0xC000, s0;
	s11 =	sadd.s32 $0x2200, s0;
	s8 =	smul.u32 $0x138800, s7  }
0x9: {  	s25 =	sshll.u32 s19, $0x4;
	s10 =	smul.u32 $0x27100, s7;
	_ =	strace $0x80000047  }
0xa: {  	s18 =	sshll.u32 s7, $0x4;
	s13 =	ssub.s32 $0x2, s7;
	s26 =	sor.u32 $0x9C00, s25  }
0xb: {  	s7 =	smul.u32 $0x4E00, s7;
	s16 =	sadd.s32 $0x80, s12;
	s14 =	sshrl.u32 s13, $0x1  }
0xc: {  	s8 =	sadd.s32 s6, s8;
	s10 =	sadd.s32 s9, s10;
	s15 =	sshll.u32 s16, $0x7  }
0xd: {  	s13 =	ssub.s32 s13, s14;
	s6 =	sadd.s32 s6, s2;
	s8 =	sshrl.u32 s8, $0x3  }
0xe: {  	s10 =	sshrl.u32 s10, $0x3;
	s20 =	sadd.s32 s15, s2;
	s15 =	sadd.s32 s11, s26  }
0xf: {  	s8 =	sadd.s32 s8, s0;
	s0 =	sadd.s32 s10, s0;
	s10 =	sor.u32 s19, s18  }
0x10: {  	[dreg:$0x5] =	wrdreg s20;
	s18 =	sadd.s32 $0x100, s12;
	s17 =	smul.u32 $0x4E0, s10  }
0x11: {  	[dreg:$0xa] =	wrdreg s15;
	s20 =	sadd.s32 $0x180, s12;
	p0 =	sgt.u32 s10, $0x3  }
0x12: {  	s25 =	sshll.u32 s18, $0x4;
	s10 =	simm.s32 $0x3;
	s21 =	sadd.s32 s11, s17  }
0x13: {  	s22 =	sor.u32 $0x10, s17;
	s23 =	sadd.s32 s1, s17;
	[dreg:$0x6] =	wrdreg s21  }
0x14: {  	s17 =	smul.u32 $0x4E0, s19;
	s19 =	sshll.u32 s18, $0x7;
	[dreg:$0x7] =	wrdreg s23  }
0x15: {  	s24 =	sadd.s32 s11, s22;
	s14 =	sadd.s32 s1, s22;
	s21 =	sshll.u32 s20, $0x7  }
0x16: {  	s22 =	sadd.s32 $0x200, s12;
	s12 =	simm.s32 $0x4;
	[dreg:$0x8] =	wrdreg s24  }
0x17: {  	[dreg:$0x9] =	wrdreg s14;
	s14 =	sadd.s32 s1, s26;
	s1 =	sadd.s32 s7, s1  }
0x18: {  	s7 =	sadd.s32 s7, s11;
	s11 =	sadd.s32 s19, s2;
	s23 =	sshll.u32 s22, $0x7  }
0x19: {  	s19 =	sadd.s32 s9, s3;
	s24 =	sshll.u32 s16, $0x4;
	s26 =	sshll.u32 s22, $0x4  }
0x1a: {  	s9 =	simm.s32 $0x4200;
	s16 =	simm.s32 $0x0;
	[dreg:$0xb] =	wrdreg s14  }
0x1b: {  	s14 =	sadd.s32 s17, s1;
	s15 =	sadd.s32 s17, s7;
	[dreg:$0xc] =	wrdreg s11  }
0x1c: {  	s7 =	sadd.s32 s21, s2;
	s1 =	sshll.u32 s20, $0x4;
	s11 =	simm.s32 $0x5  }
0x1d: {  	[dreg:$0xd] =	wrdreg s7;
	s7 =	sadd.s32 s23, s2;
	s1 =	sadd.s32 s1, s3  }
0x1e: {  	s23 =	sadd.s32 s26, s3;
	s26 =	smax.u32 s13, $0x1;
	[dreg:$0xe] =	wrdreg s7  }
0x1f: {  	s13 =	simm.s32 $0x6;
	s7 =	sadd.s32 s24, s3;
	[dreg:$0x11] =	wrdreg s1  }
0x20: {  	s24 =	sadd.s32 $0x3D000, s8;
	s1 =	simm.s32 $0x1;
	s8 =	simm.s32 $0x2  }
0x21: {  	[dreg:$0xf] =	wrdreg s7;
	s7 =	sadd.s32 s25, s3;
	s25 =	sadd.s32 $0x33200, s0  }
0x22: {  	v0 =	vimm.f32 $0.0e+00;
	v1 =	vimm.f32 $1.000000000e+00;
	s0 =	simm.s32 $0x80;
	[dreg:$0x10] =	wrdreg s7;
	s7 =	simm.s32 $0x180  }
.LBB2_1:
0x23: {  	s17 =	simm.s32 $0x0;
	s18 =	simm.s32 $0x200  }
.LBB2_2:
0x24: {  	p1 =	sne.s32 s18, $0xFE00;
	[tilespmem:s17+$0x270] =	vst v0  }
0x25: {  	[tilespmem:s17+$0x200] =	vst v0  }
0x26: {  	[tilespmem:s17+$0x210] =	vst v0  }
.Ltmp0:
0x27: {  	[tilespmem:s17+$0x220] =	vst v0;
	(pc) =	sbr.rel @p1 .LBB2_2-.Ltmp0, $4  }
0x28: {  	[tilespmem:s17+$0x230] =	vst v0  }
0x29: {  	[tilespmem:s17+$0x240] =	vst v0  }
0x2a: {  	[tilespmem:s17+$0x250] =	vst v0  }
0x2b: {  	[tilespmem:s17+$0x260] =	vst v0;
	s17 =	sshra.s32 s18, $0x2;
	s18 =	sadd.s32 $0x200, s18  }
0x2c: {  	[tilespmem:s17+$0x270] =	vst v0  }
0x2d: {  	[tilespmem:s17+$0x200] =	vst v0  }
0x2e: {  	[tilespmem:s17+$0x210] =	vst v0  }
0x2f: {  	[tilespmem:s17+$0x220] =	vst v0  }
0x30: {  	[tilespmem:s17+$0x230] =	vst v0  }
0x31: {  	[tilespmem:s17+$0x240] =	vst v0  }
0x32: {  	[tilespmem:s17+$0x250] =	vst v0  }
0x33: {  	[tilespmem:s17+$0x260] =	vst v0  }
0x34: {  	[spmem:s6] =	stream.linear.scatter [tilespmem:s28], [sflag:$0x7], $0x4000, $0x38;
	[tilespmem:$0x1E990] =	vst v63  }
0x35: {  	_ =	swait.ge [sflag:s29], $0x4000  }
0x36: {  	[sflag:s29] =	ssyncset.done $0x0  }
0x37: {  	s18 =	rddreg [dreg:$0x5];
	[sflag:s29] =	ssyncadd.s32 $0xFFFFC000  }
0x38: {  	[spmem:s18] =	stream.linear.scatter [tilespmem:s28], [sflag:$0x7], $0x4000, $0x38;
	[tilespmem:$0x1E990] =	vst v63  }
0x39: {  	_ =	swait.ge [sflag:s29], $0x4000  }
0x3a: {  	[sflag:s29] =	ssyncset.done $0x0  }
0x3b: {  	s20 =	rddreg [dreg:$0xc];
	[sflag:s29] =	ssyncadd.s32 $0xFFFFC000  }
0x3c: {  	[spmem:s20] =	stream.linear.scatter [tilespmem:s28], [sflag:$0x7], $0x4000, $0x38;
	[tilespmem:$0x1E990] =	vst v63  }
0x3d: {  	_ =	swait.ge [sflag:s29], $0x4000  }
0x3e: {  	[sflag:s29] =	ssyncset.done $0x0  }
0x3f: {  	s21 =	rddreg [dreg:$0xd];
	[sflag:s29] =	ssyncadd.s32 $0xFFFFC000  }
0x40: {  	[spmem:s21] =	stream.linear.scatter [tilespmem:s28], [sflag:$0x7], $0x4000, $0x38;
	[tilespmem:$0x1E990] =	vst v63  }
0x41: {  	_ =	swait.ge [sflag:s29], $0x4000  }
0x42: {  	[sflag:s29] =	ssyncset.done $0x0  }
0x43: {  	s22 =	rddreg [dreg:$0xe];
	[sflag:s29] =	ssyncadd.s32 $0xFFFFC000  }
0x44: {  	[spmem:s22] =	stream.linear.scatter [tilespmem:s28], [sflag:$0x7], $0x4000, $0x38;
	[tilespmem:$0x1E990] =	vst v63  }
0x45: {  	_ =	swait.ge [sflag:s29], $0x4000  }
0x46: {  	[sflag:s29] =	ssyncset.done $0x0  }
0x47: {  	s17 =	simm.s32 $0x40;
	s18 =	simm.s32 $0x0;
	[sflag:s29] =	ssyncadd.s32 $0xFFFFC000  }
.LBB2_4:
0x48: {  	p1 =	sne.s32 s17, $0x1FC0;
	[tilespmem:s18+$0x1BA80] =	vst v0;
	s18 =	smov.u32 s17;
	s17 =	sadd.s32 $0x40, s17  }
.Ltmp1:
0x49: {  	(pc) =	sbr.rel @p1 .LBB2_4-.Ltmp1, $2  }
0x4a: {  	_ =	sdelay $0x2  }
0x4b: {  	s18 =	sshra.s32 s18, $0x2  }
0x4c: {  	[tilespmem:s18+$0x1BA80] =	vst v0  }
0x4d: {  	[spmem:s19] =	stream.linear.scatter [tilespmem:s30], [sflag:$0x7], $0x800, $0x38;
	[tilespmem:$0x1E990] =	vst v63  }
0x4e: {  	_ =	swait.ge [sflag:s29], $0x800  }
0x4f: {  	[sflag:s29] =	ssyncset.done $0x0  }
0x50: {  	s17 =	rddreg [dreg:$0xf];
	[sflag:s29] =	ssyncadd.s32 $0xFFFFF800  }
0x51: {  	[spmem:s17] =	stream.linear.scatter [tilespmem:s30], [sflag:$0x7], $0x800, $0x38;
	[tilespmem:$0x1E990] =	vst v63  }
0x52: {  	_ =	swait.ge [sflag:s29], $0x800  }
0x53: {  	[sflag:s29] =	ssyncset.done $0x0  }
0x54: {  	s21 =	rddreg [dreg:$0x10];
	[sflag:s29] =	ssyncadd.s32 $0xFFFFF800  }
0x55: {  	[spmem:s21] =	stream.linear.scatter [tilespmem:s30], [sflag:$0x7], $0x800, $0x38;
	[tilespmem:$0x1E990] =	vst v63  }
0x56: {  	_ =	swait.ge [sflag:s29], $0x800  }
0x57: {  	[sflag:s29] =	ssyncset.done $0x0  }
0x58: {  	s22 =	rddreg [dreg:$0x11];
	[sflag:s29] =	ssyncadd.s32 $0xFFFFF800  }
0x59: {  	[spmem:s22] =	stream.linear.scatter [tilespmem:s30], [sflag:$0x7], $0x800, $0x38;
	[tilespmem:$0x1E990] =	vst v63  }
0x5a: {  	_ =	swait.ge [sflag:s29], $0x800  }
0x5b: {  	[sflag:s29] =	ssyncset.done $0x0  }
0x5c: {  	[sflag:s29] =	ssyncadd.s32 $0xFFFFF800  }
0x5d: {  	[spmem:s23] =	stream.linear.scatter [tilespmem:s30], [sflag:$0x7], $0x800, $0x38;
	[tilespmem:$0x1E990] =	vst v63  }
0x5e: {  	_ =	swait.ge [sflag:s29], $0x800  }
0x5f: {  	[sflag:s29] =	ssyncset.done $0x0  }
0x60: {  	s18 =	simm.s32 $0x0;
	s17 =	simm.s32 $0x40;
	[sflag:s29] =	ssyncadd.s32 $0xFFFFF800  }
.LBB2_6:
0x61: {  	p1 =	sne.s32 s17, $0x1FC0;
	[tilespmem:s18+$0x1BA80] =	vst v1;
	s18 =	smov.u32 s17;
	s17 =	sadd.s32 $0x40, s17  }
.Ltmp2:
0x62: {  	(pc) =	sbr.rel @p1 .LBB2_6-.Ltmp2, $2  }
0x63: {  	_ =	sdelay $0x2  }
0x64: {  	s18 =	sshra.s32 s18, $0x2  }
0x65: {  	[tilespmem:s18+$0x1BA80] =	vst v1  }
0x66: {  	[bflag:$0x0] =	sbarrier.arrive $0xFFFF  }
0x67: {  	s17 =	simm.s32 $0x0;
	s21 =	rddreg [dreg:$0x6]  }
0x68: {  	[tilespmem:s17], [sflag:$0x1] =	stream.linear.gather [hbm4b:s21+s17], $0x80, $0x38;
	[tilespmem:$0x1E990] =	vst v63  }
0x69: {  	s22 =	rddreg [dreg:$0x7]  }
0x6a: {  	[tilespmem:s31], [sflag:$0x1] =	stream.linear.gather [hbm4b:s22+s17], $0x80, $0x38;
	[tilespmem:$0x1E990] =	vst v63  }
0x6b: {  	_ =	swait.ge [sflag:s1], $0x80  }
0x6c: {  	[sflag:s1] =	ssyncset.done $0x0  }
0x6d: {  	[sflag:s1] =	ssyncadd.s32 $0xFFFFFF80  }
0x6e: {  	_ =	swait.ge [sflag:s1], $0x80  }
0x6f: {  	[sflag:s1] =	ssyncset.done $0x0  }
0x70: {  	[sflag:s1] =	ssyncadd.s32 $0xFFFFFF80  }
0x71: {  	[tilespmem:s28], [sflag:$0x3] =	stream.indirect.gather [hbm4b:s5+s0], $0x80, s17, s0, $0xb8;
	[tilespmem:$0x1E990] =	vst v63  }
0x72: {  	s20 =	rddreg [dreg:$0x8]  }
0x73: {  	[tilespmem:s0], [sflag:$0x2] =	stream.linear.gather [hbm4b:s20+s17], $0x80, $0x38;
	[tilespmem:$0x1E990] =	vst v63  }
0x74: {  	s21 =	rddreg [dreg:$0x9]  }
0x75: {  	[tilespmem:s7], [sflag:$0x2] =	stream.linear.gather [hbm4b:s21+s17], $0x80, $0x38;
	[tilespmem:$0x1E990] =	vst v63  }
0x76: {  	_ =	swait.ge [sflag:s8], $0x80  }
0x77: {  	[sflag:s8] =	ssyncset.done $0x0  }
0x78: {  	[sflag:s8] =	ssyncadd.s32 $0xFFFFFF80  }
0x79: {  	_ =	swait.ge [sflag:s8], $0x80  }
0x7a: {  	[sflag:s8] =	ssyncset.done $0x0  }
0x7b: {  	[sflag:s8] =	ssyncadd.s32 $0xFFFFFF80  }
0x7c: {  	[tilespmem:s9], [sflag:$0x4] =	stream.indirect.gather [hbm4b:s5+s0], $0x80, s0, s0, $0xb8;
	[tilespmem:$0x1E990] =	vst v63  }
0x7d: {  	_ =	swait.ge [sflag:s10], $0x4000  }
0x7e: {  	[sflag:s10] =	ssyncset.done $0x0  }
0x7f: {  	[sflag:s10] =	ssyncadd.s32 $0xFFFFC000  }
0x80: {  	[spmem:s2] =	stream.indirect.scatter.add.f32 [tilespmem:s28], [sflag:$0x5], $0x80, s31, s0, $0xb8;
	[tilespmem:$0x1E990] =	vst v63  }
0x81: {  	_ = 	snop  }
0x82: {  	[spmem:s3] =	stream.indirect.scatter.add.f32 [tilespmem:s30], [sflag:$0x5], $0x10, s31, s0, $0xb8;
	[tilespmem:$0x1E990] =	vst v63  }
0x83: {  	_ =	swait.ge [sflag:s11], $0x4000  }
0x84: {  	[sflag:s11] =	ssyncset.done $0x0  }
0x85: {  	[sflag:s11] =	ssyncadd.s32 $0xFFFFC000  }
0x86: {  	_ =	swait.ge [sflag:s11], $0x800  }
0x87: {  	s17 =	sadd.s32 $0x0, s15;
	[sflag:s11] =	ssyncset.done $0x0  }
0x88: {  	s20 =	sadd.s32 $0x0, s14;
	s22 =	sadd.s32 $0x20, s17;
	[sflag:s11] =	ssyncadd.s32 $0xFFFFF800  }
0x89: {  	[tilespmem:s4], [sflag:$0x1] =	stream.linear.gather [hbm4b:s22+s4], $0x80, $0x38;
	[tilespmem:$0x1E990] =	vst v63  }
0x8a: {  	s21 =	sadd.s32 $0x20, s20  }
0x8b: {  	[tilespmem:s31], [sflag:$0x1] =	stream.linear.gather [hbm4b:s21+s4], $0x80, $0x38;
	[tilespmem:$0x1E990] =	vst v63  }
0x8c: {  	_ =	swait.ge [sflag:s1], $0x80  }
0x8d: {  	[sflag:s1] =	ssyncset.done $0x0  }
0x8e: {  	[sflag:s1] =	ssyncadd.s32 $0xFFFFFF80  }
0x8f: {  	_ =	swait.ge [sflag:s1], $0x80  }
0x90: {  	[sflag:s1] =	ssyncset.done $0x0  }
0x91: {  	[sflag:s1] =	ssyncadd.s32 $0xFFFFFF80  }
0x92: {  	[tilespmem:s28], [sflag:$0x3] =	stream.indirect.gather [hbm4b:s5+s0], $0x80, s4, s0, $0xb8;
	[tilespmem:$0x1E990] =	vst v63  }
0x93: {  	_ =	swait.ge [sflag:s12], $0x4000  }
0x94: {  	[sflag:s12] =	ssyncset.done $0x0  }
0x95: {  	[sflag:s12] =	ssyncadd.s32 $0xFFFFC000  }
0x96: {  	[spmem:s2] =	stream.indirect.scatter.add.f32 [tilespmem:s9], [sflag:$0x6], $0x80, s7, s0, $0xb8;
	[tilespmem:$0x1E990] =	vst v63  }
0x97: {  	_ = 	snop  }
0x98: {  	[spmem:s3] =	stream.indirect.scatter.add.f32 [tilespmem:s30], [sflag:$0x6], $0x10, s7, s0, $0xb8;
	[tilespmem:$0x1E990] =	vst v63  }
0x99: {  	_ =	swait.ge [sflag:s13], $0x4000  }
0x9a: {  	[sflag:s13] =	ssyncset.done $0x0  }
0x9b: {  	[sflag:s13] =	ssyncadd.s32 $0xFFFFC000  }
0x9c: {  	_ =	swait.ge [sflag:s13], $0x800  }
0x9d: {  	[sflag:s13] =	ssyncset.done $0x0  }
0x9e: {  	s17 =	sadd.s32 $0x30, s17;
	[sflag:s13] =	ssyncadd.s32 $0xFFFFF800  }
0x9f: {  	[tilespmem:s0], [sflag:$0x2] =	stream.linear.gather [hbm4b:s17+s4], $0x80, $0x38;
	[tilespmem:$0x1E990] =	vst v63  }
0xa0: {  	s22 =	sadd.s32 $0x30, s20  }
0xa1: {  	[tilespmem:s7], [sflag:$0x2] =	stream.linear.gather [hbm4b:s22+s4], $0x80, $0x38;
	[tilespmem:$0x1E990] =	vst v63  }
0xa2: {  	_ =	swait.ge [sflag:s8], $0x80  }
0xa3: {  	[sflag:s8] =	ssyncset.done $0x0  }
0xa4: {  	[sflag:s8] =	ssyncadd.s32 $0xFFFFFF80  }
0xa5: {  	_ =	swait.ge [sflag:s8], $0x80  }
0xa6: {  	[sflag:s8] =	ssyncset.done $0x0  }
0xa7: {  	[sflag:s8] =	ssyncadd.s32 $0xFFFFFF80  }
0xa8: {  	[tilespmem:s9], [sflag:$0x4] =	stream.indirect.gather [hbm4b:s5+s0], $0x80, s0, s0, $0xb8;
	[tilespmem:$0x1E990] =	vst v63  }
0xa9: {  	_ =	swait.ge [sflag:s10], $0x4000  }
0xaa: {  	[sflag:s10] =	ssyncset.done $0x0  }
0xab: {  	s17 =	simm.s32 $0x20;
	[sflag:s10] =	ssyncadd.s32 $0xFFFFC000  }
0xac: {  	[spmem:s2] =	stream.indirect.scatter.add.f32 [tilespmem:s28], [sflag:$0x5], $0x80, s31, s0, $0xb8;
	[tilespmem:$0x1E990] =	vst v63  }
.LBB2_8:
0xad: {  	[spmem:s3] =	stream.indirect.scatter.add.f32 [tilespmem:s30], [sflag:$0x5], $0x10, s31, s0, $0xb8;
	[tilespmem:$0x1E990] =	vst v63  }
0xae: {  	s18 =	smov.u32 s17  }
0xaf: {  	p1 =	sne.s32 s17, $0x4A0;
	s17 =	sadd.s32 $0x20, s17;
	_ =	swait.ge [sflag:s11], $0x4000  }
0xb0: {  	[sflag:s11] =	ssyncset.done $0x0  }
0xb1: {  	[sflag:s11] =	ssyncadd.s32 $0xFFFFC000  }
0xb2: {  	_ =	swait.ge [sflag:s11], $0x800  }
0xb3: {  	s20 =	sadd.s32 s18, s15;
	[sflag:s11] =	ssyncset.done $0x0  }
0xb4: {  	s18 =	sadd.s32 s18, s14;
	s21 =	sadd.s32 $0x20, s20;
	[sflag:s11] =	ssyncadd.s32 $0xFFFFF800  }
0xb5: {  	[tilespmem:s4], [sflag:$0x1] =	stream.linear.gather [hbm4b:s21+s4], $0x80, $0x38;
	[tilespmem:$0x1E990] =	vst v63  }
0xb6: {  	s21 =	sadd.s32 $0x20, s18  }
0xb7: {  	[tilespmem:s31], [sflag:$0x1] =	stream.linear.gather [hbm4b:s21+s4], $0x80, $0x38;
	[tilespmem:$0x1E990] =	vst v63  }
0xb8: {  	_ =	swait.ge [sflag:s1], $0x80  }
0xb9: {  	[sflag:s1] =	ssyncset.done $0x0  }
0xba: {  	[sflag:s1] =	ssyncadd.s32 $0xFFFFFF80  }
0xbb: {  	_ =	swait.ge [sflag:s1], $0x80  }
0xbc: {  	[sflag:s1] =	ssyncset.done $0x0  }
0xbd: {  	[sflag:s1] =	ssyncadd.s32 $0xFFFFFF80  }
0xbe: {  	[tilespmem:s28], [sflag:$0x3] =	stream.indirect.gather [hbm4b:s5+s0], $0x80, s4, s0, $0xb8;
	[tilespmem:$0x1E990] =	vst v63  }
0xbf: {  	_ =	swait.ge [sflag:s12], $0x4000  }
0xc0: {  	[sflag:s12] =	ssyncset.done $0x0  }
0xc1: {  	[sflag:s12] =	ssyncadd.s32 $0xFFFFC000  }
0xc2: {  	[spmem:s2] =	stream.indirect.scatter.add.f32 [tilespmem:s9], [sflag:$0x6], $0x80, s7, s0, $0xb8;
	[tilespmem:$0x1E990] =	vst v63  }
0xc3: {  	_ = 	snop  }
0xc4: {  	[spmem:s3] =	stream.indirect.scatter.add.f32 [tilespmem:s30], [sflag:$0x6], $0x10, s7, s0, $0xb8;
	[tilespmem:$0x1E990] =	vst v63  }
0xc5: {  	_ =	swait.ge [sflag:s13], $0x4000  }
0xc6: {  	[sflag:s13] =	ssyncset.done $0x0  }
0xc7: {  	[sflag:s13] =	ssyncadd.s32 $0xFFFFC000  }
0xc8: {  	_ =	swait.ge [sflag:s13], $0x800  }
0xc9: {  	[sflag:s13] =	ssyncset.done $0x0  }
0xca: {  	s20 =	sadd.s32 $0x30, s20;
	[sflag:s13] =	ssyncadd.s32 $0xFFFFF800  }
0xcb: {  	[tilespmem:s0], [sflag:$0x2] =	stream.linear.gather [hbm4b:s20+s4], $0x80, $0x38;
	[tilespmem:$0x1E990] =	vst v63  }
0xcc: {  	s18 =	sadd.s32 $0x30, s18  }
0xcd: {  	[tilespmem:s7], [sflag:$0x2] =	stream.linear.gather [hbm4b:s18+s4], $0x80, $0x38;
	[tilespmem:$0x1E990] =	vst v63  }
0xce: {  	_ =	swait.ge [sflag:s8], $0x80  }
0xcf: {  	[sflag:s8] =	ssyncset.done $0x0  }
0xd0: {  	[sflag:s8] =	ssyncadd.s32 $0xFFFFFF80  }
0xd1: {  	_ =	swait.ge [sflag:s8], $0x80  }
0xd2: {  	[sflag:s8] =	ssyncset.done $0x0  }
0xd3: {  	[sflag:s8] =	ssyncadd.s32 $0xFFFFFF80  }
0xd4: {  	[tilespmem:s9], [sflag:$0x4] =	stream.indirect.gather [hbm4b:s5+s0], $0x80, s0, s0, $0xb8;
	[tilespmem:$0x1E990] =	vst v63  }
.Ltmp3:
0xd5: {  	_ = 	snop;
	(pc) =	sbr.rel @p1 .LBB2_8-.Ltmp3, $4  }
0xd6: {  	_ =	swait.ge [sflag:s10], $0x4000  }
0xd7: {  	[sflag:s10] =	ssyncset.done $0x0  }
0xd8: {  	[sflag:s10] =	ssyncadd.s32 $0xFFFFC000  }
0xd9: {  	[spmem:s2] =	stream.indirect.scatter.add.f32 [tilespmem:s28], [sflag:$0x5], $0x80, s31, s0, $0xb8;
	[tilespmem:$0x1E990] =	vst v63  }
0xda: {  	[spmem:s3] =	stream.indirect.scatter.add.f32 [tilespmem:s30], [sflag:$0x5], $0x10, s31, s0, $0xb8;
	[tilespmem:$0x1E990] =	vst v63  }
0xdb: {  	_ =	swait.ge [sflag:s11], $0x4000  }
0xdc: {  	[sflag:s11] =	ssyncset.done $0x0  }
0xdd: {  	[sflag:s11] =	ssyncadd.s32 $0xFFFFC000  }
0xde: {  	_ =	swait.ge [sflag:s11], $0x800  }
0xdf: {  	[sflag:s11] =	ssyncset.done $0x0  }
0xe0: {  	[sflag:s11] =	ssyncadd.s32 $0xFFFFF800  }
0xe1: {  	_ =	swait.ge [sflag:s12], $0x4000  }
0xe2: {  	[sflag:s12] =	ssyncset.done $0x0  }
0xe3: {  	[sflag:s12] =	ssyncadd.s32 $0xFFFFC000  }
0xe4: {  	[spmem:s2] =	stream.indirect.scatter.add.f32 [tilespmem:s9], [sflag:$0x6], $0x80, s7, s0, $0xb8;
	[tilespmem:$0x1E990] =	vst v63  }
0xe5: {  	_ = 	snop  }
0xe6: {  	[spmem:s3] =	stream.indirect.scatter.add.f32 [tilespmem:s30], [sflag:$0x6], $0x10, s7, s0, $0xb8;
	[tilespmem:$0x1E990] =	vst v63  }
0xe7: {  	_ =	swait.ge [sflag:s13], $0x4000  }
0xe8: {  	[sflag:s13] =	ssyncset.done $0x0  }
0xe9: {  	[sflag:s13] =	ssyncadd.s32 $0xFFFFC000  }
0xea: {  	_ =	swait.ge [sflag:s13], $0x800  }
0xeb: {  	[sflag:s13] =	ssyncset.done $0x0  }
0xec: {  	s17 =	simm.s32 @!p0 $0x0;
	s18 =	rddreg [dreg:$0xa];
	[sflag:s13] =	ssyncadd.s32 $0xFFFFF800  }
0xed: {  	[tilespmem:s17], [sflag:$0x7] =	stream.linear.gather @!p0 [hbm4b:s18+s17], $0x80, $0x38;
	[tilespmem:$0x1E990] =	vst v63  }
0xee: {  	s18 =	simm.s32 @!p0 $0x7  }
0xef: {  	_ =	swait.ge @!p0 [sflag:s18], $0x80  }
0xf0: {  	[sflag:s18] =	ssyncset.done @!p0 $0x0  }
0xf1: {  	s20 =	simm.s32 @!p0 $0x100;
	s21 =	rddreg [dreg:$0xb];
	[sflag:s18] =	ssyncadd.s32 @!p0 $0xFFFFFF80  }
0xf2: {  	[tilespmem:s20], [sflag:$0x7] =	stream.linear.gather @!p0 [hbm4b:s21+s17], $0x80, $0x38;
	[tilespmem:$0x1E990] =	vst v63  }
0xf3: {  	_ =	swait.ge @!p0 [sflag:s18], $0x80  }
0xf4: {  	[sflag:s18] =	ssyncset.done @!p0 $0x0  }
0xf5: {  	s22 =	simm.s32 @!p0 $0x200;
	s21 =	simm.s32 @!p0 $0x80;
	[sflag:s18] =	ssyncadd.s32 @!p0 $0xFFFFFF80  }
0xf6: {  	[tilespmem:s22], [sflag:$0x3] =	stream.indirect.gather @!p0 [hbm4b:s5+s21], $0x80, s17, s21, $0xb8;
	[tilespmem:$0x1E990] =	vst v63  }
0xf7: {  	s17 =	simm.s32 @!p0 $0x3  }
0xf8: {  	_ =	swait.ge @!p0 [sflag:s17], $0x4000  }
0xf9: {  	[sflag:s17] =	ssyncset.done @!p0 $0x0  }
0xfa: {  	[sflag:s17] =	ssyncadd.s32 @!p0 $0xFFFFC000  }
0xfb: {  	[spmem:s2] =	stream.indirect.scatter.add.f32 @!p0 [tilespmem:s22], [sflag:$0x7], $0x80, s20, s21, $0xb8;
	[tilespmem:$0x1E990] =	vst v63  }
0xfc: {  	_ =	swait.ge @!p0 [sflag:s18], $0x4000  }
0xfd: {  	[sflag:s18] =	ssyncset.done @!p0 $0x0  }
0xfe: {  	s17 =	simm.s32 @!p0 $0x1BA80;
	[sflag:s18] =	ssyncadd.s32 @!p0 $0xFFFFC000  }
0xff: {  	[spmem:s3] =	stream.indirect.scatter.add.f32 @!p0 [tilespmem:s17], [sflag:$0x7], $0x10, s20, s21, $0xb8;
	[tilespmem:$0x1E990] =	vst v63  }
0x100: {  	_ =	swait.ge @!p0 [sflag:s18], $0x800  }
0x101: {  	s20 =	stileid.u32;
	[sflag:s18] =	ssyncset.done @!p0 $0x0  }
0x102: {  	s17 =	sshll.u32 s20, $0x6;
	[sflag:s18] =	ssyncadd.s32 @!p0 $0xFFFFF800  }
0x103: {  	s21 =	sshrl.u32 s6, $0x3;
	s17 =	sor.u32 $0x1C07, s17;
	[bflag:$0x0] =	sbarrier.arrive $0xFFFF  }
0x104: {  	[hbm:s24], [sflag:s17] =	dma.local [spmem:s21], $0x2800  }
0x105: {  	s16 =	sadd.s32 $0x1, s16;
	_ =	swait.ge [sflag:s29], $0x2800  }
0x106: {  	p1 =	sne.s32 s16, s26;
	[sflag:s29] =	ssyncset.done $0x0  }
.Ltmp4:
0x107: {  	s22 =	sshrl.u32 s19, $0x3;
	[sflag:s29] =	ssyncadd.s32 $0xFFFFD800;
	(pc) =	sbr.rel @p1 .LBB2_1-.Ltmp4, $4  }
0x108: {  	[hbm:s25], [sflag:s17] =	dma.local [spmem:s22], $0x500  }
0x109: {  	_ =	swait.ge [sflag:s29], $0x500  }
0x10a: {  	[sflag:s29] =	ssyncset.done $0x0  }
0x10b: {  	[sflag:s29] =	ssyncadd.s32 $0xFFFFFB00  }
0x10c: {  	_ =	sfence.sel $0x180000  }
0x10d: {  	[bflag:$0x0] =	sbarrier.arrive $0xFFFF  }
0x10e: {  	_ =	strace $0x90000047  }
0x10f: {  	s0 =	stileid.u32;
	[bflag:$0x2] =	sbarrier.arrive $0xFFFF  }
0x110: {  	p0 =	sne.s32 s0, $0x0;
	s0 =	rddreg [dreg:$0x4]  }
0x111: {  	s0 =	sadd.s32 @!p0 $0x100000, s0  }
0x112: {  	[sflag:s0] =	ssyncadd.tile.s32 @!p0 $0x1;
	_ =	shalt  }
.Lfunc_end2:
_tile_overlayer_lowered:
.L_overlay_start_2:
0x113: {  	(tag) =	ssettag $0x2  }
0x114: {  	s0 =	rddreg [dreg:$0x0];
	s2 =	stileid.u32  }
0x115: {  	s1 =	rddreg [dreg:$0x1];
	p0 =	sne.s32 s2, $0x0  }
0x116: {  	s3 =	rddreg [dreg:$0x2];
	[bflag:$0x3] =	sbarrier.arrive $0xFFFF;
	s2 =	simm.s32 @!p0 $0x1C07  }
0x117: {  	[timem:s3], [sflag:s2] =	dma.local @!p0 [hbm:s0], s1  }
0x118: {  	s0 =	simm.s32 @!p0 $0x7  }
0x119: {  	_ =	swait.ge @!p0 [sflag:s0], s1  }
0x11a: {  	s1 =	ssub.s32 @!p0 $0x0, s1;
	[sflag:s0] =	ssyncset.done @!p0 $0x0  }
0x11b: {  	[sflag:s0] =	ssyncadd.s32 @!p0 s1  }
0x11c: {  	[bflag:$0x3] =	sbarrier.arrive $0xFFFF  }
0x11d: {  	_ =	shalt  }

</sc_bundles>
